<compile_context>
chip_gen: v7x
topology: tpu7x:2x2x1
jax: 0.10.2.dev20260603
libtpu: 0.0.44.dev20260713+nightly
codegen_flags: <defaults>
</compile_context>

<pallas_src>
import functools
import math

import jax
import jax.numpy as jnp
from jax import lax
from jax.experimental import pallas as pl
from jax.experimental.pallas import tpu as pltpu
from jax.experimental.pallas import tpu_sc as plsc

D_MODEL = 64
SCALE = math.sqrt(D_MODEL)
NC, NS, L = 2, 16, 16
NW = NC * NS
RING = 4
HALF_OFF = (0, 128)
HALF_SZ = (128, 72)


def _sc_embed(x, table):
    n_seq, n_tok = x.shape
    rows_per_w = n_seq // NW
    nch = 2 * rows_per_w
    mesh = plsc.VectorSubcoreMesh(
        core_axis_name="c", subcore_axis_name="s", num_cores=NC, num_subcores=NS
    )

    @functools.partial(
        pl.kernel,
        out_type=jax.ShapeDtypeStruct((n_seq, n_tok, D_MODEL), jnp.float32),
        mesh=mesh,
        scratch_types=[
            pltpu.VMEM((rows_per_w, n_tok), jnp.int32),
            pltpu.VMEM((RING, HALF_SZ[0], D_MODEL), jnp.float32),
            pltpu.SemaphoreType.DMA((RING,)),
            pltpu.SemaphoreType.DMA((RING,)),
        ],
        compiler_params=pltpu.CompilerParams(use_tc_tiling_on_sc=False),
    )
    def k(x_hbm, tab_hbm, out_hbm, idx_v, rows_v, gsem, wsem):
        wid = lax.axis_index("s") * NC + lax.axis_index("c")
        xr0 = wid * rows_per_w

        pltpu.sync_copy(x_hbm.at[pl.ds(xr0, rows_per_w)], idx_v)

        def gather_pair(row, half, b):
            sz = HALF_SZ[half]
            idx = idx_v.at[row, pl.ds(HALF_OFF[half], sz)]
            return tab_hbm.at[idx], rows_v.at[b, pl.ds(0, sz)], gsem.at[b]

        def write_pair(row, half, b):
            sz = HALF_SZ[half]
            dst = out_hbm.at[xr0 + row, pl.ds(HALF_OFF[half], sz)]
            return rows_v.at[b, pl.ds(0, sz)], dst, wsem.at[b]

        def start_gather(row, half, b):
            src, dst, sem = gather_pair(row, half, b)
            pltpu.async_copy(src, dst, sem)

        def wait_gather(row, half, b):
            src, dst, sem = gather_pair(row, half, b)
            pltpu.make_async_copy(src, dst, sem).wait()

        def start_write(row, half, b):
            src, dst, sem = write_pair(row, half, b)
            pltpu.async_copy(src, dst, sem)

        def wait_write(row, half, b):
            src, dst, sem = write_pair(row, half, b)
            pltpu.make_async_copy(src, dst, sem).wait()

        start_gather(0, 0, 0)
        start_gather(0, 1, 1)
        start_gather(1, 0, 2)

        @pl.loop(0, rows_per_w // 2)
        def _grp(g):
            for kk in range(RING):
                row = 2 * g + (kk // 2)
                half = kk % 2
                wait_gather(row, half, kk)

                sz = HALF_SZ[half]
                buf = rows_v.at[kk]

                @pl.loop(0, sz, unroll=4)
                def _row(i):
                    for v in range(D_MODEL // L):
                        sl = pl.ds(v * L, L)
                        buf[i, sl] = buf[i, sl] * SCALE

                start_write(row, half, kk)

                kn = kk + 3
                row_n = 2 * g + (kn // 2)
                half_n = kn % 2
                bn = kn % RING
                jn = 4 * g + kn

                @pl.when(row_n < rows_per_w)
                def _():
                    @pl.when(jn >= RING)
                    def _():
                        wait_write(row_n - 2, half_n, bn)

                    start_gather(row_n, half_n, bn)

        for kk in range(RING):
            wait_write(rows_per_w - 2 + (kk // 2), kk % 2, kk)

    return k(x, table)


def kernel(x, table):
    return _sc_embed(x.astype(jnp.int32), table)

# --- scband reference (transcript-rebuilt; emitter-appended) ---
"""Pipeline reference for scband-inputs-embedding-11098195493321 (READ-ONLY COPY).

The authoritative reference and input builder live on the scoring server;
editing this copy changes nothing except your own understanding.
"""

import jax, jax.numpy as jnp
import numpy as np
import math

VOCAB = 1000000
D_MODEL = 64

def setup_inputs(seed: int = 0) -> dict:
    key = jax.random.key(seed)
    k1, k2 = jax.random.split(key)
    x = jax.random.randint(k1, (4096, 200), 0, VOCAB, dtype=jnp.int64 if jax.config.jax_enable_x64 else jnp.int32)
    table = jax.random.normal(k2, (VOCAB, D_MODEL), dtype=jnp.float32) * 0.02
    return {"x": x, "table": table}

def reference(x, table):
    # embedding lookup (gather) scaled by sqrt(d_model)
    emb = jnp.take(table, x, axis=0)
    return emb * math.sqrt(D_MODEL)

if __name__ == "__main__":
    import jax
    _d = setup_inputs()
    print(jax.jit(kernel)(*tuple(_d.values())))

</pallas_src>

<mosaic_0001>
#map = affine_map<(d0, d1) -> (0, 0)>
#map1 = affine_map<(d0, d1) -> (0, 0, 0)>
module attributes {stable_mosaic.version = 14 : i64} {
  func.func @k(%arg0: i32, %arg1: i32, %arg2: memref<4096x200xi32, #tpu.memory_space<hbm>>, %arg3: memref<1000000x64xf32, #tpu.memory_space<hbm>>, %arg4: memref<4096x200x64xf32, #tpu.memory_space<hbm>>, %arg5: memref<128x200xi32, #tpu.memory_space<vmem>>, %arg6: memref<4x128x64xf32, #tpu.memory_space<vmem>>, %arg7: memref<4x!tpu.dma_semaphore, #tpu.memory_space<semaphore_mem>>, %arg8: memref<4x!tpu.dma_semaphore, #tpu.memory_space<semaphore_mem>>) attributes {dimension_semantics = [#tpu.dimension_semantics<core_parallel>, #tpu.dimension_semantics<subcore_parallel>], iteration_bounds = array<i64: 2, 16>, scalar_prefetch = 0 : i64, scratch_operands = 4 : i64, tpu.core_type = #tpu.core_type<sc_vector_subcore>, window_params = [{transform_indices = #map}, {transform_indices = #map}, {transform_indices = #map1}]} {
    %mul3A = arith.constant 2 : i32
    %mul3A_0 = arith.muli %arg1, %mul3A : i32
    %add3A = arith.addi %mul3A_0, %arg0 : i32
    %mul3A_1 = arith.constant 128 : i32
    %mul3A_2 = arith.muli %add3A, %mul3A_1 : i32
    "tpu.region"() ({
      %run_scoped3A = tpu.sem_alloc : memref<!tpu.dma_semaphore, #tpu.memory_space<semaphore_mem>>
      %dma_start3A_138 = arith.constant 0 : i32
      %dma_start3A_139 = tpu.memref_slice %arg2[%mul3A_2, %dma_start3A_138] : memref<4096x200xi32, #tpu.memory_space<hbm>> -> memref<128x200xi32, #tpu.memory_space<hbm>>
      %dma_start3A_140 = arith.constant 0 : i32
      %dma_start3A_141 = tpu.memref_slice %arg2[%mul3A_2, %dma_start3A_140] : memref<4096x200xi32, #tpu.memory_space<hbm>> -> memref<128x200xi32, #tpu.memory_space<hbm>>
      tpu.enqueue_dma source(%dma_start3A_141 : memref<128x200xi32, #tpu.memory_space<hbm>>) target(%arg5 : memref<128x200xi32, #tpu.memory_space<vmem>>) target_semaphore(%run_scoped3A : memref<!tpu.dma_semaphore, #tpu.memory_space<semaphore_mem>>)
      %dma_wait3A_142 = arith.constant 0 : i32
      %dma_wait3A_143 = tpu.memref_slice %arg2[%mul3A_2, %dma_wait3A_142] : memref<4096x200xi32, #tpu.memory_space<hbm>> -> memref<128x200xi32, #tpu.memory_space<hbm>>
      %dma_wait3A_144 = arith.constant 0 : i32
      %dma_wait3A_145 = tpu.memref_slice %arg2[%mul3A_2, %dma_wait3A_144] : memref<4096x200xi32, #tpu.memory_space<hbm>> -> memref<128x200xi32, #tpu.memory_space<hbm>>
      tpu.wait_dma2 semaphore(%run_scoped3A : memref<!tpu.dma_semaphore, #tpu.memory_space<semaphore_mem>>) src(%dma_wait3A_145 : memref<128x200xi32, #tpu.memory_space<hbm>>) dst(%arg5 : memref<128x200xi32, #tpu.memory_space<vmem>>)
      tpu.yield
    }) : () -> ()
    %dma_start3A = arith.constant 0 : i32
    %dma_start3A_3 = arith.constant 0 : i32
    %dma_start3A_4 = arith.constant 0 : i32
    %dma_start3A_5 = arith.constant 0 : i32
    %dma_start3A_6 = arith.constant 0 : i32
    %dma_start3A_7 = tpu.memref_slice %arg6[%dma_start3A_3, %dma_start3A_5, %dma_start3A_6] : memref<4x128x64xf32, #tpu.memory_space<vmem>> -> memref<1x128x64xf32, #tpu.memory_space<vmem>>
    %dma_start3A_8 = tpu.memref_squeeze %dma_start3A_7 : memref<1x128x64xf32, #tpu.memory_space<vmem>> -> memref<128x64xf32, #tpu.memory_space<vmem>>
    %dma_start3A_9 = arith.constant 0 : i32
    %dma_start3A_10 = tpu.memref_slice %arg5[%dma_start3A, %dma_start3A_9] : memref<128x200xi32, #tpu.memory_space<vmem>> -> memref<1x128xi32, #tpu.memory_space<vmem>>
    %dma_start3A_11 = tpu.memref_squeeze %dma_start3A_10 : memref<1x128xi32, #tpu.memory_space<vmem>> -> memref<128xi32, #tpu.memory_space<vmem>>
    %dma_start3A_12 = arith.constant 0 : i32
    %dma_start3A_13 = arith.constant 0 : i32
    %dma_start3A_14 = tpu.memref_slice %arg3[%dma_start3A_12, %dma_start3A_13] : memref<1000000x64xf32, #tpu.memory_space<hbm>> -> memref<1000000x64xf32, #tpu.memory_space<hbm>>
    %dma_start3A_15 = tpu.memref_slice %arg7[%dma_start3A_4] : memref<4x!tpu.dma_semaphore, #tpu.memory_space<semaphore_mem>> -> memref<1x!tpu.dma_semaphore, #tpu.memory_space<semaphore_mem>>
    %dma_start3A_16 = tpu.memref_squeeze %dma_start3A_15 : memref<1x!tpu.dma_semaphore, #tpu.memory_space<semaphore_mem>> -> memref<!tpu.dma_semaphore, #tpu.memory_space<semaphore_mem>>
    tpu.enqueue_indirect_dma source(%dma_start3A_14 : memref<1000000x64xf32, #tpu.memory_space<hbm>>) target(%dma_start3A_8 : memref<128x64xf32, #tpu.memory_space<vmem>>) offsets(%dma_start3A_11 : memref<128xi32, #tpu.memory_space<vmem>>) semaphore(%dma_start3A_16 : memref<!tpu.dma_semaphore, #tpu.memory_space<semaphore_mem>>)
    %dma_start3A_17 = arith.constant 0 : i32
    %dma_start3A_18 = arith.constant 1 : i32
    %dma_start3A_19 = arith.constant 1 : i32
    %dma_start3A_20 = arith.constant 0 : i32
    %dma_start3A_21 = arith.constant 0 : i32
    %dma_start3A_22 = tpu.memref_slice %arg6[%dma_start3A_18, %dma_start3A_20, %dma_start3A_21] : memref<4x128x64xf32, #tpu.memory_space<vmem>> -> memref<1x72x64xf32, #tpu.memory_space<vmem>>
    %dma_start3A_23 = tpu.memref_squeeze %dma_start3A_22 : memref<1x72x64xf32, #tpu.memory_space<vmem>> -> memref<72x64xf32, #tpu.memory_space<vmem>>
    %dma_start3A_24 = arith.constant 128 : i32
    %dma_start3A_25 = tpu.memref_slice %arg5[%dma_start3A_17, %dma_start3A_24] : memref<128x200xi32, #tpu.memory_space<vmem>> -> memref<1x72xi32, #tpu.memory_space<vmem>>
    %dma_start3A_26 = tpu.memref_squeeze %dma_start3A_25 : memref<1x72xi32, #tpu.memory_space<vmem>> -> memref<72xi32, #tpu.memory_space<vmem>>
    %dma_start3A_27 = arith.constant 0 : i32
    %dma_start3A_28 = arith.constant 0 : i32
    %dma_start3A_29 = tpu.memref_slice %arg3[%dma_start3A_27, %dma_start3A_28] : memref<1000000x64xf32, #tpu.memory_space<hbm>> -> memref<1000000x64xf32, #tpu.memory_space<hbm>>
    %dma_start3A_30 = tpu.memref_slice %arg7[%dma_start3A_19] : memref<4x!tpu.dma_semaphore, #tpu.memory_space<semaphore_mem>> -> memref<1x!tpu.dma_semaphore, #tpu.memory_space<semaphore_mem>>
    %dma_start3A_31 = tpu.memref_squeeze %dma_start3A_30 : memref<1x!tpu.dma_semaphore, #tpu.memory_space<semaphore_mem>> -> memref<!tpu.dma_semaphore, #tpu.memory_space<semaphore_mem>>
    tpu.enqueue_indirect_dma source(%dma_start3A_29 : memref<1000000x64xf32, #tpu.memory_space<hbm>>) target(%dma_start3A_23 : memref<72x64xf32, #tpu.memory_space<vmem>>) offsets(%dma_start3A_26 : memref<72xi32, #tpu.memory_space<vmem>>) semaphore(%dma_start3A_31 : memref<!tpu.dma_semaphore, #tpu.memory_space<semaphore_mem>>)
    %dma_start3A_32 = arith.constant 1 : i32
    %dma_start3A_33 = arith.constant 2 : i32
    %dma_start3A_34 = arith.constant 2 : i32
    %dma_start3A_35 = arith.constant 0 : i32
    %dma_start3A_36 = arith.constant 0 : i32
    %dma_start3A_37 = tpu.memref_slice %arg6[%dma_start3A_33, %dma_start3A_35, %dma_start3A_36] : memref<4x128x64xf32, #tpu.memory_space<vmem>> -> memref<1x128x64xf32, #tpu.memory_space<vmem>>
    %dma_start3A_38 = tpu.memref_squeeze %dma_start3A_37 : memref<1x128x64xf32, #tpu.memory_space<vmem>> -> memref<128x64xf32, #tpu.memory_space<vmem>>
    %dma_start3A_39 = arith.constant 0 : i32
    %dma_start3A_40 = tpu.memref_slice %arg5[%dma_start3A_32, %dma_start3A_39] : memref<128x200xi32, #tpu.memory_space<vmem>> -> memref<1x128xi32, #tpu.memory_space<vmem>>
    %dma_start3A_41 = tpu.memref_squeeze %dma_start3A_40 : memref<1x128xi32, #tpu.memory_space<vmem>> -> memref<128xi32, #tpu.memory_space<vmem>>
    %dma_start3A_42 = arith.constant 0 : i32
    %dma_start3A_43 = arith.constant 0 : i32
    %dma_start3A_44 = tpu.memref_slice %arg3[%dma_start3A_42, %dma_start3A_43] : memref<1000000x64xf32, #tpu.memory_space<hbm>> -> memref<1000000x64xf32, #tpu.memory_space<hbm>>
    %dma_start3A_45 = tpu.memref_slice %arg7[%dma_start3A_34] : memref<4x!tpu.dma_semaphore, #tpu.memory_space<semaphore_mem>> -> memref<1x!tpu.dma_semaphore, #tpu.memory_space<semaphore_mem>>
    %dma_start3A_46 = tpu.memref_squeeze %dma_start3A_45 : memref<1x!tpu.dma_semaphore, #tpu.memory_space<semaphore_mem>> -> memref<!tpu.dma_semaphore, #tpu.memory_space<semaphore_mem>>
    tpu.enqueue_indirect_dma source(%dma_start3A_44 : memref<1000000x64xf32, #tpu.memory_space<hbm>>) target(%dma_start3A_38 : memref<128x64xf32, #tpu.memory_space<vmem>>) offsets(%dma_start3A_41 : memref<128xi32, #tpu.memory_space<vmem>>) semaphore(%dma_start3A_46 : memref<!tpu.dma_semaphore, #tpu.memory_space<semaphore_mem>>)
    %scan3A = arith.constant 0 : i32
    %scan3A_47 = arith.constant 64 : i32
    %scan3A_48 = arith.addi %scan3A, %scan3A_47 : i32
    %scan3A_49 = arith.constant 1 : i32
    scf.for %scan3A_138 = %scan3A to %scan3A_48 step %scan3A_49  : i32 {
      %mul3A_139 = arith.constant 1 : i32
      %mul3A_140 = arith.muli %scan3A_138, %mul3A_139 : i32
      %add3A_141 = arith.constant 0 : i32
      %add3A_142 = arith.addi %add3A_141, %mul3A_140 : i32
      %mul3A_143 = arith.constant 2 : i32
      %mul3A_144 = arith.muli %mul3A_143, %add3A_142 : i32
      %add3A_145 = arith.constant 0 : i32
      %add3A_146 = arith.addi %mul3A_144, %add3A_145 : i32
      %dma_wait3A_147 = arith.constant 0 : i32
      %dma_wait3A_148 = arith.constant 0 : i32
      %dma_wait3A_149 = arith.constant 0 : i32
      %dma_wait3A_150 = arith.constant 0 : i32
      %dma_wait3A_151 = tpu.memref_slice %arg6[%dma_wait3A_147, %dma_wait3A_149, %dma_wait3A_150] : memref<4x128x64xf32, #tpu.memory_space<vmem>> -> memref<1x128x64xf32, #tpu.memory_space<vmem>>
      %dma_wait3A_152 = tpu.memref_squeeze %dma_wait3A_151 : memref<1x128x64xf32, #tpu.memory_space<vmem>> -> memref<128x64xf32, #tpu.memory_space<vmem>>
      %dma_wait3A_153 = arith.constant 0 : i32
      %dma_wait3A_154 = tpu.memref_slice %arg5[%add3A_146, %dma_wait3A_153] : memref<128x200xi32, #tpu.memory_space<vmem>> -> memref<1x128xi32, #tpu.memory_space<vmem>>
      %dma_wait3A_155 = tpu.memref_squeeze %dma_wait3A_154 : memref<1x128xi32, #tpu.memory_space<vmem>> -> memref<128xi32, #tpu.memory_space<vmem>>
      %dma_wait3A_156 = arith.constant 0 : i32
      %dma_wait3A_157 = arith.constant 0 : i32
      %dma_wait3A_158 = tpu.memref_slice %arg3[%dma_wait3A_156, %dma_wait3A_157] : memref<1000000x64xf32, #tpu.memory_space<hbm>> -> memref<1000000x64xf32, #tpu.memory_space<hbm>>
      %dma_wait3A_159 = tpu.memref_slice %arg7[%dma_wait3A_148] : memref<4x!tpu.dma_semaphore, #tpu.memory_space<semaphore_mem>> -> memref<1x!tpu.dma_semaphore, #tpu.memory_space<semaphore_mem>>
      %dma_wait3A_160 = tpu.memref_squeeze %dma_wait3A_159 : memref<1x!tpu.dma_semaphore, #tpu.memory_space<semaphore_mem>> -> memref<!tpu.dma_semaphore, #tpu.memory_space<semaphore_mem>>
      tpu.wait_indirect_dma semaphore(%dma_wait3A_160 : memref<!tpu.dma_semaphore, #tpu.memory_space<semaphore_mem>>) src(%dma_wait3A_158 : memref<1000000x64xf32, #tpu.memory_space<hbm>>) dst(%dma_wait3A_152 : memref<128x64xf32, #tpu.memory_space<vmem>>)
      %scan3A_161 = arith.constant 0 : i32
      %scan3A_162 = arith.constant 0 : i32
      %scan3A_163 = arith.constant 128 : i32
      %scan3A_164 = arith.addi %scan3A_162, %scan3A_163 : i32
      %scan3A_165 = arith.constant 4 : i32
      scf.for %scan3A_372 = %scan3A_162 to %scan3A_164 step %scan3A_165  : i32 {
        %mul3A_373 = arith.constant 1 : i32
        %mul3A_374 = arith.muli %scan3A_372, %mul3A_373 : i32
        %add3A_375 = arith.constant 0 : i32
        %add3A_376 = arith.addi %add3A_375, %mul3A_374 : i32
        %get3A = arith.constant 0 : i32
        %get3A_377 = arith.constant 0 : i32
        %get3A_378 = tpu.memref_slice %arg6[%scan3A_161, %get3A, %get3A_377] : memref<4x128x64xf32, #tpu.memory_space<vmem>> -> memref<1x128x64xf32, #tpu.memory_space<vmem>>
        %get3A_379 = tpu.memref_squeeze %get3A_378 : memref<1x128x64xf32, #tpu.memory_space<vmem>> -> memref<128x64xf32, #tpu.memory_space<vmem>>
        %get3A_380 = arith.index_cast %add3A_376 : i32 to index
        %get3A_381 = arith.constant 0 : index
        %get3A_382 = tpu.vector_load %get3A_379[%get3A_380, %get3A_381] {strides = array<i32>} : memref<128x64xf32, #tpu.memory_space<vmem>>, vector<1x16xf32>,
        %get3A_383 = vector.shape_cast %get3A_382 : vector<1x16xf32> to vector<16xf32>
        %mul3A_384 = arith.constant 8.000000e+00 : f32
        %mul3A_385 = vector.broadcast %mul3A_384 : f32 to vector<16xf32>
        %mul3A_386 = arith.mulf %get3A_383, %mul3A_385 : vector<16xf32>
        %swap3A = arith.constant 0 : i32
        %swap3A_387 = arith.constant 0 : i32
        %swap3A_388 = tpu.memref_slice %arg6[%scan3A_161, %swap3A, %swap3A_387] : memref<4x128x64xf32, #tpu.memory_space<vmem>> -> memref<1x128x64xf32, #tpu.memory_space<vmem>>
        %swap3A_389 = tpu.memref_squeeze %swap3A_388 : memref<1x128x64xf32, #tpu.memory_space<vmem>> -> memref<128x64xf32, #tpu.memory_space<vmem>>
        %swap3A_390 = arith.index_cast %add3A_376 : i32 to index
        %swap3A_391 = arith.constant 0 : index
        %swap3A_392 = tpu.vector_load %swap3A_389[%swap3A_390, %swap3A_391] {strides = array<i32>} : memref<128x64xf32, #tpu.memory_space<vmem>>, vector<1x16xf32>,
        %swap3A_393 = vector.shape_cast %swap3A_392 : vector<1x16xf32> to vector<16xf32>
        %swap3A_394 = vector.shape_cast %mul3A_386 : vector<16xf32> to vector<1x16xf32>
        tpu.vector_store %swap3A_389[%swap3A_390, %swap3A_391], %swap3A_394 {strides = array<i32>} : memref<128x64xf32, #tpu.memory_space<vmem>>, vector<1x16xf32>,
        %get3A_395 = arith.constant 0 : i32
        %get3A_396 = arith.constant 0 : i32
        %get3A_397 = tpu.memref_slice %arg6[%scan3A_161, %get3A_395, %get3A_396] : memref<4x128x64xf32, #tpu.memory_space<vmem>> -> memref<1x128x64xf32, #tpu.memory_space<vmem>>
        %get3A_398 = tpu.memref_squeeze %get3A_397 : memref<1x128x64xf32, #tpu.memory_space<vmem>> -> memref<128x64xf32, #tpu.memory_space<vmem>>
        %get3A_399 = arith.index_cast %add3A_376 : i32 to index
        %get3A_400 = arith.constant 16 : index
        %get3A_401 = tpu.vector_load %get3A_398[%get3A_399, %get3A_400] {strides = array<i32>} : memref<128x64xf32, #tpu.memory_space<vmem>>, vector<1x16xf32>,
        %get3A_402 = vector.shape_cast %get3A_401 : vector<1x16xf32> to vector<16xf32>
        %mul3A_403 = arith.constant 8.000000e+00 : f32
        %mul3A_404 = vector.broadcast %mul3A_403 : f32 to vector<16xf32>
        %mul3A_405 = arith.mulf %get3A_402, %mul3A_404 : vector<16xf32>
        %swap3A_406 = arith.constant 0 : i32
        %swap3A_407 = arith.constant 0 : i32
        %swap3A_408 = tpu.memref_slice %arg6[%scan3A_161, %swap3A_406, %swap3A_407] : memref<4x128x64xf32, #tpu.memory_space<vmem>> -> memref<1x128x64xf32, #tpu.memory_space<vmem>>
        %swap3A_409 = tpu.memref_squeeze %swap3A_408 : memref<1x128x64xf32, #tpu.memory_space<vmem>> -> memref<128x64xf32, #tpu.memory_space<vmem>>
        %swap3A_410 = arith.index_cast %add3A_376 : i32 to index
        %swap3A_411 = arith.constant 16 : index
        %swap3A_412 = tpu.vector_load %swap3A_409[%swap3A_410, %swap3A_411] {strides = array<i32>} : memref<128x64xf32, #tpu.memory_space<vmem>>, vector<1x16xf32>,
        %swap3A_413 = vector.shape_cast %swap3A_412 : vector<1x16xf32> to vector<16xf32>
        %swap3A_414 = vector.shape_cast %mul3A_405 : vector<16xf32> to vector<1x16xf32>
        tpu.vector_store %swap3A_409[%swap3A_410, %swap3A_411], %swap3A_414 {strides = array<i32>} : memref<128x64xf32, #tpu.memory_space<vmem>>, vector<1x16xf32>,
        %get3A_415 = arith.constant 0 : i32
        %get3A_416 = arith.constant 0 : i32
        %get3A_417 = tpu.memref_slice %arg6[%scan3A_161, %get3A_415, %get3A_416] : memref<4x128x64xf32, #tpu.memory_space<vmem>> -> memref<1x128x64xf32, #tpu.memory_space<vmem>>
        %get3A_418 = tpu.memref_squeeze %get3A_417 : memref<1x128x64xf32, #tpu.memory_space<vmem>> -> memref<128x64xf32, #tpu.memory_space<vmem>>
        %get3A_419 = arith.index_cast %add3A_376 : i32 to index
        %get3A_420 = arith.constant 32 : index
        %get3A_421 = tpu.vector_load %get3A_418[%get3A_419, %get3A_420] {strides = array<i32>} : memref<128x64xf32, #tpu.memory_space<vmem>>, vector<1x16xf32>,
        %get3A_422 = vector.shape_cast %get3A_421 : vector<1x16xf32> to vector<16xf32>
        %mul3A_423 = arith.constant 8.000000e+00 : f32
        %mul3A_424 = vector.broadcast %mul3A_423 : f32 to vector<16xf32>
        %mul3A_425 = arith.mulf %get3A_422, %mul3A_424 : vector<16xf32>
        %swap3A_426 = arith.constant 0 : i32
        %swap3A_427 = arith.constant 0 : i32
        %swap3A_428 = tpu.memref_slice %arg6[%scan3A_161, %swap3A_426, %swap3A_427] : memref<4x128x64xf32, #tpu.memory_space<vmem>> -> memref<1x128x64xf32, #tpu.memory_space<vmem>>
        %swap3A_429 = tpu.memref_squeeze %swap3A_428 : memref<1x128x64xf32, #tpu.memory_space<vmem>> -> memref<128x64xf32, #tpu.memory_space<vmem>>
        %swap3A_430 = arith.index_cast %add3A_376 : i32 to index
        %swap3A_431 = arith.constant 32 : index
        %swap3A_432 = tpu.vector_load %swap3A_429[%swap3A_430, %swap3A_431] {strides = array<i32>} : memref<128x64xf32, #tpu.memory_space<vmem>>, vector<1x16xf32>,
        %swap3A_433 = vector.shape_cast %swap3A_432 : vector<1x16xf32> to vector<16xf32>
        %swap3A_434 = vector.shape_cast %mul3A_425 : vector<16xf32> to vector<1x16xf32>
        tpu.vector_store %swap3A_429[%swap3A_430, %swap3A_431], %swap3A_434 {strides = array<i32>} : memref<128x64xf32, #tpu.memory_space<vmem>>, vector<1x16xf32>,
        %get3A_435 = arith.constant 0 : i32
        %get3A_436 = arith.constant 0 : i32
        %get3A_437 = tpu.memref_slice %arg6[%scan3A_161, %get3A_435, %get3A_436] : memref<4x128x64xf32, #tpu.memory_space<vmem>> -> memref<1x128x64xf32, #tpu.memory_space<vmem>>
        %get3A_438 = tpu.memref_squeeze %get3A_437 : memref<1x128x64xf32, #tpu.memory_space<vmem>> -> memref<128x64xf32, #tpu.memory_space<vmem>>
        %get3A_439 = arith.index_cast %add3A_376 : i32 to index
        %get3A_440 = arith.constant 48 : index
        %get3A_441 = tpu.vector_load %get3A_438[%get3A_439, %get3A_440] {strides = array<i32>} : memref<128x64xf32, #tpu.memory_space<vmem>>, vector<1x16xf32>,
        %get3A_442 = vector.shape_cast %get3A_441 : vector<1x16xf32> to vector<16xf32>
        %mul3A_443 = arith.constant 8.000000e+00 : f32
        %mul3A_444 = vector.broadcast %mul3A_443 : f32 to vector<16xf32>
        %mul3A_445 = arith.mulf %get3A_442, %mul3A_444 : vector<16xf32>
        %swap3A_446 = arith.constant 0 : i32
        %swap3A_447 = arith.constant 0 : i32
        %swap3A_448 = tpu.memref_slice %arg6[%scan3A_161, %swap3A_446, %swap3A_447] : memref<4x128x64xf32, #tpu.memory_space<vmem>> -> memref<1x128x64xf32, #tpu.memory_space<vmem>>
        %swap3A_449 = tpu.memref_squeeze %swap3A_448 : memref<1x128x64xf32, #tpu.memory_space<vmem>> -> memref<128x64xf32, #tpu.memory_space<vmem>>
        %swap3A_450 = arith.index_cast %add3A_376 : i32 to index
        %swap3A_451 = arith.constant 48 : index
        %swap3A_452 = tpu.vector_load %swap3A_449[%swap3A_450, %swap3A_451] {strides = array<i32>} : memref<128x64xf32, #tpu.memory_space<vmem>>, vector<1x16xf32>,
        %swap3A_453 = vector.shape_cast %swap3A_452 : vector<1x16xf32> to vector<16xf32>
        %swap3A_454 = vector.shape_cast %mul3A_445 : vector<16xf32> to vector<1x16xf32>
        tpu.vector_store %swap3A_449[%swap3A_450, %swap3A_451], %swap3A_454 {strides = array<i32>} : memref<128x64xf32, #tpu.memory_space<vmem>>, vector<1x16xf32>,
        %scan3A_455 = arith.constant 1 : i32
        %scan3A_456 = arith.addi %scan3A_372, %scan3A_455 : i32
        %mul3A_457 = arith.constant 1 : i32
        %mul3A_458 = arith.muli %scan3A_456, %mul3A_457 : i32
        %add3A_459 = arith.constant 0 : i32
        %add3A_460 = arith.addi %add3A_459, %mul3A_458 : i32
        %get3A_461 = arith.constant 0 : i32
        %get3A_462 = arith.constant 0 : i32
        %get3A_463 = tpu.memref_slice %arg6[%scan3A_161, %get3A_461, %get3A_462] : memref<4x128x64xf32, #tpu.memory_space<vmem>> -> memref<1x128x64xf32, #tpu.memory_space<vmem>>
        %get3A_464 = tpu.memref_squeeze %get3A_463 : memref<1x128x64xf32, #tpu.memory_space<vmem>> -> memref<128x64xf32, #tpu.memory_space<vmem>>
        %get3A_465 = arith.index_cast %add3A_460 : i32 to index
        %get3A_466 = arith.constant 0 : index
        %get3A_467 = tpu.vector_load %get3A_464[%get3A_465, %get3A_466] {strides = array<i32>} : memref<128x64xf32, #tpu.memory_space<vmem>>, vector<1x16xf32>,
        %get3A_468 = vector.shape_cast %get3A_467 : vector<1x16xf32> to vector<16xf32>
        %mul3A_469 = arith.constant 8.000000e+00 : f32
        %mul3A_470 = vector.broadcast %mul3A_469 : f32 to vector<16xf32>
        %mul3A_471 = arith.mulf %get3A_468, %mul3A_470 : vector<16xf32>
        %swap3A_472 = arith.constant 0 : i32
        %swap3A_473 = arith.constant 0 : i32
        %swap3A_474 = tpu.memref_slice %arg6[%scan3A_161, %swap3A_472, %swap3A_473] : memref<4x128x64xf32, #tpu.memory_space<vmem>> -> memref<1x128x64xf32, #tpu.memory_space<vmem>>
        %swap3A_475 = tpu.memref_squeeze %swap3A_474 : memref<1x128x64xf32, #tpu.memory_space<vmem>> -> memref<128x64xf32, #tpu.memory_space<vmem>>
        %swap3A_476 = arith.index_cast %add3A_460 : i32 to index
        %swap3A_477 = arith.constant 0 : index
        %swap3A_478 = tpu.vector_load %swap3A_475[%swap3A_476, %swap3A_477] {strides = array<i32>} : memref<128x64xf32, #tpu.memory_space<vmem>>, vector<1x16xf32>,
        %swap3A_479 = vector.shape_cast %swap3A_478 : vector<1x16xf32> to vector<16xf32>
        %swap3A_480 = vector.shape_cast %mul3A_471 : vector<16xf32> to vector<1x16xf32>
        tpu.vector_store %swap3A_475[%swap3A_476, %swap3A_477], %swap3A_480 {strides = array<i32>} : memref<128x64xf32, #tpu.memory_space<vmem>>, vector<1x16xf32>,
        %get3A_481 = arith.constant 0 : i32
        %get3A_482 = arith.constant 0 : i32
        %get3A_483 = tpu.memref_slice %arg6[%scan3A_161, %get3A_481, %get3A_482] : memref<4x128x64xf32, #tpu.memory_space<vmem>> -> memref<1x128x64xf32, #tpu.memory_space<vmem>>
        %get3A_484 = tpu.memref_squeeze %get3A_483 : memref<1x128x64xf32, #tpu.memory_space<vmem>> -> memref<128x64xf32, #tpu.memory_space<vmem>>
        %get3A_485 = arith.index_cast %add3A_460 : i32 to index
        %get3A_486 = arith.constant 16 : index
        %get3A_487 = tpu.vector_load %get3A_484[%get3A_485, %get3A_486] {strides = array<i32>} : memref<128x64xf32, #tpu.memory_space<vmem>>, vector<1x16xf32>,
        %get3A_488 = vector.shape_cast %get3A_487 : vector<1x16xf32> to vector<16xf32>
        %mul3A_489 = arith.constant 8.000000e+00 : f32
        %mul3A_490 = vector.broadcast %mul3A_489 : f32 to vector<16xf32>
        %mul3A_491 = arith.mulf %get3A_488, %mul3A_490 : vector<16xf32>
        %swap3A_492 = arith.constant 0 : i32
        %swap3A_493 = arith.constant 0 : i32
        %swap3A_494 = tpu.memref_slice %arg6[%scan3A_161, %swap3A_492, %swap3A_493] : memref<4x128x64xf32, #tpu.memory_space<vmem>> -> memref<1x128x64xf32, #tpu.memory_space<vmem>>
        %swap3A_495 = tpu.memref_squeeze %swap3A_494 : memref<1x128x64xf32, #tpu.memory_space<vmem>> -> memref<128x64xf32, #tpu.memory_space<vmem>>
        %swap3A_496 = arith.index_cast %add3A_460 : i32 to index
        %swap3A_497 = arith.constant 16 : index
        %swap3A_498 = tpu.vector_load %swap3A_495[%swap3A_496, %swap3A_497] {strides = array<i32>} : memref<128x64xf32, #tpu.memory_space<vmem>>, vector<1x16xf32>,
        %swap3A_499 = vector.shape_cast %swap3A_498 : vector<1x16xf32> to vector<16xf32>
        %swap3A_500 = vector.shape_cast %mul3A_491 : vector<16xf32> to vector<1x16xf32>
        tpu.vector_store %swap3A_495[%swap3A_496, %swap3A_497], %swap3A_500 {strides = array<i32>} : memref<128x64xf32, #tpu.memory_space<vmem>>, vector<1x16xf32>,
        %get3A_501 = arith.constant 0 : i32
        %get3A_502 = arith.constant 0 : i32
        %get3A_503 = tpu.memref_slice %arg6[%scan3A_161, %get3A_501, %get3A_502] : memref<4x128x64xf32, #tpu.memory_space<vmem>> -> memref<1x128x64xf32, #tpu.memory_space<vmem>>
        %get3A_504 = tpu.memref_squeeze %get3A_503 : memref<1x128x64xf32, #tpu.memory_space<vmem>> -> memref<128x64xf32, #tpu.memory_space<vmem>>
        %get3A_505 = arith.index_cast %add3A_460 : i32 to index
        %get3A_506 = arith.constant 32 : index
        %get3A_507 = tpu.vector_load %get3A_504[%get3A_505, %get3A_506] {strides = array<i32>} : memref<128x64xf32, #tpu.memory_space<vmem>>, vector<1x16xf32>,
        %get3A_508 = vector.shape_cast %get3A_507 : vector<1x16xf32> to vector<16xf32>
        %mul3A_509 = arith.constant 8.000000e+00 : f32
        %mul3A_510 = vector.broadcast %mul3A_509 : f32 to vector<16xf32>
        %mul3A_511 = arith.mulf %get3A_508, %mul3A_510 : vector<16xf32>
        %swap3A_512 = arith.constant 0 : i32
        %swap3A_513 = arith.constant 0 : i32
        %swap3A_514 = tpu.memref_slice %arg6[%scan3A_161, %swap3A_512, %swap3A_513] : memref<4x128x64xf32, #tpu.memory_space<vmem>> -> memref<1x128x64xf32, #tpu.memory_space<vmem>>
        %swap3A_515 = tpu.memref_squeeze %swap3A_514 : memref<1x128x64xf32, #tpu.memory_space<vmem>> -> memref<128x64xf32, #tpu.memory_space<vmem>>
        %swap3A_516 = arith.index_cast %add3A_460 : i32 to index
        %swap3A_517 = arith.constant 32 : index
        %swap3A_518 = tpu.vector_load %swap3A_515[%swap3A_516, %swap3A_517] {strides = array<i32>} : memref<128x64xf32, #tpu.memory_space<vmem>>, vector<1x16xf32>,
        %swap3A_519 = vector.shape_cast %swap3A_518 : vector<1x16xf32> to vector<16xf32>
        %swap3A_520 = vector.shape_cast %mul3A_511 : vector<16xf32> to vector<1x16xf32>
        tpu.vector_store %swap3A_515[%swap3A_516, %swap3A_517], %swap3A_520 {strides = array<i32>} : memref<128x64xf32, #tpu.memory_space<vmem>>, vector<1x16xf32>,
        %get3A_521 = arith.constant 0 : i32
        %get3A_522 = arith.constant 0 : i32
        %get3A_523 = tpu.memref_slice %arg6[%scan3A_161, %get3A_521, %get3A_522] : memref<4x128x64xf32, #tpu.memory_space<vmem>> -> memref<1x128x64xf32, #tpu.memory_space<vmem>>
        %get3A_524 = tpu.memref_squeeze %get3A_523 : memref<1x128x64xf32, #tpu.memory_space<vmem>> -> memref<128x64xf32, #tpu.memory_space<vmem>>
        %get3A_525 = arith.index_cast %add3A_460 : i32 to index
        %get3A_526 = arith.constant 48 : index
        %get3A_527 = tpu.vector_load %get3A_524[%get3A_525, %get3A_526] {strides = array<i32>} : memref<128x64xf32, #tpu.memory_space<vmem>>, vector<1x16xf32>,
        %get3A_528 = vector.shape_cast %get3A_527 : vector<1x16xf32> to vector<16xf32>
        %mul3A_529 = arith.constant 8.000000e+00 : f32
        %mul3A_530 = vector.broadcast %mul3A_529 : f32 to vector<16xf32>
        %mul3A_531 = arith.mulf %get3A_528, %mul3A_530 : vector<16xf32>
        %swap3A_532 = arith.constant 0 : i32
        %swap3A_533 = arith.constant 0 : i32
        %swap3A_534 = tpu.memref_slice %arg6[%scan3A_161, %swap3A_532, %swap3A_533] : memref<4x128x64xf32, #tpu.memory_space<vmem>> -> memref<1x128x64xf32, #tpu.memory_space<vmem>>
        %swap3A_535 = tpu.memref_squeeze %swap3A_534 : memref<1x128x64xf32, #tpu.memory_space<vmem>> -> memref<128x64xf32, #tpu.memory_space<vmem>>
        %swap3A_536 = arith.index_cast %add3A_460 : i32 to index
        %swap3A_537 = arith.constant 48 : index
        %swap3A_538 = tpu.vector_load %swap3A_535[%swap3A_536, %swap3A_537] {strides = array<i32>} : memref<128x64xf32, #tpu.memory_space<vmem>>, vector<1x16xf32>,
        %swap3A_539 = vector.shape_cast %swap3A_538 : vector<1x16xf32> to vector<16xf32>
        %swap3A_540 = vector.shape_cast %mul3A_531 : vector<16xf32> to vector<1x16xf32>
        tpu.vector_store %swap3A_535[%swap3A_536, %swap3A_537], %swap3A_540 {strides = array<i32>} : memref<128x64xf32, #tpu.memory_space<vmem>>, vector<1x16xf32>,
        %scan3A_541 = arith.constant 2 : i32
        %scan3A_542 = arith.addi %scan3A_372, %scan3A_541 : i32
        %mul3A_543 = arith.constant 1 : i32
        %mul3A_544 = arith.muli %scan3A_542, %mul3A_543 : i32
        %add3A_545 = arith.constant 0 : i32
        %add3A_546 = arith.addi %add3A_545, %mul3A_544 : i32
        %get3A_547 = arith.constant 0 : i32
        %get3A_548 = arith.constant 0 : i32
        %get3A_549 = tpu.memref_slice %arg6[%scan3A_161, %get3A_547, %get3A_548] : memref<4x128x64xf32, #tpu.memory_space<vmem>> -> memref<1x128x64xf32, #tpu.memory_space<vmem>>
        %get3A_550 = tpu.memref_squeeze %get3A_549 : memref<1x128x64xf32, #tpu.memory_space<vmem>> -> memref<128x64xf32, #tpu.memory_space<vmem>>
        %get3A_551 = arith.index_cast %add3A_546 : i32 to index
        %get3A_552 = arith.constant 0 : index
        %get3A_553 = tpu.vector_load %get3A_550[%get3A_551, %get3A_552] {strides = array<i32>} : memref<128x64xf32, #tpu.memory_space<vmem>>, vector<1x16xf32>,
        %get3A_554 = vector.shape_cast %get3A_553 : vector<1x16xf32> to vector<16xf32>
        %mul3A_555 = arith.constant 8.000000e+00 : f32
        %mul3A_556 = vector.broadcast %mul3A_555 : f32 to vector<16xf32>
        %mul3A_557 = arith.mulf %get3A_554, %mul3A_556 : vector<16xf32>
        %swap3A_558 = arith.constant 0 : i32
        %swap3A_559 = arith.constant 0 : i32
        %swap3A_560 = tpu.memref_slice %arg6[%scan3A_161, %swap3A_558, %swap3A_559] : memref<4x128x64xf32, #tpu.memory_space<vmem>> -> memref<1x128x64xf32, #tpu.memory_space<vmem>>
        %swap3A_561 = tpu.memref_squeeze %swap3A_560 : memref<1x128x64xf32, #tpu.memory_space<vmem>> -> memref<128x64xf32, #tpu.memory_space<vmem>>
        %swap3A_562 = arith.index_cast %add3A_546 : i32 to index
        %swap3A_563 = arith.constant 0 : index
        %swap3A_564 = tpu.vector_load %swap3A_561[%swap3A_562, %swap3A_563] {strides = array<i32>} : memref<128x64xf32, #tpu.memory_space<vmem>>, vector<1x16xf32>,
        %swap3A_565 = vector.shape_cast %swap3A_564 : vector<1x16xf32> to vector<16xf32>
        %swap3A_566 = vector.shape_cast %mul3A_557 : vector<16xf32> to vector<1x16xf32>
        tpu.vector_store %swap3A_561[%swap3A_562, %swap3A_563], %swap3A_566 {strides = array<i32>} : memref<128x64xf32, #tpu.memory_space<vmem>>, vector<1x16xf32>,
        %get3A_567 = arith.constant 0 : i32
        %get3A_568 = arith.constant 0 : i32
        %get3A_569 = tpu.memref_slice %arg6[%scan3A_161, %get3A_567, %get3A_568] : memref<4x128x64xf32, #tpu.memory_space<vmem>> -> memref<1x128x64xf32, #tpu.memory_space<vmem>>
        %get3A_570 = tpu.memref_squeeze %get3A_569 : memref<1x128x64xf32, #tpu.memory_space<vmem>> -> memref<128x64xf32, #tpu.memory_space<vmem>>
        %get3A_571 = arith.index_cast %add3A_546 : i32 to index
        %get3A_572 = arith.constant 16 : index
        %get3A_573 = tpu.vector_load %get3A_570[%get3A_571, %get3A_572] {strides = array<i32>} : memref<128x64xf32, #tpu.memory_space<vmem>>, vector<1x16xf32>,
        %get3A_574 = vector.shape_cast %get3A_573 : vector<1x16xf32> to vector<16xf32>
        %mul3A_575 = arith.constant 8.000000e+00 : f32
        %mul3A_576 = vector.broadcast %mul3A_575 : f32 to vector<16xf32>
        %mul3A_577 = arith.mulf %get3A_574, %mul3A_576 : vector<16xf32>
        %swap3A_578 = arith.constant 0 : i32
        %swap3A_579 = arith.constant 0 : i32
        %swap3A_580 = tpu.memref_slice %arg6[%scan3A_161, %swap3A_578, %swap3A_579] : memref<4x128x64xf32, #tpu.memory_space<vmem>> -> memref<1x128x64xf32, #tpu.memory_space<vmem>>
        %swap3A_581 = tpu.memref_squeeze %swap3A_580 : memref<1x128x64xf32, #tpu.memory_space<vmem>> -> memref<128x64xf32, #tpu.memory_space<vmem>>
        %swap3A_582 = arith.index_cast %add3A_546 : i32 to index
        %swap3A_583 = arith.constant 16 : index
        %swap3A_584 = tpu.vector_load %swap3A_581[%swap3A_582, %swap3A_583] {strides = array<i32>} : memref<128x64xf32, #tpu.memory_space<vmem>>, vector<1x16xf32>,
        %swap3A_585 = vector.shape_cast %swap3A_584 : vector<1x16xf32> to vector<16xf32>
        %swap3A_586 = vector.shape_cast %mul3A_577 : vector<16xf32> to vector<1x16xf32>
        tpu.vector_store %swap3A_581[%swap3A_582, %swap3A_583], %swap3A_586 {strides = array<i32>} : memref<128x64xf32, #tpu.memory_space<vmem>>, vector<1x16xf32>,
        %get3A_587 = arith.constant 0 : i32
        %get3A_588 = arith.constant 0 : i32
        %get3A_589 = tpu.memref_slice %arg6[%scan3A_161, %get3A_587, %get3A_588] : memref<4x128x64xf32, #tpu.memory_space<vmem>> -> memref<1x128x64xf32, #tpu.memory_space<vmem>>
        %get3A_590 = tpu.memref_squeeze %get3A_589 : memref<1x128x64xf32, #tpu.memory_space<vmem>> -> memref<128x64xf32, #tpu.memory_space<vmem>>
        %get3A_591 = arith.index_cast %add3A_546 : i32 to index
        %get3A_592 = arith.constant 32 : index
        %get3A_593 = tpu.vector_load %get3A_590[%get3A_591, %get3A_592] {strides = array<i32>} : memref<128x64xf32, #tpu.memory_space<vmem>>, vector<1x16xf32>,
        %get3A_594 = vector.shape_cast %get3A_593 : vector<1x16xf32> to vector<16xf32>
        %mul3A_595 = arith.constant 8.000000e+00 : f32
        %mul3A_596 = vector.broadcast %mul3A_595 : f32 to vector<16xf32>
        %mul3A_597 = arith.mulf %get3A_594, %mul3A_596 : vector<16xf32>
        %swap3A_598 = arith.constant 0 : i32
        %swap3A_599 = arith.constant 0 : i32
        %swap3A_600 = tpu.memref_slice %arg6[%scan3A_161, %swap3A_598, %swap3A_599] : memref<4x128x64xf32, #tpu.memory_space<vmem>> -> memref<1x128x64xf32, #tpu.memory_space<vmem>>
        %swap3A_601 = tpu.memref_squeeze %swap3A_600 : memref<1x128x64xf32, #tpu.memory_space<vmem>> -> memref<128x64xf32, #tpu.memory_space<vmem>>
        %swap3A_602 = arith.index_cast %add3A_546 : i32 to index
        %swap3A_603 = arith.constant 32 : index
        %swap3A_604 = tpu.vector_load %swap3A_601[%swap3A_602, %swap3A_603] {strides = array<i32>} : memref<128x64xf32, #tpu.memory_space<vmem>>, vector<1x16xf32>,
        %swap3A_605 = vector.shape_cast %swap3A_604 : vector<1x16xf32> to vector<16xf32>
        %swap3A_606 = vector.shape_cast %mul3A_597 : vector<16xf32> to vector<1x16xf32>
        tpu.vector_store %swap3A_601[%swap3A_602, %swap3A_603], %swap3A_606 {strides = array<i32>} : memref<128x64xf32, #tpu.memory_space<vmem>>, vector<1x16xf32>,
        %get3A_607 = arith.constant 0 : i32
        %get3A_608 = arith.constant 0 : i32
        %get3A_609 = tpu.memref_slice %arg6[%scan3A_161, %get3A_607, %get3A_608] : memref<4x128x64xf32, #tpu.memory_space<vmem>> -> memref<1x128x64xf32, #tpu.memory_space<vmem>>
        %get3A_610 = tpu.memref_squeeze %get3A_609 : memref<1x128x64xf32, #tpu.memory_space<vmem>> -> memref<128x64xf32, #tpu.memory_space<vmem>>
        %get3A_611 = arith.index_cast %add3A_546 : i32 to index
        %get3A_612 = arith.constant 48 : index
        %get3A_613 = tpu.vector_load %get3A_610[%get3A_611, %get3A_612] {strides = array<i32>} : memref<128x64xf32, #tpu.memory_space<vmem>>, vector<1x16xf32>,
        %get3A_614 = vector.shape_cast %get3A_613 : vector<1x16xf32> to vector<16xf32>
        %mul3A_615 = arith.constant 8.000000e+00 : f32
        %mul3A_616 = vector.broadcast %mul3A_615 : f32 to vector<16xf32>
        %mul3A_617 = arith.mulf %get3A_614, %mul3A_616 : vector<16xf32>
        %swap3A_618 = arith.constant 0 : i32
        %swap3A_619 = arith.constant 0 : i32
        %swap3A_620 = tpu.memref_slice %arg6[%scan3A_161, %swap3A_618, %swap3A_619] : memref<4x128x64xf32, #tpu.memory_space<vmem>> -> memref<1x128x64xf32, #tpu.memory_space<vmem>>
        %swap3A_621 = tpu.memref_squeeze %swap3A_620 : memref<1x128x64xf32, #tpu.memory_space<vmem>> -> memref<128x64xf32, #tpu.memory_space<vmem>>
        %swap3A_622 = arith.index_cast %add3A_546 : i32 to index
        %swap3A_623 = arith.constant 48 : index
        %swap3A_624 = tpu.vector_load %swap3A_621[%swap3A_622, %swap3A_623] {strides = array<i32>} : memref<128x64xf32, #tpu.memory_space<vmem>>, vector<1x16xf32>,
        %swap3A_625 = vector.shape_cast %swap3A_624 : vector<1x16xf32> to vector<16xf32>
        %swap3A_626 = vector.shape_cast %mul3A_617 : vector<16xf32> to vector<1x16xf32>
        tpu.vector_store %swap3A_621[%swap3A_622, %swap3A_623], %swap3A_626 {strides = array<i32>} : memref<128x64xf32, #tpu.memory_space<vmem>>, vector<1x16xf32>,
        %scan3A_627 = arith.constant 3 : i32
        %scan3A_628 = arith.addi %scan3A_372, %scan3A_627 : i32
        %mul3A_629 = arith.constant 1 : i32
        %mul3A_630 = arith.muli %scan3A_628, %mul3A_629 : i32
        %add3A_631 = arith.constant 0 : i32
        %add3A_632 = arith.addi %add3A_631, %mul3A_630 : i32
        %get3A_633 = arith.constant 0 : i32
        %get3A_634 = arith.constant 0 : i32
        %get3A_635 = tpu.memref_slice %arg6[%scan3A_161, %get3A_633, %get3A_634] : memref<4x128x64xf32, #tpu.memory_space<vmem>> -> memref<1x128x64xf32, #tpu.memory_space<vmem>>
        %get3A_636 = tpu.memref_squeeze %get3A_635 : memref<1x128x64xf32, #tpu.memory_space<vmem>> -> memref<128x64xf32, #tpu.memory_space<vmem>>
        %get3A_637 = arith.index_cast %add3A_632 : i32 to index
        %get3A_638 = arith.constant 0 : index
        %get3A_639 = tpu.vector_load %get3A_636[%get3A_637, %get3A_638] {strides = array<i32>} : memref<128x64xf32, #tpu.memory_space<vmem>>, vector<1x16xf32>,
        %get3A_640 = vector.shape_cast %get3A_639 : vector<1x16xf32> to vector<16xf32>
        %mul3A_641 = arith.constant 8.000000e+00 : f32
        %mul3A_642 = vector.broadcast %mul3A_641 : f32 to vector<16xf32>
        %mul3A_643 = arith.mulf %get3A_640, %mul3A_642 : vector<16xf32>
        %swap3A_644 = arith.constant 0 : i32
        %swap3A_645 = arith.constant 0 : i32
        %swap3A_646 = tpu.memref_slice %arg6[%scan3A_161, %swap3A_644, %swap3A_645] : memref<4x128x64xf32, #tpu.memory_space<vmem>> -> memref<1x128x64xf32, #tpu.memory_space<vmem>>
        %swap3A_647 = tpu.memref_squeeze %swap3A_646 : memref<1x128x64xf32, #tpu.memory_space<vmem>> -> memref<128x64xf32, #tpu.memory_space<vmem>>
        %swap3A_648 = arith.index_cast %add3A_632 : i32 to index
        %swap3A_649 = arith.constant 0 : index
        %swap3A_650 = tpu.vector_load %swap3A_647[%swap3A_648, %swap3A_649] {strides = array<i32>} : memref<128x64xf32, #tpu.memory_space<vmem>>, vector<1x16xf32>,
        %swap3A_651 = vector.shape_cast %swap3A_650 : vector<1x16xf32> to vector<16xf32>
        %swap3A_652 = vector.shape_cast %mul3A_643 : vector<16xf32> to vector<1x16xf32>
        tpu.vector_store %swap3A_647[%swap3A_648, %swap3A_649], %swap3A_652 {strides = array<i32>} : memref<128x64xf32, #tpu.memory_space<vmem>>, vector<1x16xf32>,
        %get3A_653 = arith.constant 0 : i32
        %get3A_654 = arith.constant 0 : i32
        %get3A_655 = tpu.memref_slice %arg6[%scan3A_161, %get3A_653, %get3A_654] : memref<4x128x64xf32, #tpu.memory_space<vmem>> -> memref<1x128x64xf32, #tpu.memory_space<vmem>>
        %get3A_656 = tpu.memref_squeeze %get3A_655 : memref<1x128x64xf32, #tpu.memory_space<vmem>> -> memref<128x64xf32, #tpu.memory_space<vmem>>
        %get3A_657 = arith.index_cast %add3A_632 : i32 to index
        %get3A_658 = arith.constant 16 : index
        %get3A_659 = tpu.vector_load %get3A_656[%get3A_657, %get3A_658] {strides = array<i32>} : memref<128x64xf32, #tpu.memory_space<vmem>>, vector<1x16xf32>,
        %get3A_660 = vector.shape_cast %get3A_659 : vector<1x16xf32> to vector<16xf32>
        %mul3A_661 = arith.constant 8.000000e+00 : f32
        %mul3A_662 = vector.broadcast %mul3A_661 : f32 to vector<16xf32>
        %mul3A_663 = arith.mulf %get3A_660, %mul3A_662 : vector<16xf32>
        %swap3A_664 = arith.constant 0 : i32
        %swap3A_665 = arith.constant 0 : i32
        %swap3A_666 = tpu.memref_slice %arg6[%scan3A_161, %swap3A_664, %swap3A_665] : memref<4x128x64xf32, #tpu.memory_space<vmem>> -> memref<1x128x64xf32, #tpu.memory_space<vmem>>
        %swap3A_667 = tpu.memref_squeeze %swap3A_666 : memref<1x128x64xf32, #tpu.memory_space<vmem>> -> memref<128x64xf32, #tpu.memory_space<vmem>>
        %swap3A_668 = arith.index_cast %add3A_632 : i32 to index
        %swap3A_669 = arith.constant 16 : index
        %swap3A_670 = tpu.vector_load %swap3A_667[%swap3A_668, %swap3A_669] {strides = array<i32>} : memref<128x64xf32, #tpu.memory_space<vmem>>, vector<1x16xf32>,
        %swap3A_671 = vector.shape_cast %swap3A_670 : vector<1x16xf32> to vector<16xf32>
        %swap3A_672 = vector.shape_cast %mul3A_663 : vector<16xf32> to vector<1x16xf32>
        tpu.vector_store %swap3A_667[%swap3A_668, %swap3A_669], %swap3A_672 {strides = array<i32>} : memref<128x64xf32, #tpu.memory_space<vmem>>, vector<1x16xf32>,
        %get3A_673 = arith.constant 0 : i32
        %get3A_674 = arith.constant 0 : i32
        %get3A_675 = tpu.memref_slice %arg6[%scan3A_161, %get3A_673, %get3A_674] : memref<4x128x64xf32, #tpu.memory_space<vmem>> -> memref<1x128x64xf32, #tpu.memory_space<vmem>>
        %get3A_676 = tpu.memref_squeeze %get3A_675 : memref<1x128x64xf32, #tpu.memory_space<vmem>> -> memref<128x64xf32, #tpu.memory_space<vmem>>
        %get3A_677 = arith.index_cast %add3A_632 : i32 to index
        %get3A_678 = arith.constant 32 : index
        %get3A_679 = tpu.vector_load %get3A_676[%get3A_677, %get3A_678] {strides = array<i32>} : memref<128x64xf32, #tpu.memory_space<vmem>>, vector<1x16xf32>,
        %get3A_680 = vector.shape_cast %get3A_679 : vector<1x16xf32> to vector<16xf32>
        %mul3A_681 = arith.constant 8.000000e+00 : f32
        %mul3A_682 = vector.broadcast %mul3A_681 : f32 to vector<16xf32>
        %mul3A_683 = arith.mulf %get3A_680, %mul3A_682 : vector<16xf32>
        %swap3A_684 = arith.constant 0 : i32
        %swap3A_685 = arith.constant 0 : i32
        %swap3A_686 = tpu.memref_slice %arg6[%scan3A_161, %swap3A_684, %swap3A_685] : memref<4x128x64xf32, #tpu.memory_space<vmem>> -> memref<1x128x64xf32, #tpu.memory_space<vmem>>
        %swap3A_687 = tpu.memref_squeeze %swap3A_686 : memref<1x128x64xf32, #tpu.memory_space<vmem>> -> memref<128x64xf32, #tpu.memory_space<vmem>>
        %swap3A_688 = arith.index_cast %add3A_632 : i32 to index
        %swap3A_689 = arith.constant 32 : index
        %swap3A_690 = tpu.vector_load %swap3A_687[%swap3A_688, %swap3A_689] {strides = array<i32>} : memref<128x64xf32, #tpu.memory_space<vmem>>, vector<1x16xf32>,
        %swap3A_691 = vector.shape_cast %swap3A_690 : vector<1x16xf32> to vector<16xf32>
        %swap3A_692 = vector.shape_cast %mul3A_683 : vector<16xf32> to vector<1x16xf32>
        tpu.vector_store %swap3A_687[%swap3A_688, %swap3A_689], %swap3A_692 {strides = array<i32>} : memref<128x64xf32, #tpu.memory_space<vmem>>, vector<1x16xf32>,
        %get3A_693 = arith.constant 0 : i32
        %get3A_694 = arith.constant 0 : i32
        %get3A_695 = tpu.memref_slice %arg6[%scan3A_161, %get3A_693, %get3A_694] : memref<4x128x64xf32, #tpu.memory_space<vmem>> -> memref<1x128x64xf32, #tpu.memory_space<vmem>>
        %get3A_696 = tpu.memref_squeeze %get3A_695 : memref<1x128x64xf32, #tpu.memory_space<vmem>> -> memref<128x64xf32, #tpu.memory_space<vmem>>
        %get3A_697 = arith.index_cast %add3A_632 : i32 to index
        %get3A_698 = arith.constant 48 : index
        %get3A_699 = tpu.vector_load %get3A_696[%get3A_697, %get3A_698] {strides = array<i32>} : memref<128x64xf32, #tpu.memory_space<vmem>>, vector<1x16xf32>,
        %get3A_700 = vector.shape_cast %get3A_699 : vector<1x16xf32> to vector<16xf32>
        %mul3A_701 = arith.constant 8.000000e+00 : f32
        %mul3A_702 = vector.broadcast %mul3A_701 : f32 to vector<16xf32>
        %mul3A_703 = arith.mulf %get3A_700, %mul3A_702 : vector<16xf32>
        %swap3A_704 = arith.constant 0 : i32
        %swap3A_705 = arith.constant 0 : i32
        %swap3A_706 = tpu.memref_slice %arg6[%scan3A_161, %swap3A_704, %swap3A_705] : memref<4x128x64xf32, #tpu.memory_space<vmem>> -> memref<1x128x64xf32, #tpu.memory_space<vmem>>
        %swap3A_707 = tpu.memref_squeeze %swap3A_706 : memref<1x128x64xf32, #tpu.memory_space<vmem>> -> memref<128x64xf32, #tpu.memory_space<vmem>>
        %swap3A_708 = arith.index_cast %add3A_632 : i32 to index
        %swap3A_709 = arith.constant 48 : index
        %swap3A_710 = tpu.vector_load %swap3A_707[%swap3A_708, %swap3A_709] {strides = array<i32>} : memref<128x64xf32, #tpu.memory_space<vmem>>, vector<1x16xf32>,
        %swap3A_711 = vector.shape_cast %swap3A_710 : vector<1x16xf32> to vector<16xf32>
        %swap3A_712 = vector.shape_cast %mul3A_703 : vector<16xf32> to vector<1x16xf32>
        tpu.vector_store %swap3A_707[%swap3A_708, %swap3A_709], %swap3A_712 {strides = array<i32>} : memref<128x64xf32, #tpu.memory_space<vmem>>, vector<1x16xf32>,
      }
      %scan3A_166 = arith.constant 128 : i32
      %add3A_167 = arith.addi %mul3A_2, %add3A_146 : i32
      %dma_start3A_168 = arith.constant 0 : i32
      %dma_start3A_169 = arith.constant 0 : i32
      %dma_start3A_170 = arith.constant 0 : i32
      %dma_start3A_171 = arith.constant 0 : i32
      %dma_start3A_172 = tpu.memref_slice %arg6[%dma_start3A_168, %dma_start3A_170, %dma_start3A_171] : memref<4x128x64xf32, #tpu.memory_space<vmem>> -> memref<1x128x64xf32, #tpu.memory_space<vmem>>
      %dma_start3A_173 = tpu.memref_squeeze %dma_start3A_172 : memref<1x128x64xf32, #tpu.memory_space<vmem>> -> memref<128x64xf32, #tpu.memory_space<vmem>>
      %dma_start3A_174 = arith.constant 0 : i32
      %dma_start3A_175 = arith.constant 0 : i32
      %dma_start3A_176 = tpu.memref_slice %arg4[%add3A_167, %dma_start3A_174, %dma_start3A_175] : memref<4096x200x64xf32, #tpu.memory_space<hbm>> -> memref<1x128x64xf32, #tpu.memory_space<hbm>>
      %dma_start3A_177 = tpu.memref_squeeze %dma_start3A_176 : memref<1x128x64xf32, #tpu.memory_space<hbm>> -> memref<128x64xf32, #tpu.memory_space<hbm>>
      %dma_start3A_178 = tpu.memref_slice %arg8[%dma_start3A_169] : memref<4x!tpu.dma_semaphore, #tpu.memory_space<semaphore_mem>> -> memref<1x!tpu.dma_semaphore, #tpu.memory_space<semaphore_mem>>
      %dma_start3A_179 = tpu.memref_squeeze %dma_start3A_178 : memref<1x!tpu.dma_semaphore, #tpu.memory_space<semaphore_mem>> -> memref<!tpu.dma_semaphore, #tpu.memory_space<semaphore_mem>>
      %dma_start3A_180 = arith.constant 0 : i32
      %dma_start3A_181 = arith.constant 0 : i32
      %dma_start3A_182 = tpu.memref_slice %arg4[%add3A_167, %dma_start3A_180, %dma_start3A_181] : memref<4096x200x64xf32, #tpu.memory_space<hbm>> -> memref<1x128x64xf32, #tpu.memory_space<hbm>>
      %dma_start3A_183 = tpu.memref_squeeze %dma_start3A_182 : memref<1x128x64xf32, #tpu.memory_space<hbm>> -> memref<128x64xf32, #tpu.memory_space<hbm>>
      %dma_start3A_184 = arith.constant 0 : i32
      %dma_start3A_185 = arith.constant 0 : i32
      %dma_start3A_186 = tpu.memref_slice %arg6[%dma_start3A_168, %dma_start3A_184, %dma_start3A_185] : memref<4x128x64xf32, #tpu.memory_space<vmem>> -> memref<1x128x64xf32, #tpu.memory_space<vmem>>
      %dma_start3A_187 = tpu.memref_squeeze %dma_start3A_186 : memref<1x128x64xf32, #tpu.memory_space<vmem>> -> memref<128x64xf32, #tpu.memory_space<vmem>>
      tpu.enqueue_dma source(%dma_start3A_187 : memref<128x64xf32, #tpu.memory_space<vmem>>) target(%dma_start3A_183 : memref<128x64xf32, #tpu.memory_space<hbm>>) target_semaphore(%dma_start3A_179 : memref<!tpu.dma_semaphore, #tpu.memory_space<semaphore_mem>>)
      %mul3A_188 = arith.constant 2 : i32
      %mul3A_189 = arith.muli %mul3A_188, %add3A_142 : i32
      %add3A_190 = arith.constant 1 : i32
      %add3A_191 = arith.addi %mul3A_189, %add3A_190 : i32
      %mul3A_192 = arith.constant 4 : i32
      %mul3A_193 = arith.muli %mul3A_192, %add3A_142 : i32
      %add3A_194 = arith.constant 3 : i32
      %add3A_195 = arith.addi %mul3A_193, %add3A_194 : i32
      %lt3A = arith.constant 128 : i32
      %lt3A_196 = arith.cmpi slt, %add3A_191, %lt3A : i32
      %convert_element_type3A = arith.extui %lt3A_196 : i1 to i32
      %cond3A = arith.constant 0 : i32
      %cond3A_197 = arith.cmpi ne, %convert_element_type3A, %cond3A : i32
      scf.if %cond3A_197 {
        %ge3A = arith.constant 4 : i32
        %ge3A_372 = arith.cmpi sge, %add3A_195, %ge3A : i32
        %convert_element_type3A_373 = arith.extui %ge3A_372 : i1 to i32
        %cond3A_374 = arith.constant 0 : i32
        %cond3A_375 = arith.cmpi ne, %convert_element_type3A_373, %cond3A_374 : i32
        scf.if %cond3A_375 {
          %sub3A = arith.constant 2 : i32
          %sub3A_390 = arith.subi %add3A_191, %sub3A : i32
          %add3A_391 = arith.addi %mul3A_2, %sub3A_390 : i32
          %dma_wait3A_392 = arith.constant 3 : i32
          %dma_wait3A_393 = arith.constant 3 : i32
          %dma_wait3A_394 = arith.constant 0 : i32
          %dma_wait3A_395 = arith.constant 0 : i32
          %dma_wait3A_396 = tpu.memref_slice %arg6[%dma_wait3A_392, %dma_wait3A_394, %dma_wait3A_395] : memref<4x128x64xf32, #tpu.memory_space<vmem>> -> memref<1x72x64xf32, #tpu.memory_space<vmem>>
          %dma_wait3A_397 = tpu.memref_squeeze %dma_wait3A_396 : memref<1x72x64xf32, #tpu.memory_space<vmem>> -> memref<72x64xf32, #tpu.memory_space<vmem>>
          %dma_wait3A_398 = arith.constant 128 : i32
          %dma_wait3A_399 = arith.constant 0 : i32
          %dma_wait3A_400 = tpu.memref_slice %arg4[%add3A_391, %dma_wait3A_398, %dma_wait3A_399] : memref<4096x200x64xf32, #tpu.memory_space<hbm>> -> memref<1x72x64xf32, #tpu.memory_space<hbm>>
          %dma_wait3A_401 = tpu.memref_squeeze %dma_wait3A_400 : memref<1x72x64xf32, #tpu.memory_space<hbm>> -> memref<72x64xf32, #tpu.memory_space<hbm>>
          %dma_wait3A_402 = tpu.memref_slice %arg8[%dma_wait3A_393] : memref<4x!tpu.dma_semaphore, #tpu.memory_space<semaphore_mem>> -> memref<1x!tpu.dma_semaphore, #tpu.memory_space<semaphore_mem>>
          %dma_wait3A_403 = tpu.memref_squeeze %dma_wait3A_402 : memref<1x!tpu.dma_semaphore, #tpu.memory_space<semaphore_mem>> -> memref<!tpu.dma_semaphore, #tpu.memory_space<semaphore_mem>>
          %dma_wait3A_404 = arith.constant 128 : i32
          %dma_wait3A_405 = arith.constant 0 : i32
          %dma_wait3A_406 = tpu.memref_slice %arg4[%add3A_391, %dma_wait3A_404, %dma_wait3A_405] : memref<4096x200x64xf32, #tpu.memory_space<hbm>> -> memref<1x72x64xf32, #tpu.memory_space<hbm>>
          %dma_wait3A_407 = tpu.memref_squeeze %dma_wait3A_406 : memref<1x72x64xf32, #tpu.memory_space<hbm>> -> memref<72x64xf32, #tpu.memory_space<hbm>>
          %dma_wait3A_408 = arith.constant 0 : i32
          %dma_wait3A_409 = arith.constant 0 : i32
          %dma_wait3A_410 = tpu.memref_slice %arg6[%dma_wait3A_392, %dma_wait3A_408, %dma_wait3A_409] : memref<4x128x64xf32, #tpu.memory_space<vmem>> -> memref<1x72x64xf32, #tpu.memory_space<vmem>>
          %dma_wait3A_411 = tpu.memref_squeeze %dma_wait3A_410 : memref<1x72x64xf32, #tpu.memory_space<vmem>> -> memref<72x64xf32, #tpu.memory_space<vmem>>
          tpu.wait_dma2 semaphore(%dma_wait3A_403 : memref<!tpu.dma_semaphore, #tpu.memory_space<semaphore_mem>>) src(%dma_wait3A_411 : memref<72x64xf32, #tpu.memory_space<vmem>>) dst(%dma_wait3A_407 : memref<72x64xf32, #tpu.memory_space<hbm>>)
        } else {
        }
        %dma_start3A_376 = arith.constant 3 : i32
        %dma_start3A_377 = arith.constant 3 : i32
        %dma_start3A_378 = arith.constant 0 : i32
        %dma_start3A_379 = arith.constant 0 : i32
        %dma_start3A_380 = tpu.memref_slice %arg6[%dma_start3A_376, %dma_start3A_378, %dma_start3A_379] : memref<4x128x64xf32, #tpu.memory_space<vmem>> -> memref<1x72x64xf32, #tpu.memory_space<vmem>>
        %dma_start3A_381 = tpu.memref_squeeze %dma_start3A_380 : memref<1x72x64xf32, #tpu.memory_space<vmem>> -> memref<72x64xf32, #tpu.memory_space<vmem>>
        %dma_start3A_382 = arith.constant 128 : i32
        %dma_start3A_383 = tpu.memref_slice %arg5[%add3A_191, %dma_start3A_382] : memref<128x200xi32, #tpu.memory_space<vmem>> -> memref<1x72xi32, #tpu.memory_space<vmem>>
        %dma_start3A_384 = tpu.memref_squeeze %dma_start3A_383 : memref<1x72xi32, #tpu.memory_space<vmem>> -> memref<72xi32, #tpu.memory_space<vmem>>
        %dma_start3A_385 = arith.constant 0 : i32
        %dma_start3A_386 = arith.constant 0 : i32
        %dma_start3A_387 = tpu.memref_slice %arg3[%dma_start3A_385, %dma_start3A_386] : memref<1000000x64xf32, #tpu.memory_space<hbm>> -> memref<1000000x64xf32, #tpu.memory_space<hbm>>
        %dma_start3A_388 = tpu.memref_slice %arg7[%dma_start3A_377] : memref<4x!tpu.dma_semaphore, #tpu.memory_space<semaphore_mem>> -> memref<1x!tpu.dma_semaphore, #tpu.memory_space<semaphore_mem>>
        %dma_start3A_389 = tpu.memref_squeeze %dma_start3A_388 : memref<1x!tpu.dma_semaphore, #tpu.memory_space<semaphore_mem>> -> memref<!tpu.dma_semaphore, #tpu.memory_space<semaphore_mem>>
        tpu.enqueue_indirect_dma source(%dma_start3A_387 : memref<1000000x64xf32, #tpu.memory_space<hbm>>) target(%dma_start3A_381 : memref<72x64xf32, #tpu.memory_space<vmem>>) offsets(%dma_start3A_384 : memref<72xi32, #tpu.memory_space<vmem>>) semaphore(%dma_start3A_389 : memref<!tpu.dma_semaphore, #tpu.memory_space<semaphore_mem>>)
      } else {
      }
      %mul3A_198 = arith.constant 2 : i32
      %mul3A_199 = arith.muli %mul3A_198, %add3A_142 : i32
      %add3A_200 = arith.constant 0 : i32
      %add3A_201 = arith.addi %mul3A_199, %add3A_200 : i32
      %dma_wait3A_202 = arith.constant 1 : i32
      %dma_wait3A_203 = arith.constant 1 : i32
      %dma_wait3A_204 = arith.constant 0 : i32
      %dma_wait3A_205 = arith.constant 0 : i32
      %dma_wait3A_206 = tpu.memref_slice %arg6[%dma_wait3A_202, %dma_wait3A_204, %dma_wait3A_205] : memref<4x128x64xf32, #tpu.memory_space<vmem>> -> memref<1x72x64xf32, #tpu.memory_space<vmem>>
      %dma_wait3A_207 = tpu.memref_squeeze %dma_wait3A_206 : memref<1x72x64xf32, #tpu.memory_space<vmem>> -> memref<72x64xf32, #tpu.memory_space<vmem>>
      %dma_wait3A_208 = arith.constant 128 : i32
      %dma_wait3A_209 = tpu.memref_slice %arg5[%add3A_201, %dma_wait3A_208] : memref<128x200xi32, #tpu.memory_space<vmem>> -> memref<1x72xi32, #tpu.memory_space<vmem>>
      %dma_wait3A_210 = tpu.memref_squeeze %dma_wait3A_209 : memref<1x72xi32, #tpu.memory_space<vmem>> -> memref<72xi32, #tpu.memory_space<vmem>>
      %dma_wait3A_211 = arith.constant 0 : i32
      %dma_wait3A_212 = arith.constant 0 : i32
      %dma_wait3A_213 = tpu.memref_slice %arg3[%dma_wait3A_211, %dma_wait3A_212] : memref<1000000x64xf32, #tpu.memory_space<hbm>> -> memref<1000000x64xf32, #tpu.memory_space<hbm>>
      %dma_wait3A_214 = tpu.memref_slice %arg7[%dma_wait3A_203] : memref<4x!tpu.dma_semaphore, #tpu.memory_space<semaphore_mem>> -> memref<1x!tpu.dma_semaphore, #tpu.memory_space<semaphore_mem>>
      %dma_wait3A_215 = tpu.memref_squeeze %dma_wait3A_214 : memref<1x!tpu.dma_semaphore, #tpu.memory_space<semaphore_mem>> -> memref<!tpu.dma_semaphore, #tpu.memory_space<semaphore_mem>>
      tpu.wait_indirect_dma semaphore(%dma_wait3A_215 : memref<!tpu.dma_semaphore, #tpu.memory_space<semaphore_mem>>) src(%dma_wait3A_213 : memref<1000000x64xf32, #tpu.memory_space<hbm>>) dst(%dma_wait3A_207 : memref<72x64xf32, #tpu.memory_space<vmem>>)
      %scan3A_216 = arith.constant 1 : i32
      %scan3A_217 = arith.constant 0 : i32
      %scan3A_218 = arith.constant 72 : i32
      %scan3A_219 = arith.addi %scan3A_217, %scan3A_218 : i32
      %scan3A_220 = arith.constant 4 : i32
      scf.for %scan3A_372 = %scan3A_217 to %scan3A_219 step %scan3A_220  : i32 {
        %mul3A_373 = arith.constant 1 : i32
        %mul3A_374 = arith.muli %scan3A_372, %mul3A_373 : i32
        %add3A_375 = arith.constant 0 : i32
        %add3A_376 = arith.addi %add3A_375, %mul3A_374 : i32
        %get3A = arith.constant 0 : i32
        %get3A_377 = arith.constant 0 : i32
        %get3A_378 = tpu.memref_slice %arg6[%scan3A_216, %get3A, %get3A_377] : memref<4x128x64xf32, #tpu.memory_space<vmem>> -> memref<1x128x64xf32, #tpu.memory_space<vmem>>
        %get3A_379 = tpu.memref_squeeze %get3A_378 : memref<1x128x64xf32, #tpu.memory_space<vmem>> -> memref<128x64xf32, #tpu.memory_space<vmem>>
        %get3A_380 = arith.index_cast %add3A_376 : i32 to index
        %get3A_381 = arith.constant 0 : index
        %get3A_382 = tpu.vector_load %get3A_379[%get3A_380, %get3A_381] {strides = array<i32>} : memref<128x64xf32, #tpu.memory_space<vmem>>, vector<1x16xf32>,
        %get3A_383 = vector.shape_cast %get3A_382 : vector<1x16xf32> to vector<16xf32>
        %mul3A_384 = arith.constant 8.000000e+00 : f32
        %mul3A_385 = vector.broadcast %mul3A_384 : f32 to vector<16xf32>
        %mul3A_386 = arith.mulf %get3A_383, %mul3A_385 : vector<16xf32>
        %swap3A = arith.constant 0 : i32
        %swap3A_387 = arith.constant 0 : i32
        %swap3A_388 = tpu.memref_slice %arg6[%scan3A_216, %swap3A, %swap3A_387] : memref<4x128x64xf32, #tpu.memory_space<vmem>> -> memref<1x128x64xf32, #tpu.memory_space<vmem>>
        %swap3A_389 = tpu.memref_squeeze %swap3A_388 : memref<1x128x64xf32, #tpu.memory_space<vmem>> -> memref<128x64xf32, #tpu.memory_space<vmem>>
        %swap3A_390 = arith.index_cast %add3A_376 : i32 to index
        %swap3A_391 = arith.constant 0 : index
        %swap3A_392 = tpu.vector_load %swap3A_389[%swap3A_390, %swap3A_391] {strides = array<i32>} : memref<128x64xf32, #tpu.memory_space<vmem>>, vector<1x16xf32>,
        %swap3A_393 = vector.shape_cast %swap3A_392 : vector<1x16xf32> to vector<16xf32>
        %swap3A_394 = vector.shape_cast %mul3A_386 : vector<16xf32> to vector<1x16xf32>
        tpu.vector_store %swap3A_389[%swap3A_390, %swap3A_391], %swap3A_394 {strides = array<i32>} : memref<128x64xf32, #tpu.memory_space<vmem>>, vector<1x16xf32>,
        %get3A_395 = arith.constant 0 : i32
        %get3A_396 = arith.constant 0 : i32
        %get3A_397 = tpu.memref_slice %arg6[%scan3A_216, %get3A_395, %get3A_396] : memref<4x128x64xf32, #tpu.memory_space<vmem>> -> memref<1x128x64xf32, #tpu.memory_space<vmem>>
        %get3A_398 = tpu.memref_squeeze %get3A_397 : memref<1x128x64xf32, #tpu.memory_space<vmem>> -> memref<128x64xf32, #tpu.memory_space<vmem>>
        %get3A_399 = arith.index_cast %add3A_376 : i32 to index
        %get3A_400 = arith.constant 16 : index
        %get3A_401 = tpu.vector_load %get3A_398[%get3A_399, %get3A_400] {strides = array<i32>} : memref<128x64xf32, #tpu.memory_space<vmem>>, vector<1x16xf32>,
        %get3A_402 = vector.shape_cast %get3A_401 : vector<1x16xf32> to vector<16xf32>
        %mul3A_403 = arith.constant 8.000000e+00 : f32
        %mul3A_404 = vector.broadcast %mul3A_403 : f32 to vector<16xf32>
        %mul3A_405 = arith.mulf %get3A_402, %mul3A_404 : vector<16xf32>
        %swap3A_406 = arith.constant 0 : i32
        %swap3A_407 = arith.constant 0 : i32
        %swap3A_408 = tpu.memref_slice %arg6[%scan3A_216, %swap3A_406, %swap3A_407] : memref<4x128x64xf32, #tpu.memory_space<vmem>> -> memref<1x128x64xf32, #tpu.memory_space<vmem>>
        %swap3A_409 = tpu.memref_squeeze %swap3A_408 : memref<1x128x64xf32, #tpu.memory_space<vmem>> -> memref<128x64xf32, #tpu.memory_space<vmem>>
        %swap3A_410 = arith.index_cast %add3A_376 : i32 to index
        %swap3A_411 = arith.constant 16 : index
        %swap3A_412 = tpu.vector_load %swap3A_409[%swap3A_410, %swap3A_411] {strides = array<i32>} : memref<128x64xf32, #tpu.memory_space<vmem>>, vector<1x16xf32>,
        %swap3A_413 = vector.shape_cast %swap3A_412 : vector<1x16xf32> to vector<16xf32>
        %swap3A_414 = vector.shape_cast %mul3A_405 : vector<16xf32> to vector<1x16xf32>
        tpu.vector_store %swap3A_409[%swap3A_410, %swap3A_411], %swap3A_414 {strides = array<i32>} : memref<128x64xf32, #tpu.memory_space<vmem>>, vector<1x16xf32>,
        %get3A_415 = arith.constant 0 : i32
        %get3A_416 = arith.constant 0 : i32
        %get3A_417 = tpu.memref_slice %arg6[%scan3A_216, %get3A_415, %get3A_416] : memref<4x128x64xf32, #tpu.memory_space<vmem>> -> memref<1x128x64xf32, #tpu.memory_space<vmem>>
        %get3A_418 = tpu.memref_squeeze %get3A_417 : memref<1x128x64xf32, #tpu.memory_space<vmem>> -> memref<128x64xf32, #tpu.memory_space<vmem>>
        %get3A_419 = arith.index_cast %add3A_376 : i32 to index
        %get3A_420 = arith.constant 32 : index
        %get3A_421 = tpu.vector_load %get3A_418[%get3A_419, %get3A_420] {strides = array<i32>} : memref<128x64xf32, #tpu.memory_space<vmem>>, vector<1x16xf32>,
        %get3A_422 = vector.shape_cast %get3A_421 : vector<1x16xf32> to vector<16xf32>
        %mul3A_423 = arith.constant 8.000000e+00 : f32
        %mul3A_424 = vector.broadcast %mul3A_423 : f32 to vector<16xf32>
        %mul3A_425 = arith.mulf %get3A_422, %mul3A_424 : vector<16xf32>
        %swap3A_426 = arith.constant 0 : i32
        %swap3A_427 = arith.constant 0 : i32
        %swap3A_428 = tpu.memref_slice %arg6[%scan3A_216, %swap3A_426, %swap3A_427] : memref<4x128x64xf32, #tpu.memory_space<vmem>> -> memref<1x128x64xf32, #tpu.memory_space<vmem>>
        %swap3A_429 = tpu.memref_squeeze %swap3A_428 : memref<1x128x64xf32, #tpu.memory_space<vmem>> -> memref<128x64xf32, #tpu.memory_space<vmem>>
        %swap3A_430 = arith.index_cast %add3A_376 : i32 to index
        %swap3A_431 = arith.constant 32 : index
        %swap3A_432 = tpu.vector_load %swap3A_429[%swap3A_430, %swap3A_431] {strides = array<i32>} : memref<128x64xf32, #tpu.memory_space<vmem>>, vector<1x16xf32>,
        %swap3A_433 = vector.shape_cast %swap3A_432 : vector<1x16xf32> to vector<16xf32>
        %swap3A_434 = vector.shape_cast %mul3A_425 : vector<16xf32> to vector<1x16xf32>
        tpu.vector_store %swap3A_429[%swap3A_430, %swap3A_431], %swap3A_434 {strides = array<i32>} : memref<128x64xf32, #tpu.memory_space<vmem>>, vector<1x16xf32>,
        %get3A_435 = arith.constant 0 : i32
        %get3A_436 = arith.constant 0 : i32
        %get3A_437 = tpu.memref_slice %arg6[%scan3A_216, %get3A_435, %get3A_436] : memref<4x128x64xf32, #tpu.memory_space<vmem>> -> memref<1x128x64xf32, #tpu.memory_space<vmem>>
        %get3A_438 = tpu.memref_squeeze %get3A_437 : memref<1x128x64xf32, #tpu.memory_space<vmem>> -> memref<128x64xf32, #tpu.memory_space<vmem>>
        %get3A_439 = arith.index_cast %add3A_376 : i32 to index
        %get3A_440 = arith.constant 48 : index
        %get3A_441 = tpu.vector_load %get3A_438[%get3A_439, %get3A_440] {strides = array<i32>} : memref<128x64xf32, #tpu.memory_space<vmem>>, vector<1x16xf32>,
        %get3A_442 = vector.shape_cast %get3A_441 : vector<1x16xf32> to vector<16xf32>
        %mul3A_443 = arith.constant 8.000000e+00 : f32
        %mul3A_444 = vector.broadcast %mul3A_443 : f32 to vector<16xf32>
        %mul3A_445 = arith.mulf %get3A_442, %mul3A_444 : vector<16xf32>
        %swap3A_446 = arith.constant 0 : i32
        %swap3A_447 = arith.constant 0 : i32
        %swap3A_448 = tpu.memref_slice %arg6[%scan3A_216, %swap3A_446, %swap3A_447] : memref<4x128x64xf32, #tpu.memory_space<vmem>> -> memref<1x128x64xf32, #tpu.memory_space<vmem>>
        %swap3A_449 = tpu.memref_squeeze %swap3A_448 : memref<1x128x64xf32, #tpu.memory_space<vmem>> -> memref<128x64xf32, #tpu.memory_space<vmem>>
        %swap3A_450 = arith.index_cast %add3A_376 : i32 to index
        %swap3A_451 = arith.constant 48 : index
        %swap3A_452 = tpu.vector_load %swap3A_449[%swap3A_450, %swap3A_451] {strides = array<i32>} : memref<128x64xf32, #tpu.memory_space<vmem>>, vector<1x16xf32>,
        %swap3A_453 = vector.shape_cast %swap3A_452 : vector<1x16xf32> to vector<16xf32>
        %swap3A_454 = vector.shape_cast %mul3A_445 : vector<16xf32> to vector<1x16xf32>
        tpu.vector_store %swap3A_449[%swap3A_450, %swap3A_451], %swap3A_454 {strides = array<i32>} : memref<128x64xf32, #tpu.memory_space<vmem>>, vector<1x16xf32>,
        %scan3A_455 = arith.constant 1 : i32
        %scan3A_456 = arith.addi %scan3A_372, %scan3A_455 : i32
        %mul3A_457 = arith.constant 1 : i32
        %mul3A_458 = arith.muli %scan3A_456, %mul3A_457 : i32
        %add3A_459 = arith.constant 0 : i32
        %add3A_460 = arith.addi %add3A_459, %mul3A_458 : i32
        %get3A_461 = arith.constant 0 : i32
        %get3A_462 = arith.constant 0 : i32
        %get3A_463 = tpu.memref_slice %arg6[%scan3A_216, %get3A_461, %get3A_462] : memref<4x128x64xf32, #tpu.memory_space<vmem>> -> memref<1x128x64xf32, #tpu.memory_space<vmem>>
        %get3A_464 = tpu.memref_squeeze %get3A_463 : memref<1x128x64xf32, #tpu.memory_space<vmem>> -> memref<128x64xf32, #tpu.memory_space<vmem>>
        %get3A_465 = arith.index_cast %add3A_460 : i32 to index
        %get3A_466 = arith.constant 0 : index
        %get3A_467 = tpu.vector_load %get3A_464[%get3A_465, %get3A_466] {strides = array<i32>} : memref<128x64xf32, #tpu.memory_space<vmem>>, vector<1x16xf32>,
        %get3A_468 = vector.shape_cast %get3A_467 : vector<1x16xf32> to vector<16xf32>
        %mul3A_469 = arith.constant 8.000000e+00 : f32
        %mul3A_470 = vector.broadcast %mul3A_469 : f32 to vector<16xf32>
        %mul3A_471 = arith.mulf %get3A_468, %mul3A_470 : vector<16xf32>
        %swap3A_472 = arith.constant 0 : i32
        %swap3A_473 = arith.constant 0 : i32
        %swap3A_474 = tpu.memref_slice %arg6[%scan3A_216, %swap3A_472, %swap3A_473] : memref<4x128x64xf32, #tpu.memory_space<vmem>> -> memref<1x128x64xf32, #tpu.memory_space<vmem>>
        %swap3A_475 = tpu.memref_squeeze %swap3A_474 : memref<1x128x64xf32, #tpu.memory_space<vmem>> -> memref<128x64xf32, #tpu.memory_space<vmem>>
        %swap3A_476 = arith.index_cast %add3A_460 : i32 to index
        %swap3A_477 = arith.constant 0 : index
        %swap3A_478 = tpu.vector_load %swap3A_475[%swap3A_476, %swap3A_477] {strides = array<i32>} : memref<128x64xf32, #tpu.memory_space<vmem>>, vector<1x16xf32>,
        %swap3A_479 = vector.shape_cast %swap3A_478 : vector<1x16xf32> to vector<16xf32>
        %swap3A_480 = vector.shape_cast %mul3A_471 : vector<16xf32> to vector<1x16xf32>
        tpu.vector_store %swap3A_475[%swap3A_476, %swap3A_477], %swap3A_480 {strides = array<i32>} : memref<128x64xf32, #tpu.memory_space<vmem>>, vector<1x16xf32>,
        %get3A_481 = arith.constant 0 : i32
        %get3A_482 = arith.constant 0 : i32
        %get3A_483 = tpu.memref_slice %arg6[%scan3A_216, %get3A_481, %get3A_482] : memref<4x128x64xf32, #tpu.memory_space<vmem>> -> memref<1x128x64xf32, #tpu.memory_space<vmem>>
        %get3A_484 = tpu.memref_squeeze %get3A_483 : memref<1x128x64xf32, #tpu.memory_space<vmem>> -> memref<128x64xf32, #tpu.memory_space<vmem>>
        %get3A_485 = arith.index_cast %add3A_460 : i32 to index
        %get3A_486 = arith.constant 16 : index
        %get3A_487 = tpu.vector_load %get3A_484[%get3A_485, %get3A_486] {strides = array<i32>} : memref<128x64xf32, #tpu.memory_space<vmem>>, vector<1x16xf32>,
        %get3A_488 = vector.shape_cast %get3A_487 : vector<1x16xf32> to vector<16xf32>
        %mul3A_489 = arith.constant 8.000000e+00 : f32
        %mul3A_490 = vector.broadcast %mul3A_489 : f32 to vector<16xf32>
        %mul3A_491 = arith.mulf %get3A_488, %mul3A_490 : vector<16xf32>
        %swap3A_492 = arith.constant 0 : i32
        %swap3A_493 = arith.constant 0 : i32
        %swap3A_494 = tpu.memref_slice %arg6[%scan3A_216, %swap3A_492, %swap3A_493] : memref<4x128x64xf32, #tpu.memory_space<vmem>> -> memref<1x128x64xf32, #tpu.memory_space<vmem>>
        %swap3A_495 = tpu.memref_squeeze %swap3A_494 : memref<1x128x64xf32, #tpu.memory_space<vmem>> -> memref<128x64xf32, #tpu.memory_space<vmem>>
        %swap3A_496 = arith.index_cast %add3A_460 : i32 to index
        %swap3A_497 = arith.constant 16 : index
        %swap3A_498 = tpu.vector_load %swap3A_495[%swap3A_496, %swap3A_497] {strides = array<i32>} : memref<128x64xf32, #tpu.memory_space<vmem>>, vector<1x16xf32>,
        %swap3A_499 = vector.shape_cast %swap3A_498 : vector<1x16xf32> to vector<16xf32>
        %swap3A_500 = vector.shape_cast %mul3A_491 : vector<16xf32> to vector<1x16xf32>
        tpu.vector_store %swap3A_495[%swap3A_496, %swap3A_497], %swap3A_500 {strides = array<i32>} : memref<128x64xf32, #tpu.memory_space<vmem>>, vector<1x16xf32>,
        %get3A_501 = arith.constant 0 : i32
        %get3A_502 = arith.constant 0 : i32
        %get3A_503 = tpu.memref_slice %arg6[%scan3A_216, %get3A_501, %get3A_502] : memref<4x128x64xf32, #tpu.memory_space<vmem>> -> memref<1x128x64xf32, #tpu.memory_space<vmem>>
        %get3A_504 = tpu.memref_squeeze %get3A_503 : memref<1x128x64xf32, #tpu.memory_space<vmem>> -> memref<128x64xf32, #tpu.memory_space<vmem>>
        %get3A_505 = arith.index_cast %add3A_460 : i32 to index
        %get3A_506 = arith.constant 32 : index
        %get3A_507 = tpu.vector_load %get3A_504[%get3A_505, %get3A_506] {strides = array<i32>} : memref<128x64xf32, #tpu.memory_space<vmem>>, vector<1x16xf32>,
        %get3A_508 = vector.shape_cast %get3A_507 : vector<1x16xf32> to vector<16xf32>
        %mul3A_509 = arith.constant 8.000000e+00 : f32
        %mul3A_510 = vector.broadcast %mul3A_509 : f32 to vector<16xf32>
        %mul3A_511 = arith.mulf %get3A_508, %mul3A_510 : vector<16xf32>
        %swap3A_512 = arith.constant 0 : i32
        %swap3A_513 = arith.constant 0 : i32
        %swap3A_514 = tpu.memref_slice %arg6[%scan3A_216, %swap3A_512, %swap3A_513] : memref<4x128x64xf32, #tpu.memory_space<vmem>> -> memref<1x128x64xf32, #tpu.memory_space<vmem>>
        %swap3A_515 = tpu.memref_squeeze %swap3A_514 : memref<1x128x64xf32, #tpu.memory_space<vmem>> -> memref<128x64xf32, #tpu.memory_space<vmem>>
        %swap3A_516 = arith.index_cast %add3A_460 : i32 to index
        %swap3A_517 = arith.constant 32 : index
        %swap3A_518 = tpu.vector_load %swap3A_515[%swap3A_516, %swap3A_517] {strides = array<i32>} : memref<128x64xf32, #tpu.memory_space<vmem>>, vector<1x16xf32>,
        %swap3A_519 = vector.shape_cast %swap3A_518 : vector<1x16xf32> to vector<16xf32>
        %swap3A_520 = vector.shape_cast %mul3A_511 : vector<16xf32> to vector<1x16xf32>
        tpu.vector_store %swap3A_515[%swap3A_516, %swap3A_517], %swap3A_520 {strides = array<i32>} : memref<128x64xf32, #tpu.memory_space<vmem>>, vector<1x16xf32>,
        %get3A_521 = arith.constant 0 : i32
        %get3A_522 = arith.constant 0 : i32
        %get3A_523 = tpu.memref_slice %arg6[%scan3A_216, %get3A_521, %get3A_522] : memref<4x128x64xf32, #tpu.memory_space<vmem>> -> memref<1x128x64xf32, #tpu.memory_space<vmem>>
        %get3A_524 = tpu.memref_squeeze %get3A_523 : memref<1x128x64xf32, #tpu.memory_space<vmem>> -> memref<128x64xf32, #tpu.memory_space<vmem>>
        %get3A_525 = arith.index_cast %add3A_460 : i32 to index
        %get3A_526 = arith.constant 48 : index
        %get3A_527 = tpu.vector_load %get3A_524[%get3A_525, %get3A_526] {strides = array<i32>} : memref<128x64xf32, #tpu.memory_space<vmem>>, vector<1x16xf32>,
        %get3A_528 = vector.shape_cast %get3A_527 : vector<1x16xf32> to vector<16xf32>
        %mul3A_529 = arith.constant 8.000000e+00 : f32
        %mul3A_530 = vector.broadcast %mul3A_529 : f32 to vector<16xf32>
        %mul3A_531 = arith.mulf %get3A_528, %mul3A_530 : vector<16xf32>
        %swap3A_532 = arith.constant 0 : i32
        %swap3A_533 = arith.constant 0 : i32
        %swap3A_534 = tpu.memref_slice %arg6[%scan3A_216, %swap3A_532, %swap3A_533] : memref<4x128x64xf32, #tpu.memory_space<vmem>> -> memref<1x128x64xf32, #tpu.memory_space<vmem>>
        %swap3A_535 = tpu.memref_squeeze %swap3A_534 : memref<1x128x64xf32, #tpu.memory_space<vmem>> -> memref<128x64xf32, #tpu.memory_space<vmem>>
        %swap3A_536 = arith.index_cast %add3A_460 : i32 to index
        %swap3A_537 = arith.constant 48 : index
        %swap3A_538 = tpu.vector_load %swap3A_535[%swap3A_536, %swap3A_537] {strides = array<i32>} : memref<128x64xf32, #tpu.memory_space<vmem>>, vector<1x16xf32>,
        %swap3A_539 = vector.shape_cast %swap3A_538 : vector<1x16xf32> to vector<16xf32>
        %swap3A_540 = vector.shape_cast %mul3A_531 : vector<16xf32> to vector<1x16xf32>
        tpu.vector_store %swap3A_535[%swap3A_536, %swap3A_537], %swap3A_540 {strides = array<i32>} : memref<128x64xf32, #tpu.memory_space<vmem>>, vector<1x16xf32>,
        %scan3A_541 = arith.constant 2 : i32
        %scan3A_542 = arith.addi %scan3A_372, %scan3A_541 : i32
        %mul3A_543 = arith.constant 1 : i32
        %mul3A_544 = arith.muli %scan3A_542, %mul3A_543 : i32
        %add3A_545 = arith.constant 0 : i32
        %add3A_546 = arith.addi %add3A_545, %mul3A_544 : i32
        %get3A_547 = arith.constant 0 : i32
        %get3A_548 = arith.constant 0 : i32
        %get3A_549 = tpu.memref_slice %arg6[%scan3A_216, %get3A_547, %get3A_548] : memref<4x128x64xf32, #tpu.memory_space<vmem>> -> memref<1x128x64xf32, #tpu.memory_space<vmem>>
        %get3A_550 = tpu.memref_squeeze %get3A_549 : memref<1x128x64xf32, #tpu.memory_space<vmem>> -> memref<128x64xf32, #tpu.memory_space<vmem>>
        %get3A_551 = arith.index_cast %add3A_546 : i32 to index
        %get3A_552 = arith.constant 0 : index
        %get3A_553 = tpu.vector_load %get3A_550[%get3A_551, %get3A_552] {strides = array<i32>} : memref<128x64xf32, #tpu.memory_space<vmem>>, vector<1x16xf32>,
        %get3A_554 = vector.shape_cast %get3A_553 : vector<1x16xf32> to vector<16xf32>
        %mul3A_555 = arith.constant 8.000000e+00 : f32
        %mul3A_556 = vector.broadcast %mul3A_555 : f32 to vector<16xf32>
        %mul3A_557 = arith.mulf %get3A_554, %mul3A_556 : vector<16xf32>
        %swap3A_558 = arith.constant 0 : i32
        %swap3A_559 = arith.constant 0 : i32
        %swap3A_560 = tpu.memref_slice %arg6[%scan3A_216, %swap3A_558, %swap3A_559] : memref<4x128x64xf32, #tpu.memory_space<vmem>> -> memref<1x128x64xf32, #tpu.memory_space<vmem>>
        %swap3A_561 = tpu.memref_squeeze %swap3A_560 : memref<1x128x64xf32, #tpu.memory_space<vmem>> -> memref<128x64xf32, #tpu.memory_space<vmem>>
        %swap3A_562 = arith.index_cast %add3A_546 : i32 to index
        %swap3A_563 = arith.constant 0 : index
        %swap3A_564 = tpu.vector_load %swap3A_561[%swap3A_562, %swap3A_563] {strides = array<i32>} : memref<128x64xf32, #tpu.memory_space<vmem>>, vector<1x16xf32>,
        %swap3A_565 = vector.shape_cast %swap3A_564 : vector<1x16xf32> to vector<16xf32>
        %swap3A_566 = vector.shape_cast %mul3A_557 : vector<16xf32> to vector<1x16xf32>
        tpu.vector_store %swap3A_561[%swap3A_562, %swap3A_563], %swap3A_566 {strides = array<i32>} : memref<128x64xf32, #tpu.memory_space<vmem>>, vector<1x16xf32>,
        %get3A_567 = arith.constant 0 : i32
        %get3A_568 = arith.constant 0 : i32
        %get3A_569 = tpu.memref_slice %arg6[%scan3A_216, %get3A_567, %get3A_568] : memref<4x128x64xf32, #tpu.memory_space<vmem>> -> memref<1x128x64xf32, #tpu.memory_space<vmem>>
        %get3A_570 = tpu.memref_squeeze %get3A_569 : memref<1x128x64xf32, #tpu.memory_space<vmem>> -> memref<128x64xf32, #tpu.memory_space<vmem>>
        %get3A_571 = arith.index_cast %add3A_546 : i32 to index
        %get3A_572 = arith.constant 16 : index
        %get3A_573 = tpu.vector_load %get3A_570[%get3A_571, %get3A_572] {strides = array<i32>} : memref<128x64xf32, #tpu.memory_space<vmem>>, vector<1x16xf32>,
        %get3A_574 = vector.shape_cast %get3A_573 : vector<1x16xf32> to vector<16xf32>
        %mul3A_575 = arith.constant 8.000000e+00 : f32
        %mul3A_576 = vector.broadcast %mul3A_575 : f32 to vector<16xf32>
        %mul3A_577 = arith.mulf %get3A_574, %mul3A_576 : vector<16xf32>
        %swap3A_578 = arith.constant 0 : i32
        %swap3A_579 = arith.constant 0 : i32
        %swap3A_580 = tpu.memref_slice %arg6[%scan3A_216, %swap3A_578, %swap3A_579] : memref<4x128x64xf32, #tpu.memory_space<vmem>> -> memref<1x128x64xf32, #tpu.memory_space<vmem>>
        %swap3A_581 = tpu.memref_squeeze %swap3A_580 : memref<1x128x64xf32, #tpu.memory_space<vmem>> -> memref<128x64xf32, #tpu.memory_space<vmem>>
        %swap3A_582 = arith.index_cast %add3A_546 : i32 to index
        %swap3A_583 = arith.constant 16 : index
        %swap3A_584 = tpu.vector_load %swap3A_581[%swap3A_582, %swap3A_583] {strides = array<i32>} : memref<128x64xf32, #tpu.memory_space<vmem>>, vector<1x16xf32>,
        %swap3A_585 = vector.shape_cast %swap3A_584 : vector<1x16xf32> to vector<16xf32>
        %swap3A_586 = vector.shape_cast %mul3A_577 : vector<16xf32> to vector<1x16xf32>
        tpu.vector_store %swap3A_581[%swap3A_582, %swap3A_583], %swap3A_586 {strides = array<i32>} : memref<128x64xf32, #tpu.memory_space<vmem>>, vector<1x16xf32>,
        %get3A_587 = arith.constant 0 : i32
        %get3A_588 = arith.constant 0 : i32
        %get3A_589 = tpu.memref_slice %arg6[%scan3A_216, %get3A_587, %get3A_588] : memref<4x128x64xf32, #tpu.memory_space<vmem>> -> memref<1x128x64xf32, #tpu.memory_space<vmem>>
        %get3A_590 = tpu.memref_squeeze %get3A_589 : memref<1x128x64xf32, #tpu.memory_space<vmem>> -> memref<128x64xf32, #tpu.memory_space<vmem>>
        %get3A_591 = arith.index_cast %add3A_546 : i32 to index
        %get3A_592 = arith.constant 32 : index
        %get3A_593 = tpu.vector_load %get3A_590[%get3A_591, %get3A_592] {strides = array<i32>} : memref<128x64xf32, #tpu.memory_space<vmem>>, vector<1x16xf32>,
        %get3A_594 = vector.shape_cast %get3A_593 : vector<1x16xf32> to vector<16xf32>
        %mul3A_595 = arith.constant 8.000000e+00 : f32
        %mul3A_596 = vector.broadcast %mul3A_595 : f32 to vector<16xf32>
        %mul3A_597 = arith.mulf %get3A_594, %mul3A_596 : vector<16xf32>
        %swap3A_598 = arith.constant 0 : i32
        %swap3A_599 = arith.constant 0 : i32
        %swap3A_600 = tpu.memref_slice %arg6[%scan3A_216, %swap3A_598, %swap3A_599] : memref<4x128x64xf32, #tpu.memory_space<vmem>> -> memref<1x128x64xf32, #tpu.memory_space<vmem>>
        %swap3A_601 = tpu.memref_squeeze %swap3A_600 : memref<1x128x64xf32, #tpu.memory_space<vmem>> -> memref<128x64xf32, #tpu.memory_space<vmem>>
        %swap3A_602 = arith.index_cast %add3A_546 : i32 to index
        %swap3A_603 = arith.constant 32 : index
        %swap3A_604 = tpu.vector_load %swap3A_601[%swap3A_602, %swap3A_603] {strides = array<i32>} : memref<128x64xf32, #tpu.memory_space<vmem>>, vector<1x16xf32>,
        %swap3A_605 = vector.shape_cast %swap3A_604 : vector<1x16xf32> to vector<16xf32>
        %swap3A_606 = vector.shape_cast %mul3A_597 : vector<16xf32> to vector<1x16xf32>
        tpu.vector_store %swap3A_601[%swap3A_602, %swap3A_603], %swap3A_606 {strides = array<i32>} : memref<128x64xf32, #tpu.memory_space<vmem>>, vector<1x16xf32>,
        %get3A_607 = arith.constant 0 : i32
        %get3A_608 = arith.constant 0 : i32
        %get3A_609 = tpu.memref_slice %arg6[%scan3A_216, %get3A_607, %get3A_608] : memref<4x128x64xf32, #tpu.memory_space<vmem>> -> memref<1x128x64xf32, #tpu.memory_space<vmem>>
        %get3A_610 = tpu.memref_squeeze %get3A_609 : memref<1x128x64xf32, #tpu.memory_space<vmem>> -> memref<128x64xf32, #tpu.memory_space<vmem>>
        %get3A_611 = arith.index_cast %add3A_546 : i32 to index
        %get3A_612 = arith.constant 48 : index
        %get3A_613 = tpu.vector_load %get3A_610[%get3A_611, %get3A_612] {strides = array<i32>} : memref<128x64xf32, #tpu.memory_space<vmem>>, vector<1x16xf32>,
        %get3A_614 = vector.shape_cast %get3A_613 : vector<1x16xf32> to vector<16xf32>
        %mul3A_615 = arith.constant 8.000000e+00 : f32
        %mul3A_616 = vector.broadcast %mul3A_615 : f32 to vector<16xf32>
        %mul3A_617 = arith.mulf %get3A_614, %mul3A_616 : vector<16xf32>
        %swap3A_618 = arith.constant 0 : i32
        %swap3A_619 = arith.constant 0 : i32
        %swap3A_620 = tpu.memref_slice %arg6[%scan3A_216, %swap3A_618, %swap3A_619] : memref<4x128x64xf32, #tpu.memory_space<vmem>> -> memref<1x128x64xf32, #tpu.memory_space<vmem>>
        %swap3A_621 = tpu.memref_squeeze %swap3A_620 : memref<1x128x64xf32, #tpu.memory_space<vmem>> -> memref<128x64xf32, #tpu.memory_space<vmem>>
        %swap3A_622 = arith.index_cast %add3A_546 : i32 to index
        %swap3A_623 = arith.constant 48 : index
        %swap3A_624 = tpu.vector_load %swap3A_621[%swap3A_622, %swap3A_623] {strides = array<i32>} : memref<128x64xf32, #tpu.memory_space<vmem>>, vector<1x16xf32>,
        %swap3A_625 = vector.shape_cast %swap3A_624 : vector<1x16xf32> to vector<16xf32>
        %swap3A_626 = vector.shape_cast %mul3A_617 : vector<16xf32> to vector<1x16xf32>
        tpu.vector_store %swap3A_621[%swap3A_622, %swap3A_623], %swap3A_626 {strides = array<i32>} : memref<128x64xf32, #tpu.memory_space<vmem>>, vector<1x16xf32>,
        %scan3A_627 = arith.constant 3 : i32
        %scan3A_628 = arith.addi %scan3A_372, %scan3A_627 : i32
        %mul3A_629 = arith.constant 1 : i32
        %mul3A_630 = arith.muli %scan3A_628, %mul3A_629 : i32
        %add3A_631 = arith.constant 0 : i32
        %add3A_632 = arith.addi %add3A_631, %mul3A_630 : i32
        %get3A_633 = arith.constant 0 : i32
        %get3A_634 = arith.constant 0 : i32
        %get3A_635 = tpu.memref_slice %arg6[%scan3A_216, %get3A_633, %get3A_634] : memref<4x128x64xf32, #tpu.memory_space<vmem>> -> memref<1x128x64xf32, #tpu.memory_space<vmem>>
        %get3A_636 = tpu.memref_squeeze %get3A_635 : memref<1x128x64xf32, #tpu.memory_space<vmem>> -> memref<128x64xf32, #tpu.memory_space<vmem>>
        %get3A_637 = arith.index_cast %add3A_632 : i32 to index
        %get3A_638 = arith.constant 0 : index
        %get3A_639 = tpu.vector_load %get3A_636[%get3A_637, %get3A_638] {strides = array<i32>} : memref<128x64xf32, #tpu.memory_space<vmem>>, vector<1x16xf32>,
        %get3A_640 = vector.shape_cast %get3A_639 : vector<1x16xf32> to vector<16xf32>
        %mul3A_641 = arith.constant 8.000000e+00 : f32
        %mul3A_642 = vector.broadcast %mul3A_641 : f32 to vector<16xf32>
        %mul3A_643 = arith.mulf %get3A_640, %mul3A_642 : vector<16xf32>
        %swap3A_644 = arith.constant 0 : i32
        %swap3A_645 = arith.constant 0 : i32
        %swap3A_646 = tpu.memref_slice %arg6[%scan3A_216, %swap3A_644, %swap3A_645] : memref<4x128x64xf32, #tpu.memory_space<vmem>> -> memref<1x128x64xf32, #tpu.memory_space<vmem>>
        %swap3A_647 = tpu.memref_squeeze %swap3A_646 : memref<1x128x64xf32, #tpu.memory_space<vmem>> -> memref<128x64xf32, #tpu.memory_space<vmem>>
        %swap3A_648 = arith.index_cast %add3A_632 : i32 to index
        %swap3A_649 = arith.constant 0 : index
        %swap3A_650 = tpu.vector_load %swap3A_647[%swap3A_648, %swap3A_649] {strides = array<i32>} : memref<128x64xf32, #tpu.memory_space<vmem>>, vector<1x16xf32>,
        %swap3A_651 = vector.shape_cast %swap3A_650 : vector<1x16xf32> to vector<16xf32>
        %swap3A_652 = vector.shape_cast %mul3A_643 : vector<16xf32> to vector<1x16xf32>
        tpu.vector_store %swap3A_647[%swap3A_648, %swap3A_649], %swap3A_652 {strides = array<i32>} : memref<128x64xf32, #tpu.memory_space<vmem>>, vector<1x16xf32>,
        %get3A_653 = arith.constant 0 : i32
        %get3A_654 = arith.constant 0 : i32
        %get3A_655 = tpu.memref_slice %arg6[%scan3A_216, %get3A_653, %get3A_654] : memref<4x128x64xf32, #tpu.memory_space<vmem>> -> memref<1x128x64xf32, #tpu.memory_space<vmem>>
        %get3A_656 = tpu.memref_squeeze %get3A_655 : memref<1x128x64xf32, #tpu.memory_space<vmem>> -> memref<128x64xf32, #tpu.memory_space<vmem>>
        %get3A_657 = arith.index_cast %add3A_632 : i32 to index
        %get3A_658 = arith.constant 16 : index
        %get3A_659 = tpu.vector_load %get3A_656[%get3A_657, %get3A_658] {strides = array<i32>} : memref<128x64xf32, #tpu.memory_space<vmem>>, vector<1x16xf32>,
        %get3A_660 = vector.shape_cast %get3A_659 : vector<1x16xf32> to vector<16xf32>
        %mul3A_661 = arith.constant 8.000000e+00 : f32
        %mul3A_662 = vector.broadcast %mul3A_661 : f32 to vector<16xf32>
        %mul3A_663 = arith.mulf %get3A_660, %mul3A_662 : vector<16xf32>
        %swap3A_664 = arith.constant 0 : i32
        %swap3A_665 = arith.constant 0 : i32
        %swap3A_666 = tpu.memref_slice %arg6[%scan3A_216, %swap3A_664, %swap3A_665] : memref<4x128x64xf32, #tpu.memory_space<vmem>> -> memref<1x128x64xf32, #tpu.memory_space<vmem>>
        %swap3A_667 = tpu.memref_squeeze %swap3A_666 : memref<1x128x64xf32, #tpu.memory_space<vmem>> -> memref<128x64xf32, #tpu.memory_space<vmem>>
        %swap3A_668 = arith.index_cast %add3A_632 : i32 to index
        %swap3A_669 = arith.constant 16 : index
        %swap3A_670 = tpu.vector_load %swap3A_667[%swap3A_668, %swap3A_669] {strides = array<i32>} : memref<128x64xf32, #tpu.memory_space<vmem>>, vector<1x16xf32>,
        %swap3A_671 = vector.shape_cast %swap3A_670 : vector<1x16xf32> to vector<16xf32>
        %swap3A_672 = vector.shape_cast %mul3A_663 : vector<16xf32> to vector<1x16xf32>
        tpu.vector_store %swap3A_667[%swap3A_668, %swap3A_669], %swap3A_672 {strides = array<i32>} : memref<128x64xf32, #tpu.memory_space<vmem>>, vector<1x16xf32>,
        %get3A_673 = arith.constant 0 : i32
        %get3A_674 = arith.constant 0 : i32
        %get3A_675 = tpu.memref_slice %arg6[%scan3A_216, %get3A_673, %get3A_674] : memref<4x128x64xf32, #tpu.memory_space<vmem>> -> memref<1x128x64xf32, #tpu.memory_space<vmem>>
        %get3A_676 = tpu.memref_squeeze %get3A_675 : memref<1x128x64xf32, #tpu.memory_space<vmem>> -> memref<128x64xf32, #tpu.memory_space<vmem>>
        %get3A_677 = arith.index_cast %add3A_632 : i32 to index
        %get3A_678 = arith.constant 32 : index
        %get3A_679 = tpu.vector_load %get3A_676[%get3A_677, %get3A_678] {strides = array<i32>} : memref<128x64xf32, #tpu.memory_space<vmem>>, vector<1x16xf32>,
        %get3A_680 = vector.shape_cast %get3A_679 : vector<1x16xf32> to vector<16xf32>
        %mul3A_681 = arith.constant 8.000000e+00 : f32
        %mul3A_682 = vector.broadcast %mul3A_681 : f32 to vector<16xf32>
        %mul3A_683 = arith.mulf %get3A_680, %mul3A_682 : vector<16xf32>
        %swap3A_684 = arith.constant 0 : i32
        %swap3A_685 = arith.constant 0 : i32
        %swap3A_686 = tpu.memref_slice %arg6[%scan3A_216, %swap3A_684, %swap3A_685] : memref<4x128x64xf32, #tpu.memory_space<vmem>> -> memref<1x128x64xf32, #tpu.memory_space<vmem>>
        %swap3A_687 = tpu.memref_squeeze %swap3A_686 : memref<1x128x64xf32, #tpu.memory_space<vmem>> -> memref<128x64xf32, #tpu.memory_space<vmem>>
        %swap3A_688 = arith.index_cast %add3A_632 : i32 to index
        %swap3A_689 = arith.constant 32 : index
        %swap3A_690 = tpu.vector_load %swap3A_687[%swap3A_688, %swap3A_689] {strides = array<i32>} : memref<128x64xf32, #tpu.memory_space<vmem>>, vector<1x16xf32>,
        %swap3A_691 = vector.shape_cast %swap3A_690 : vector<1x16xf32> to vector<16xf32>
        %swap3A_692 = vector.shape_cast %mul3A_683 : vector<16xf32> to vector<1x16xf32>
        tpu.vector_store %swap3A_687[%swap3A_688, %swap3A_689], %swap3A_692 {strides = array<i32>} : memref<128x64xf32, #tpu.memory_space<vmem>>, vector<1x16xf32>,
        %get3A_693 = arith.constant 0 : i32
        %get3A_694 = arith.constant 0 : i32
        %get3A_695 = tpu.memref_slice %arg6[%scan3A_216, %get3A_693, %get3A_694] : memref<4x128x64xf32, #tpu.memory_space<vmem>> -> memref<1x128x64xf32, #tpu.memory_space<vmem>>
        %get3A_696 = tpu.memref_squeeze %get3A_695 : memref<1x128x64xf32, #tpu.memory_space<vmem>> -> memref<128x64xf32, #tpu.memory_space<vmem>>
        %get3A_697 = arith.index_cast %add3A_632 : i32 to index
        %get3A_698 = arith.constant 48 : index
        %get3A_699 = tpu.vector_load %get3A_696[%get3A_697, %get3A_698] {strides = array<i32>} : memref<128x64xf32, #tpu.memory_space<vmem>>, vector<1x16xf32>,
        %get3A_700 = vector.shape_cast %get3A_699 : vector<1x16xf32> to vector<16xf32>
        %mul3A_701 = arith.constant 8.000000e+00 : f32
        %mul3A_702 = vector.broadcast %mul3A_701 : f32 to vector<16xf32>
        %mul3A_703 = arith.mulf %get3A_700, %mul3A_702 : vector<16xf32>
        %swap3A_704 = arith.constant 0 : i32
        %swap3A_705 = arith.constant 0 : i32
        %swap3A_706 = tpu.memref_slice %arg6[%scan3A_216, %swap3A_704, %swap3A_705] : memref<4x128x64xf32, #tpu.memory_space<vmem>> -> memref<1x128x64xf32, #tpu.memory_space<vmem>>
        %swap3A_707 = tpu.memref_squeeze %swap3A_706 : memref<1x128x64xf32, #tpu.memory_space<vmem>> -> memref<128x64xf32, #tpu.memory_space<vmem>>
        %swap3A_708 = arith.index_cast %add3A_632 : i32 to index
        %swap3A_709 = arith.constant 48 : index
        %swap3A_710 = tpu.vector_load %swap3A_707[%swap3A_708, %swap3A_709] {strides = array<i32>} : memref<128x64xf32, #tpu.memory_space<vmem>>, vector<1x16xf32>,
        %swap3A_711 = vector.shape_cast %swap3A_710 : vector<1x16xf32> to vector<16xf32>
        %swap3A_712 = vector.shape_cast %mul3A_703 : vector<16xf32> to vector<1x16xf32>
        tpu.vector_store %swap3A_707[%swap3A_708, %swap3A_709], %swap3A_712 {strides = array<i32>} : memref<128x64xf32, #tpu.memory_space<vmem>>, vector<1x16xf32>,
      }
      %scan3A_221 = arith.constant 72 : i32
      %add3A_222 = arith.addi %mul3A_2, %add3A_201 : i32
      %dma_start3A_223 = arith.constant 1 : i32
      %dma_start3A_224 = arith.constant 1 : i32
      %dma_start3A_225 = arith.constant 0 : i32
      %dma_start3A_226 = arith.constant 0 : i32
      %dma_start3A_227 = tpu.memref_slice %arg6[%dma_start3A_223, %dma_start3A_225, %dma_start3A_226] : memref<4x128x64xf32, #tpu.memory_space<vmem>> -> memref<1x72x64xf32, #tpu.memory_space<vmem>>
      %dma_start3A_228 = tpu.memref_squeeze %dma_start3A_227 : memref<1x72x64xf32, #tpu.memory_space<vmem>> -> memref<72x64xf32, #tpu.memory_space<vmem>>
      %dma_start3A_229 = arith.constant 128 : i32
      %dma_start3A_230 = arith.constant 0 : i32
      %dma_start3A_231 = tpu.memref_slice %arg4[%add3A_222, %dma_start3A_229, %dma_start3A_230] : memref<4096x200x64xf32, #tpu.memory_space<hbm>> -> memref<1x72x64xf32, #tpu.memory_space<hbm>>
      %dma_start3A_232 = tpu.memref_squeeze %dma_start3A_231 : memref<1x72x64xf32, #tpu.memory_space<hbm>> -> memref<72x64xf32, #tpu.memory_space<hbm>>
      %dma_start3A_233 = tpu.memref_slice %arg8[%dma_start3A_224] : memref<4x!tpu.dma_semaphore, #tpu.memory_space<semaphore_mem>> -> memref<1x!tpu.dma_semaphore, #tpu.memory_space<semaphore_mem>>
      %dma_start3A_234 = tpu.memref_squeeze %dma_start3A_233 : memref<1x!tpu.dma_semaphore, #tpu.memory_space<semaphore_mem>> -> memref<!tpu.dma_semaphore, #tpu.memory_space<semaphore_mem>>
      %dma_start3A_235 = arith.constant 128 : i32
      %dma_start3A_236 = arith.constant 0 : i32
      %dma_start3A_237 = tpu.memref_slice %arg4[%add3A_222, %dma_start3A_235, %dma_start3A_236] : memref<4096x200x64xf32, #tpu.memory_space<hbm>> -> memref<1x72x64xf32, #tpu.memory_space<hbm>>
      %dma_start3A_238 = tpu.memref_squeeze %dma_start3A_237 : memref<1x72x64xf32, #tpu.memory_space<hbm>> -> memref<72x64xf32, #tpu.memory_space<hbm>>
      %dma_start3A_239 = arith.constant 0 : i32
      %dma_start3A_240 = arith.constant 0 : i32
      %dma_start3A_241 = tpu.memref_slice %arg6[%dma_start3A_223, %dma_start3A_239, %dma_start3A_240] : memref<4x128x64xf32, #tpu.memory_space<vmem>> -> memref<1x72x64xf32, #tpu.memory_space<vmem>>
      %dma_start3A_242 = tpu.memref_squeeze %dma_start3A_241 : memref<1x72x64xf32, #tpu.memory_space<vmem>> -> memref<72x64xf32, #tpu.memory_space<vmem>>
      tpu.enqueue_dma source(%dma_start3A_242 : memref<72x64xf32, #tpu.memory_space<vmem>>) target(%dma_start3A_238 : memref<72x64xf32, #tpu.memory_space<hbm>>) target_semaphore(%dma_start3A_234 : memref<!tpu.dma_semaphore, #tpu.memory_space<semaphore_mem>>)
      %mul3A_243 = arith.constant 2 : i32
      %mul3A_244 = arith.muli %mul3A_243, %add3A_142 : i32
      %add3A_245 = arith.constant 2 : i32
      %add3A_246 = arith.addi %mul3A_244, %add3A_245 : i32
      %mul3A_247 = arith.constant 4 : i32
      %mul3A_248 = arith.muli %mul3A_247, %add3A_142 : i32
      %add3A_249 = arith.constant 4 : i32
      %add3A_250 = arith.addi %mul3A_248, %add3A_249 : i32
      %lt3A_251 = arith.constant 128 : i32
      %lt3A_252 = arith.cmpi slt, %add3A_246, %lt3A_251 : i32
      %convert_element_type3A_253 = arith.extui %lt3A_252 : i1 to i32
      %cond3A_254 = arith.constant 0 : i32
      %cond3A_255 = arith.cmpi ne, %convert_element_type3A_253, %cond3A_254 : i32
      scf.if %cond3A_255 {
        %ge3A = arith.constant 4 : i32
        %ge3A_372 = arith.cmpi sge, %add3A_250, %ge3A : i32
        %convert_element_type3A_373 = arith.extui %ge3A_372 : i1 to i32
        %cond3A_374 = arith.constant 0 : i32
        %cond3A_375 = arith.cmpi ne, %convert_element_type3A_373, %cond3A_374 : i32
        scf.if %cond3A_375 {
          %sub3A = arith.constant 2 : i32
          %sub3A_390 = arith.subi %add3A_246, %sub3A : i32
          %add3A_391 = arith.addi %mul3A_2, %sub3A_390 : i32
          %dma_wait3A_392 = arith.constant 0 : i32
          %dma_wait3A_393 = arith.constant 0 : i32
          %dma_wait3A_394 = arith.constant 0 : i32
          %dma_wait3A_395 = arith.constant 0 : i32
          %dma_wait3A_396 = tpu.memref_slice %arg6[%dma_wait3A_392, %dma_wait3A_394, %dma_wait3A_395] : memref<4x128x64xf32, #tpu.memory_space<vmem>> -> memref<1x128x64xf32, #tpu.memory_space<vmem>>
          %dma_wait3A_397 = tpu.memref_squeeze %dma_wait3A_396 : memref<1x128x64xf32, #tpu.memory_space<vmem>> -> memref<128x64xf32, #tpu.memory_space<vmem>>
          %dma_wait3A_398 = arith.constant 0 : i32
          %dma_wait3A_399 = arith.constant 0 : i32
          %dma_wait3A_400 = tpu.memref_slice %arg4[%add3A_391, %dma_wait3A_398, %dma_wait3A_399] : memref<4096x200x64xf32, #tpu.memory_space<hbm>> -> memref<1x128x64xf32, #tpu.memory_space<hbm>>
          %dma_wait3A_401 = tpu.memref_squeeze %dma_wait3A_400 : memref<1x128x64xf32, #tpu.memory_space<hbm>> -> memref<128x64xf32, #tpu.memory_space<hbm>>
          %dma_wait3A_402 = tpu.memref_slice %arg8[%dma_wait3A_393] : memref<4x!tpu.dma_semaphore, #tpu.memory_space<semaphore_mem>> -> memref<1x!tpu.dma_semaphore, #tpu.memory_space<semaphore_mem>>
          %dma_wait3A_403 = tpu.memref_squeeze %dma_wait3A_402 : memref<1x!tpu.dma_semaphore, #tpu.memory_space<semaphore_mem>> -> memref<!tpu.dma_semaphore, #tpu.memory_space<semaphore_mem>>
          %dma_wait3A_404 = arith.constant 0 : i32
          %dma_wait3A_405 = arith.constant 0 : i32
          %dma_wait3A_406 = tpu.memref_slice %arg4[%add3A_391, %dma_wait3A_404, %dma_wait3A_405] : memref<4096x200x64xf32, #tpu.memory_space<hbm>> -> memref<1x128x64xf32, #tpu.memory_space<hbm>>
          %dma_wait3A_407 = tpu.memref_squeeze %dma_wait3A_406 : memref<1x128x64xf32, #tpu.memory_space<hbm>> -> memref<128x64xf32, #tpu.memory_space<hbm>>
          %dma_wait3A_408 = arith.constant 0 : i32
          %dma_wait3A_409 = arith.constant 0 : i32
          %dma_wait3A_410 = tpu.memref_slice %arg6[%dma_wait3A_392, %dma_wait3A_408, %dma_wait3A_409] : memref<4x128x64xf32, #tpu.memory_space<vmem>> -> memref<1x128x64xf32, #tpu.memory_space<vmem>>
          %dma_wait3A_411 = tpu.memref_squeeze %dma_wait3A_410 : memref<1x128x64xf32, #tpu.memory_space<vmem>> -> memref<128x64xf32, #tpu.memory_space<vmem>>
          tpu.wait_dma2 semaphore(%dma_wait3A_403 : memref<!tpu.dma_semaphore, #tpu.memory_space<semaphore_mem>>) src(%dma_wait3A_411 : memref<128x64xf32, #tpu.memory_space<vmem>>) dst(%dma_wait3A_407 : memref<128x64xf32, #tpu.memory_space<hbm>>)
        } else {
        }
        %dma_start3A_376 = arith.constant 0 : i32
        %dma_start3A_377 = arith.constant 0 : i32
        %dma_start3A_378 = arith.constant 0 : i32
        %dma_start3A_379 = arith.constant 0 : i32
        %dma_start3A_380 = tpu.memref_slice %arg6[%dma_start3A_376, %dma_start3A_378, %dma_start3A_379] : memref<4x128x64xf32, #tpu.memory_space<vmem>> -> memref<1x128x64xf32, #tpu.memory_space<vmem>>
        %dma_start3A_381 = tpu.memref_squeeze %dma_start3A_380 : memref<1x128x64xf32, #tpu.memory_space<vmem>> -> memref<128x64xf32, #tpu.memory_space<vmem>>
        %dma_start3A_382 = arith.constant 0 : i32
        %dma_start3A_383 = tpu.memref_slice %arg5[%add3A_246, %dma_start3A_382] : memref<128x200xi32, #tpu.memory_space<vmem>> -> memref<1x128xi32, #tpu.memory_space<vmem>>
        %dma_start3A_384 = tpu.memref_squeeze %dma_start3A_383 : memref<1x128xi32, #tpu.memory_space<vmem>> -> memref<128xi32, #tpu.memory_space<vmem>>
        %dma_start3A_385 = arith.constant 0 : i32
        %dma_start3A_386 = arith.constant 0 : i32
        %dma_start3A_387 = tpu.memref_slice %arg3[%dma_start3A_385, %dma_start3A_386] : memref<1000000x64xf32, #tpu.memory_space<hbm>> -> memref<1000000x64xf32, #tpu.memory_space<hbm>>
        %dma_start3A_388 = tpu.memref_slice %arg7[%dma_start3A_377] : memref<4x!tpu.dma_semaphore, #tpu.memory_space<semaphore_mem>> -> memref<1x!tpu.dma_semaphore, #tpu.memory_space<semaphore_mem>>
        %dma_start3A_389 = tpu.memref_squeeze %dma_start3A_388 : memref<1x!tpu.dma_semaphore, #tpu.memory_space<semaphore_mem>> -> memref<!tpu.dma_semaphore, #tpu.memory_space<semaphore_mem>>
        tpu.enqueue_indirect_dma source(%dma_start3A_387 : memref<1000000x64xf32, #tpu.memory_space<hbm>>) target(%dma_start3A_381 : memref<128x64xf32, #tpu.memory_space<vmem>>) offsets(%dma_start3A_384 : memref<128xi32, #tpu.memory_space<vmem>>) semaphore(%dma_start3A_389 : memref<!tpu.dma_semaphore, #tpu.memory_space<semaphore_mem>>)
      } else {
      }
      %mul3A_256 = arith.constant 2 : i32
      %mul3A_257 = arith.muli %mul3A_256, %add3A_142 : i32
      %add3A_258 = arith.constant 1 : i32
      %add3A_259 = arith.addi %mul3A_257, %add3A_258 : i32
      %dma_wait3A_260 = arith.constant 2 : i32
      %dma_wait3A_261 = arith.constant 2 : i32
      %dma_wait3A_262 = arith.constant 0 : i32
      %dma_wait3A_263 = arith.constant 0 : i32
      %dma_wait3A_264 = tpu.memref_slice %arg6[%dma_wait3A_260, %dma_wait3A_262, %dma_wait3A_263] : memref<4x128x64xf32, #tpu.memory_space<vmem>> -> memref<1x128x64xf32, #tpu.memory_space<vmem>>
      %dma_wait3A_265 = tpu.memref_squeeze %dma_wait3A_264 : memref<1x128x64xf32, #tpu.memory_space<vmem>> -> memref<128x64xf32, #tpu.memory_space<vmem>>
      %dma_wait3A_266 = arith.constant 0 : i32
      %dma_wait3A_267 = tpu.memref_slice %arg5[%add3A_259, %dma_wait3A_266] : memref<128x200xi32, #tpu.memory_space<vmem>> -> memref<1x128xi32, #tpu.memory_space<vmem>>
      %dma_wait3A_268 = tpu.memref_squeeze %dma_wait3A_267 : memref<1x128xi32, #tpu.memory_space<vmem>> -> memref<128xi32, #tpu.memory_space<vmem>>
      %dma_wait3A_269 = arith.constant 0 : i32
      %dma_wait3A_270 = arith.constant 0 : i32
      %dma_wait3A_271 = tpu.memref_slice %arg3[%dma_wait3A_269, %dma_wait3A_270] : memref<1000000x64xf32, #tpu.memory_space<hbm>> -> memref<1000000x64xf32, #tpu.memory_space<hbm>>
      %dma_wait3A_272 = tpu.memref_slice %arg7[%dma_wait3A_261] : memref<4x!tpu.dma_semaphore, #tpu.memory_space<semaphore_mem>> -> memref<1x!tpu.dma_semaphore, #tpu.memory_space<semaphore_mem>>
      %dma_wait3A_273 = tpu.memref_squeeze %dma_wait3A_272 : memref<1x!tpu.dma_semaphore, #tpu.memory_space<semaphore_mem>> -> memref<!tpu.dma_semaphore, #tpu.memory_space<semaphore_mem>>
      tpu.wait_indirect_dma semaphore(%dma_wait3A_273 : memref<!tpu.dma_semaphore, #tpu.memory_space<semaphore_mem>>) src(%dma_wait3A_271 : memref<1000000x64xf32, #tpu.memory_space<hbm>>) dst(%dma_wait3A_265 : memref<128x64xf32, #tpu.memory_space<vmem>>)
      %scan3A_274 = arith.constant 2 : i32
      %scan3A_275 = arith.constant 0 : i32
      %scan3A_276 = arith.constant 128 : i32
      %scan3A_277 = arith.addi %scan3A_275, %scan3A_276 : i32
      %scan3A_278 = arith.constant 4 : i32
      scf.for %scan3A_372 = %scan3A_275 to %scan3A_277 step %scan3A_278  : i32 {
        %mul3A_373 = arith.constant 1 : i32
        %mul3A_374 = arith.muli %scan3A_372, %mul3A_373 : i32
        %add3A_375 = arith.constant 0 : i32
        %add3A_376 = arith.addi %add3A_375, %mul3A_374 : i32
        %get3A = arith.constant 0 : i32
        %get3A_377 = arith.constant 0 : i32
        %get3A_378 = tpu.memref_slice %arg6[%scan3A_274, %get3A, %get3A_377] : memref<4x128x64xf32, #tpu.memory_space<vmem>> -> memref<1x128x64xf32, #tpu.memory_space<vmem>>
        %get3A_379 = tpu.memref_squeeze %get3A_378 : memref<1x128x64xf32, #tpu.memory_space<vmem>> -> memref<128x64xf32, #tpu.memory_space<vmem>>
        %get3A_380 = arith.index_cast %add3A_376 : i32 to index
        %get3A_381 = arith.constant 0 : index
        %get3A_382 = tpu.vector_load %get3A_379[%get3A_380, %get3A_381] {strides = array<i32>} : memref<128x64xf32, #tpu.memory_space<vmem>>, vector<1x16xf32>,
        %get3A_383 = vector.shape_cast %get3A_382 : vector<1x16xf32> to vector<16xf32>
        %mul3A_384 = arith.constant 8.000000e+00 : f32
        %mul3A_385 = vector.broadcast %mul3A_384 : f32 to vector<16xf32>
        %mul3A_386 = arith.mulf %get3A_383, %mul3A_385 : vector<16xf32>
        %swap3A = arith.constant 0 : i32
        %swap3A_387 = arith.constant 0 : i32
        %swap3A_388 = tpu.memref_slice %arg6[%scan3A_274, %swap3A, %swap3A_387] : memref<4x128x64xf32, #tpu.memory_space<vmem>> -> memref<1x128x64xf32, #tpu.memory_space<vmem>>
        %swap3A_389 = tpu.memref_squeeze %swap3A_388 : memref<1x128x64xf32, #tpu.memory_space<vmem>> -> memref<128x64xf32, #tpu.memory_space<vmem>>
        %swap3A_390 = arith.index_cast %add3A_376 : i32 to index
        %swap3A_391 = arith.constant 0 : index
        %swap3A_392 = tpu.vector_load %swap3A_389[%swap3A_390, %swap3A_391] {strides = array<i32>} : memref<128x64xf32, #tpu.memory_space<vmem>>, vector<1x16xf32>,
        %swap3A_393 = vector.shape_cast %swap3A_392 : vector<1x16xf32> to vector<16xf32>
        %swap3A_394 = vector.shape_cast %mul3A_386 : vector<16xf32> to vector<1x16xf32>
        tpu.vector_store %swap3A_389[%swap3A_390, %swap3A_391], %swap3A_394 {strides = array<i32>} : memref<128x64xf32, #tpu.memory_space<vmem>>, vector<1x16xf32>,
        %get3A_395 = arith.constant 0 : i32
        %get3A_396 = arith.constant 0 : i32
        %get3A_397 = tpu.memref_slice %arg6[%scan3A_274, %get3A_395, %get3A_396] : memref<4x128x64xf32, #tpu.memory_space<vmem>> -> memref<1x128x64xf32, #tpu.memory_space<vmem>>
        %get3A_398 = tpu.memref_squeeze %get3A_397 : memref<1x128x64xf32, #tpu.memory_space<vmem>> -> memref<128x64xf32, #tpu.memory_space<vmem>>
        %get3A_399 = arith.index_cast %add3A_376 : i32 to index
        %get3A_400 = arith.constant 16 : index
        %get3A_401 = tpu.vector_load %get3A_398[%get3A_399, %get3A_400] {strides = array<i32>} : memref<128x64xf32, #tpu.memory_space<vmem>>, vector<1x16xf32>,
        %get3A_402 = vector.shape_cast %get3A_401 : vector<1x16xf32> to vector<16xf32>
        %mul3A_403 = arith.constant 8.000000e+00 : f32
        %mul3A_404 = vector.broadcast %mul3A_403 : f32 to vector<16xf32>
        %mul3A_405 = arith.mulf %get3A_402, %mul3A_404 : vector<16xf32>
        %swap3A_406 = arith.constant 0 : i32
        %swap3A_407 = arith.constant 0 : i32
        %swap3A_408 = tpu.memref_slice %arg6[%scan3A_274, %swap3A_406, %swap3A_407] : memref<4x128x64xf32, #tpu.memory_space<vmem>> -> memref<1x128x64xf32, #tpu.memory_space<vmem>>
        %swap3A_409 = tpu.memref_squeeze %swap3A_408 : memref<1x128x64xf32, #tpu.memory_space<vmem>> -> memref<128x64xf32, #tpu.memory_space<vmem>>
        %swap3A_410 = arith.index_cast %add3A_376 : i32 to index
        %swap3A_411 = arith.constant 16 : index
        %swap3A_412 = tpu.vector_load %swap3A_409[%swap3A_410, %swap3A_411] {strides = array<i32>} : memref<128x64xf32, #tpu.memory_space<vmem>>, vector<1x16xf32>,
        %swap3A_413 = vector.shape_cast %swap3A_412 : vector<1x16xf32> to vector<16xf32>
        %swap3A_414 = vector.shape_cast %mul3A_405 : vector<16xf32> to vector<1x16xf32>
        tpu.vector_store %swap3A_409[%swap3A_410, %swap3A_411], %swap3A_414 {strides = array<i32>} : memref<128x64xf32, #tpu.memory_space<vmem>>, vector<1x16xf32>,
        %get3A_415 = arith.constant 0 : i32
        %get3A_416 = arith.constant 0 : i32
        %get3A_417 = tpu.memref_slice %arg6[%scan3A_274, %get3A_415, %get3A_416] : memref<4x128x64xf32, #tpu.memory_space<vmem>> -> memref<1x128x64xf32, #tpu.memory_space<vmem>>
        %get3A_418 = tpu.memref_squeeze %get3A_417 : memref<1x128x64xf32, #tpu.memory_space<vmem>> -> memref<128x64xf32, #tpu.memory_space<vmem>>
        %get3A_419 = arith.index_cast %add3A_376 : i32 to index
        %get3A_420 = arith.constant 32 : index
        %get3A_421 = tpu.vector_load %get3A_418[%get3A_419, %get3A_420] {strides = array<i32>} : memref<128x64xf32, #tpu.memory_space<vmem>>, vector<1x16xf32>,
        %get3A_422 = vector.shape_cast %get3A_421 : vector<1x16xf32> to vector<16xf32>
        %mul3A_423 = arith.constant 8.000000e+00 : f32
        %mul3A_424 = vector.broadcast %mul3A_423 : f32 to vector<16xf32>
        %mul3A_425 = arith.mulf %get3A_422, %mul3A_424 : vector<16xf32>
        %swap3A_426 = arith.constant 0 : i32
        %swap3A_427 = arith.constant 0 : i32
        %swap3A_428 = tpu.memref_slice %arg6[%scan3A_274, %swap3A_426, %swap3A_427] : memref<4x128x64xf32, #tpu.memory_space<vmem>> -> memref<1x128x64xf32, #tpu.memory_space<vmem>>
        %swap3A_429 = tpu.memref_squeeze %swap3A_428 : memref<1x128x64xf32, #tpu.memory_space<vmem>> -> memref<128x64xf32, #tpu.memory_space<vmem>>
        %swap3A_430 = arith.index_cast %add3A_376 : i32 to index
        %swap3A_431 = arith.constant 32 : index
        %swap3A_432 = tpu.vector_load %swap3A_429[%swap3A_430, %swap3A_431] {strides = array<i32>} : memref<128x64xf32, #tpu.memory_space<vmem>>, vector<1x16xf32>,
        %swap3A_433 = vector.shape_cast %swap3A_432 : vector<1x16xf32> to vector<16xf32>
        %swap3A_434 = vector.shape_cast %mul3A_425 : vector<16xf32> to vector<1x16xf32>
        tpu.vector_store %swap3A_429[%swap3A_430, %swap3A_431], %swap3A_434 {strides = array<i32>} : memref<128x64xf32, #tpu.memory_space<vmem>>, vector<1x16xf32>,
        %get3A_435 = arith.constant 0 : i32
        %get3A_436 = arith.constant 0 : i32
        %get3A_437 = tpu.memref_slice %arg6[%scan3A_274, %get3A_435, %get3A_436] : memref<4x128x64xf32, #tpu.memory_space<vmem>> -> memref<1x128x64xf32, #tpu.memory_space<vmem>>
        %get3A_438 = tpu.memref_squeeze %get3A_437 : memref<1x128x64xf32, #tpu.memory_space<vmem>> -> memref<128x64xf32, #tpu.memory_space<vmem>>
        %get3A_439 = arith.index_cast %add3A_376 : i32 to index
        %get3A_440 = arith.constant 48 : index
        %get3A_441 = tpu.vector_load %get3A_438[%get3A_439, %get3A_440] {strides = array<i32>} : memref<128x64xf32, #tpu.memory_space<vmem>>, vector<1x16xf32>,
        %get3A_442 = vector.shape_cast %get3A_441 : vector<1x16xf32> to vector<16xf32>
        %mul3A_443 = arith.constant 8.000000e+00 : f32
        %mul3A_444 = vector.broadcast %mul3A_443 : f32 to vector<16xf32>
        %mul3A_445 = arith.mulf %get3A_442, %mul3A_444 : vector<16xf32>
        %swap3A_446 = arith.constant 0 : i32
        %swap3A_447 = arith.constant 0 : i32
        %swap3A_448 = tpu.memref_slice %arg6[%scan3A_274, %swap3A_446, %swap3A_447] : memref<4x128x64xf32, #tpu.memory_space<vmem>> -> memref<1x128x64xf32, #tpu.memory_space<vmem>>
        %swap3A_449 = tpu.memref_squeeze %swap3A_448 : memref<1x128x64xf32, #tpu.memory_space<vmem>> -> memref<128x64xf32, #tpu.memory_space<vmem>>
        %swap3A_450 = arith.index_cast %add3A_376 : i32 to index
        %swap3A_451 = arith.constant 48 : index
        %swap3A_452 = tpu.vector_load %swap3A_449[%swap3A_450, %swap3A_451] {strides = array<i32>} : memref<128x64xf32, #tpu.memory_space<vmem>>, vector<1x16xf32>,
        %swap3A_453 = vector.shape_cast %swap3A_452 : vector<1x16xf32> to vector<16xf32>
        %swap3A_454 = vector.shape_cast %mul3A_445 : vector<16xf32> to vector<1x16xf32>
        tpu.vector_store %swap3A_449[%swap3A_450, %swap3A_451], %swap3A_454 {strides = array<i32>} : memref<128x64xf32, #tpu.memory_space<vmem>>, vector<1x16xf32>,
        %scan3A_455 = arith.constant 1 : i32
        %scan3A_456 = arith.addi %scan3A_372, %scan3A_455 : i32
        %mul3A_457 = arith.constant 1 : i32
        %mul3A_458 = arith.muli %scan3A_456, %mul3A_457 : i32
        %add3A_459 = arith.constant 0 : i32
        %add3A_460 = arith.addi %add3A_459, %mul3A_458 : i32
        %get3A_461 = arith.constant 0 : i32
        %get3A_462 = arith.constant 0 : i32
        %get3A_463 = tpu.memref_slice %arg6[%scan3A_274, %get3A_461, %get3A_462] : memref<4x128x64xf32, #tpu.memory_space<vmem>> -> memref<1x128x64xf32, #tpu.memory_space<vmem>>
        %get3A_464 = tpu.memref_squeeze %get3A_463 : memref<1x128x64xf32, #tpu.memory_space<vmem>> -> memref<128x64xf32, #tpu.memory_space<vmem>>
        %get3A_465 = arith.index_cast %add3A_460 : i32 to index
        %get3A_466 = arith.constant 0 : index
        %get3A_467 = tpu.vector_load %get3A_464[%get3A_465, %get3A_466] {strides = array<i32>} : memref<128x64xf32, #tpu.memory_space<vmem>>, vector<1x16xf32>,
        %get3A_468 = vector.shape_cast %get3A_467 : vector<1x16xf32> to vector<16xf32>
        %mul3A_469 = arith.constant 8.000000e+00 : f32
        %mul3A_470 = vector.broadcast %mul3A_469 : f32 to vector<16xf32>
        %mul3A_471 = arith.mulf %get3A_468, %mul3A_470 : vector<16xf32>
        %swap3A_472 = arith.constant 0 : i32
        %swap3A_473 = arith.constant 0 : i32
        %swap3A_474 = tpu.memref_slice %arg6[%scan3A_274, %swap3A_472, %swap3A_473] : memref<4x128x64xf32, #tpu.memory_space<vmem>> -> memref<1x128x64xf32, #tpu.memory_space<vmem>>
        %swap3A_475 = tpu.memref_squeeze %swap3A_474 : memref<1x128x64xf32, #tpu.memory_space<vmem>> -> memref<128x64xf32, #tpu.memory_space<vmem>>
        %swap3A_476 = arith.index_cast %add3A_460 : i32 to index
        %swap3A_477 = arith.constant 0 : index
        %swap3A_478 = tpu.vector_load %swap3A_475[%swap3A_476, %swap3A_477] {strides = array<i32>} : memref<128x64xf32, #tpu.memory_space<vmem>>, vector<1x16xf32>,
        %swap3A_479 = vector.shape_cast %swap3A_478 : vector<1x16xf32> to vector<16xf32>
        %swap3A_480 = vector.shape_cast %mul3A_471 : vector<16xf32> to vector<1x16xf32>
        tpu.vector_store %swap3A_475[%swap3A_476, %swap3A_477], %swap3A_480 {strides = array<i32>} : memref<128x64xf32, #tpu.memory_space<vmem>>, vector<1x16xf32>,
        %get3A_481 = arith.constant 0 : i32
        %get3A_482 = arith.constant 0 : i32
        %get3A_483 = tpu.memref_slice %arg6[%scan3A_274, %get3A_481, %get3A_482] : memref<4x128x64xf32, #tpu.memory_space<vmem>> -> memref<1x128x64xf32, #tpu.memory_space<vmem>>
        %get3A_484 = tpu.memref_squeeze %get3A_483 : memref<1x128x64xf32, #tpu.memory_space<vmem>> -> memref<128x64xf32, #tpu.memory_space<vmem>>
        %get3A_485 = arith.index_cast %add3A_460 : i32 to index
        %get3A_486 = arith.constant 16 : index
        %get3A_487 = tpu.vector_load %get3A_484[%get3A_485, %get3A_486] {strides = array<i32>} : memref<128x64xf32, #tpu.memory_space<vmem>>, vector<1x16xf32>,
        %get3A_488 = vector.shape_cast %get3A_487 : vector<1x16xf32> to vector<16xf32>
        %mul3A_489 = arith.constant 8.000000e+00 : f32
        %mul3A_490 = vector.broadcast %mul3A_489 : f32 to vector<16xf32>
        %mul3A_491 = arith.mulf %get3A_488, %mul3A_490 : vector<16xf32>
        %swap3A_492 = arith.constant 0 : i32
        %swap3A_493 = arith.constant 0 : i32
        %swap3A_494 = tpu.memref_slice %arg6[%scan3A_274, %swap3A_492, %swap3A_493] : memref<4x128x64xf32, #tpu.memory_space<vmem>> -> memref<1x128x64xf32, #tpu.memory_space<vmem>>
        %swap3A_495 = tpu.memref_squeeze %swap3A_494 : memref<1x128x64xf32, #tpu.memory_space<vmem>> -> memref<128x64xf32, #tpu.memory_space<vmem>>
        %swap3A_496 = arith.index_cast %add3A_460 : i32 to index
        %swap3A_497 = arith.constant 16 : index
        %swap3A_498 = tpu.vector_load %swap3A_495[%swap3A_496, %swap3A_497] {strides = array<i32>} : memref<128x64xf32, #tpu.memory_space<vmem>>, vector<1x16xf32>,
        %swap3A_499 = vector.shape_cast %swap3A_498 : vector<1x16xf32> to vector<16xf32>
        %swap3A_500 = vector.shape_cast %mul3A_491 : vector<16xf32> to vector<1x16xf32>
        tpu.vector_store %swap3A_495[%swap3A_496, %swap3A_497], %swap3A_500 {strides = array<i32>} : memref<128x64xf32, #tpu.memory_space<vmem>>, vector<1x16xf32>,
        %get3A_501 = arith.constant 0 : i32
        %get3A_502 = arith.constant 0 : i32
        %get3A_503 = tpu.memref_slice %arg6[%scan3A_274, %get3A_501, %get3A_502] : memref<4x128x64xf32, #tpu.memory_space<vmem>> -> memref<1x128x64xf32, #tpu.memory_space<vmem>>
        %get3A_504 = tpu.memref_squeeze %get3A_503 : memref<1x128x64xf32, #tpu.memory_space<vmem>> -> memref<128x64xf32, #tpu.memory_space<vmem>>
        %get3A_505 = arith.index_cast %add3A_460 : i32 to index
        %get3A_506 = arith.constant 32 : index
        %get3A_507 = tpu.vector_load %get3A_504[%get3A_505, %get3A_506] {strides = array<i32>} : memref<128x64xf32, #tpu.memory_space<vmem>>, vector<1x16xf32>,
        %get3A_508 = vector.shape_cast %get3A_507 : vector<1x16xf32> to vector<16xf32>
        %mul3A_509 = arith.constant 8.000000e+00 : f32
        %mul3A_510 = vector.broadcast %mul3A_509 : f32 to vector<16xf32>
        %mul3A_511 = arith.mulf %get3A_508, %mul3A_510 : vector<16xf32>
        %swap3A_512 = arith.constant 0 : i32
        %swap3A_513 = arith.constant 0 : i32
        %swap3A_514 = tpu.memref_slice %arg6[%scan3A_274, %swap3A_512, %swap3A_513] : memref<4x128x64xf32, #tpu.memory_space<vmem>> -> memref<1x128x64xf32, #tpu.memory_space<vmem>>
        %swap3A_515 = tpu.memref_squeeze %swap3A_514 : memref<1x128x64xf32, #tpu.memory_space<vmem>> -> memref<128x64xf32, #tpu.memory_space<vmem>>
        %swap3A_516 = arith.index_cast %add3A_460 : i32 to index
        %swap3A_517 = arith.constant 32 : index
        %swap3A_518 = tpu.vector_load %swap3A_515[%swap3A_516, %swap3A_517] {strides = array<i32>} : memref<128x64xf32, #tpu.memory_space<vmem>>, vector<1x16xf32>,
        %swap3A_519 = vector.shape_cast %swap3A_518 : vector<1x16xf32> to vector<16xf32>
        %swap3A_520 = vector.shape_cast %mul3A_511 : vector<16xf32> to vector<1x16xf32>
        tpu.vector_store %swap3A_515[%swap3A_516, %swap3A_517], %swap3A_520 {strides = array<i32>} : memref<128x64xf32, #tpu.memory_space<vmem>>, vector<1x16xf32>,
        %get3A_521 = arith.constant 0 : i32
        %get3A_522 = arith.constant 0 : i32
        %get3A_523 = tpu.memref_slice %arg6[%scan3A_274, %get3A_521, %get3A_522] : memref<4x128x64xf32, #tpu.memory_space<vmem>> -> memref<1x128x64xf32, #tpu.memory_space<vmem>>
        %get3A_524 = tpu.memref_squeeze %get3A_523 : memref<1x128x64xf32, #tpu.memory_space<vmem>> -> memref<128x64xf32, #tpu.memory_space<vmem>>
        %get3A_525 = arith.index_cast %add3A_460 : i32 to index
        %get3A_526 = arith.constant 48 : index
        %get3A_527 = tpu.vector_load %get3A_524[%get3A_525, %get3A_526] {strides = array<i32>} : memref<128x64xf32, #tpu.memory_space<vmem>>, vector<1x16xf32>,
        %get3A_528 = vector.shape_cast %get3A_527 : vector<1x16xf32> to vector<16xf32>
        %mul3A_529 = arith.constant 8.000000e+00 : f32
        %mul3A_530 = vector.broadcast %mul3A_529 : f32 to vector<16xf32>
        %mul3A_531 = arith.mulf %get3A_528, %mul3A_530 : vector<16xf32>
        %swap3A_532 = arith.constant 0 : i32
        %swap3A_533 = arith.constant 0 : i32
        %swap3A_534 = tpu.memref_slice %arg6[%scan3A_274, %swap3A_532, %swap3A_533] : memref<4x128x64xf32, #tpu.memory_space<vmem>> -> memref<1x128x64xf32, #tpu.memory_space<vmem>>
        %swap3A_535 = tpu.memref_squeeze %swap3A_534 : memref<1x128x64xf32, #tpu.memory_space<vmem>> -> memref<128x64xf32, #tpu.memory_space<vmem>>
        %swap3A_536 = arith.index_cast %add3A_460 : i32 to index
        %swap3A_537 = arith.constant 48 : index
        %swap3A_538 = tpu.vector_load %swap3A_535[%swap3A_536, %swap3A_537] {strides = array<i32>} : memref<128x64xf32, #tpu.memory_space<vmem>>, vector<1x16xf32>,
        %swap3A_539 = vector.shape_cast %swap3A_538 : vector<1x16xf32> to vector<16xf32>
        %swap3A_540 = vector.shape_cast %mul3A_531 : vector<16xf32> to vector<1x16xf32>
        tpu.vector_store %swap3A_535[%swap3A_536, %swap3A_537], %swap3A_540 {strides = array<i32>} : memref<128x64xf32, #tpu.memory_space<vmem>>, vector<1x16xf32>,
        %scan3A_541 = arith.constant 2 : i32
        %scan3A_542 = arith.addi %scan3A_372, %scan3A_541 : i32
        %mul3A_543 = arith.constant 1 : i32
        %mul3A_544 = arith.muli %scan3A_542, %mul3A_543 : i32
        %add3A_545 = arith.constant 0 : i32
        %add3A_546 = arith.addi %add3A_545, %mul3A_544 : i32
        %get3A_547 = arith.constant 0 : i32
        %get3A_548 = arith.constant 0 : i32
        %get3A_549 = tpu.memref_slice %arg6[%scan3A_274, %get3A_547, %get3A_548] : memref<4x128x64xf32, #tpu.memory_space<vmem>> -> memref<1x128x64xf32, #tpu.memory_space<vmem>>
        %get3A_550 = tpu.memref_squeeze %get3A_549 : memref<1x128x64xf32, #tpu.memory_space<vmem>> -> memref<128x64xf32, #tpu.memory_space<vmem>>
        %get3A_551 = arith.index_cast %add3A_546 : i32 to index
        %get3A_552 = arith.constant 0 : index
        %get3A_553 = tpu.vector_load %get3A_550[%get3A_551, %get3A_552] {strides = array<i32>} : memref<128x64xf32, #tpu.memory_space<vmem>>, vector<1x16xf32>,
        %get3A_554 = vector.shape_cast %get3A_553 : vector<1x16xf32> to vector<16xf32>
        %mul3A_555 = arith.constant 8.000000e+00 : f32
        %mul3A_556 = vector.broadcast %mul3A_555 : f32 to vector<16xf32>
        %mul3A_557 = arith.mulf %get3A_554, %mul3A_556 : vector<16xf32>
        %swap3A_558 = arith.constant 0 : i32
        %swap3A_559 = arith.constant 0 : i32
        %swap3A_560 = tpu.memref_slice %arg6[%scan3A_274, %swap3A_558, %swap3A_559] : memref<4x128x64xf32, #tpu.memory_space<vmem>> -> memref<1x128x64xf32, #tpu.memory_space<vmem>>
        %swap3A_561 = tpu.memref_squeeze %swap3A_560 : memref<1x128x64xf32, #tpu.memory_space<vmem>> -> memref<128x64xf32, #tpu.memory_space<vmem>>
        %swap3A_562 = arith.index_cast %add3A_546 : i32 to index
        %swap3A_563 = arith.constant 0 : index
        %swap3A_564 = tpu.vector_load %swap3A_561[%swap3A_562, %swap3A_563] {strides = array<i32>} : memref<128x64xf32, #tpu.memory_space<vmem>>, vector<1x16xf32>,
        %swap3A_565 = vector.shape_cast %swap3A_564 : vector<1x16xf32> to vector<16xf32>
        %swap3A_566 = vector.shape_cast %mul3A_557 : vector<16xf32> to vector<1x16xf32>
        tpu.vector_store %swap3A_561[%swap3A_562, %swap3A_563], %swap3A_566 {strides = array<i32>} : memref<128x64xf32, #tpu.memory_space<vmem>>, vector<1x16xf32>,
        %get3A_567 = arith.constant 0 : i32
        %get3A_568 = arith.constant 0 : i32
        %get3A_569 = tpu.memref_slice %arg6[%scan3A_274, %get3A_567, %get3A_568] : memref<4x128x64xf32, #tpu.memory_space<vmem>> -> memref<1x128x64xf32, #tpu.memory_space<vmem>>
        %get3A_570 = tpu.memref_squeeze %get3A_569 : memref<1x128x64xf32, #tpu.memory_space<vmem>> -> memref<128x64xf32, #tpu.memory_space<vmem>>
        %get3A_571 = arith.index_cast %add3A_546 : i32 to index
        %get3A_572 = arith.constant 16 : index
        %get3A_573 = tpu.vector_load %get3A_570[%get3A_571, %get3A_572] {strides = array<i32>} : memref<128x64xf32, #tpu.memory_space<vmem>>, vector<1x16xf32>,
        %get3A_574 = vector.shape_cast %get3A_573 : vector<1x16xf32> to vector<16xf32>
        %mul3A_575 = arith.constant 8.000000e+00 : f32
        %mul3A_576 = vector.broadcast %mul3A_575 : f32 to vector<16xf32>
        %mul3A_577 = arith.mulf %get3A_574, %mul3A_576 : vector<16xf32>
        %swap3A_578 = arith.constant 0 : i32
        %swap3A_579 = arith.constant 0 : i32
        %swap3A_580 = tpu.memref_slice %arg6[%scan3A_274, %swap3A_578, %swap3A_579] : memref<4x128x64xf32, #tpu.memory_space<vmem>> -> memref<1x128x64xf32, #tpu.memory_space<vmem>>
        %swap3A_581 = tpu.memref_squeeze %swap3A_580 : memref<1x128x64xf32, #tpu.memory_space<vmem>> -> memref<128x64xf32, #tpu.memory_space<vmem>>
        %swap3A_582 = arith.index_cast %add3A_546 : i32 to index
        %swap3A_583 = arith.constant 16 : index
        %swap3A_584 = tpu.vector_load %swap3A_581[%swap3A_582, %swap3A_583] {strides = array<i32>} : memref<128x64xf32, #tpu.memory_space<vmem>>, vector<1x16xf32>,
        %swap3A_585 = vector.shape_cast %swap3A_584 : vector<1x16xf32> to vector<16xf32>
        %swap3A_586 = vector.shape_cast %mul3A_577 : vector<16xf32> to vector<1x16xf32>
        tpu.vector_store %swap3A_581[%swap3A_582, %swap3A_583], %swap3A_586 {strides = array<i32>} : memref<128x64xf32, #tpu.memory_space<vmem>>, vector<1x16xf32>,
        %get3A_587 = arith.constant 0 : i32
        %get3A_588 = arith.constant 0 : i32
        %get3A_589 = tpu.memref_slice %arg6[%scan3A_274, %get3A_587, %get3A_588] : memref<4x128x64xf32, #tpu.memory_space<vmem>> -> memref<1x128x64xf32, #tpu.memory_space<vmem>>
        %get3A_590 = tpu.memref_squeeze %get3A_589 : memref<1x128x64xf32, #tpu.memory_space<vmem>> -> memref<128x64xf32, #tpu.memory_space<vmem>>
        %get3A_591 = arith.index_cast %add3A_546 : i32 to index
        %get3A_592 = arith.constant 32 : index
        %get3A_593 = tpu.vector_load %get3A_590[%get3A_591, %get3A_592] {strides = array<i32>} : memref<128x64xf32, #tpu.memory_space<vmem>>, vector<1x16xf32>,
        %get3A_594 = vector.shape_cast %get3A_593 : vector<1x16xf32> to vector<16xf32>
        %mul3A_595 = arith.constant 8.000000e+00 : f32
        %mul3A_596 = vector.broadcast %mul3A_595 : f32 to vector<16xf32>
        %mul3A_597 = arith.mulf %get3A_594, %mul3A_596 : vector<16xf32>
        %swap3A_598 = arith.constant 0 : i32
        %swap3A_599 = arith.constant 0 : i32
        %swap3A_600 = tpu.memref_slice %arg6[%scan3A_274, %swap3A_598, %swap3A_599] : memref<4x128x64xf32, #tpu.memory_space<vmem>> -> memref<1x128x64xf32, #tpu.memory_space<vmem>>
        %swap3A_601 = tpu.memref_squeeze %swap3A_600 : memref<1x128x64xf32, #tpu.memory_space<vmem>> -> memref<128x64xf32, #tpu.memory_space<vmem>>
        %swap3A_602 = arith.index_cast %add3A_546 : i32 to index
        %swap3A_603 = arith.constant 32 : index
        %swap3A_604 = tpu.vector_load %swap3A_601[%swap3A_602, %swap3A_603] {strides = array<i32>} : memref<128x64xf32, #tpu.memory_space<vmem>>, vector<1x16xf32>,
        %swap3A_605 = vector.shape_cast %swap3A_604 : vector<1x16xf32> to vector<16xf32>
        %swap3A_606 = vector.shape_cast %mul3A_597 : vector<16xf32> to vector<1x16xf32>
        tpu.vector_store %swap3A_601[%swap3A_602, %swap3A_603], %swap3A_606 {strides = array<i32>} : memref<128x64xf32, #tpu.memory_space<vmem>>, vector<1x16xf32>,
        %get3A_607 = arith.constant 0 : i32
        %get3A_608 = arith.constant 0 : i32
        %get3A_609 = tpu.memref_slice %arg6[%scan3A_274, %get3A_607, %get3A_608] : memref<4x128x64xf32, #tpu.memory_space<vmem>> -> memref<1x128x64xf32, #tpu.memory_space<vmem>>
        %get3A_610 = tpu.memref_squeeze %get3A_609 : memref<1x128x64xf32, #tpu.memory_space<vmem>> -> memref<128x64xf32, #tpu.memory_space<vmem>>
        %get3A_611 = arith.index_cast %add3A_546 : i32 to index
        %get3A_612 = arith.constant 48 : index
        %get3A_613 = tpu.vector_load %get3A_610[%get3A_611, %get3A_612] {strides = array<i32>} : memref<128x64xf32, #tpu.memory_space<vmem>>, vector<1x16xf32>,
        %get3A_614 = vector.shape_cast %get3A_613 : vector<1x16xf32> to vector<16xf32>
        %mul3A_615 = arith.constant 8.000000e+00 : f32
        %mul3A_616 = vector.broadcast %mul3A_615 : f32 to vector<16xf32>
        %mul3A_617 = arith.mulf %get3A_614, %mul3A_616 : vector<16xf32>
        %swap3A_618 = arith.constant 0 : i32
        %swap3A_619 = arith.constant 0 : i32
        %swap3A_620 = tpu.memref_slice %arg6[%scan3A_274, %swap3A_618, %swap3A_619] : memref<4x128x64xf32, #tpu.memory_space<vmem>> -> memref<1x128x64xf32, #tpu.memory_space<vmem>>
        %swap3A_621 = tpu.memref_squeeze %swap3A_620 : memref<1x128x64xf32, #tpu.memory_space<vmem>> -> memref<128x64xf32, #tpu.memory_space<vmem>>
        %swap3A_622 = arith.index_cast %add3A_546 : i32 to index
        %swap3A_623 = arith.constant 48 : index
        %swap3A_624 = tpu.vector_load %swap3A_621[%swap3A_622, %swap3A_623] {strides = array<i32>} : memref<128x64xf32, #tpu.memory_space<vmem>>, vector<1x16xf32>,
        %swap3A_625 = vector.shape_cast %swap3A_624 : vector<1x16xf32> to vector<16xf32>
        %swap3A_626 = vector.shape_cast %mul3A_617 : vector<16xf32> to vector<1x16xf32>
        tpu.vector_store %swap3A_621[%swap3A_622, %swap3A_623], %swap3A_626 {strides = array<i32>} : memref<128x64xf32, #tpu.memory_space<vmem>>, vector<1x16xf32>,
        %scan3A_627 = arith.constant 3 : i32
        %scan3A_628 = arith.addi %scan3A_372, %scan3A_627 : i32
        %mul3A_629 = arith.constant 1 : i32
        %mul3A_630 = arith.muli %scan3A_628, %mul3A_629 : i32
        %add3A_631 = arith.constant 0 : i32
        %add3A_632 = arith.addi %add3A_631, %mul3A_630 : i32
        %get3A_633 = arith.constant 0 : i32
        %get3A_634 = arith.constant 0 : i32
        %get3A_635 = tpu.memref_slice %arg6[%scan3A_274, %get3A_633, %get3A_634] : memref<4x128x64xf32, #tpu.memory_space<vmem>> -> memref<1x128x64xf32, #tpu.memory_space<vmem>>
        %get3A_636 = tpu.memref_squeeze %get3A_635 : memref<1x128x64xf32, #tpu.memory_space<vmem>> -> memref<128x64xf32, #tpu.memory_space<vmem>>
        %get3A_637 = arith.index_cast %add3A_632 : i32 to index
        %get3A_638 = arith.constant 0 : index
        %get3A_639 = tpu.vector_load %get3A_636[%get3A_637, %get3A_638] {strides = array<i32>} : memref<128x64xf32, #tpu.memory_space<vmem>>, vector<1x16xf32>,
        %get3A_640 = vector.shape_cast %get3A_639 : vector<1x16xf32> to vector<16xf32>
        %mul3A_641 = arith.constant 8.000000e+00 : f32
        %mul3A_642 = vector.broadcast %mul3A_641 : f32 to vector<16xf32>
        %mul3A_643 = arith.mulf %get3A_640, %mul3A_642 : vector<16xf32>
        %swap3A_644 = arith.constant 0 : i32
        %swap3A_645 = arith.constant 0 : i32
        %swap3A_646 = tpu.memref_slice %arg6[%scan3A_274, %swap3A_644, %swap3A_645] : memref<4x128x64xf32, #tpu.memory_space<vmem>> -> memref<1x128x64xf32, #tpu.memory_space<vmem>>
        %swap3A_647 = tpu.memref_squeeze %swap3A_646 : memref<1x128x64xf32, #tpu.memory_space<vmem>> -> memref<128x64xf32, #tpu.memory_space<vmem>>
        %swap3A_648 = arith.index_cast %add3A_632 : i32 to index
        %swap3A_649 = arith.constant 0 : index
        %swap3A_650 = tpu.vector_load %swap3A_647[%swap3A_648, %swap3A_649] {strides = array<i32>} : memref<128x64xf32, #tpu.memory_space<vmem>>, vector<1x16xf32>,
        %swap3A_651 = vector.shape_cast %swap3A_650 : vector<1x16xf32> to vector<16xf32>
        %swap3A_652 = vector.shape_cast %mul3A_643 : vector<16xf32> to vector<1x16xf32>
        tpu.vector_store %swap3A_647[%swap3A_648, %swap3A_649], %swap3A_652 {strides = array<i32>} : memref<128x64xf32, #tpu.memory_space<vmem>>, vector<1x16xf32>,
        %get3A_653 = arith.constant 0 : i32
        %get3A_654 = arith.constant 0 : i32
        %get3A_655 = tpu.memref_slice %arg6[%scan3A_274, %get3A_653, %get3A_654] : memref<4x128x64xf32, #tpu.memory_space<vmem>> -> memref<1x128x64xf32, #tpu.memory_space<vmem>>
        %get3A_656 = tpu.memref_squeeze %get3A_655 : memref<1x128x64xf32, #tpu.memory_space<vmem>> -> memref<128x64xf32, #tpu.memory_space<vmem>>
        %get3A_657 = arith.index_cast %add3A_632 : i32 to index
        %get3A_658 = arith.constant 16 : index
        %get3A_659 = tpu.vector_load %get3A_656[%get3A_657, %get3A_658] {strides = array<i32>} : memref<128x64xf32, #tpu.memory_space<vmem>>, vector<1x16xf32>,
        %get3A_660 = vector.shape_cast %get3A_659 : vector<1x16xf32> to vector<16xf32>
        %mul3A_661 = arith.constant 8.000000e+00 : f32
        %mul3A_662 = vector.broadcast %mul3A_661 : f32 to vector<16xf32>
        %mul3A_663 = arith.mulf %get3A_660, %mul3A_662 : vector<16xf32>
        %swap3A_664 = arith.constant 0 : i32
        %swap3A_665 = arith.constant 0 : i32
        %swap3A_666 = tpu.memref_slice %arg6[%scan3A_274, %swap3A_664, %swap3A_665] : memref<4x128x64xf32, #tpu.memory_space<vmem>> -> memref<1x128x64xf32, #tpu.memory_space<vmem>>
        %swap3A_667 = tpu.memref_squeeze %swap3A_666 : memref<1x128x64xf32, #tpu.memory_space<vmem>> -> memref<128x64xf32, #tpu.memory_space<vmem>>
        %swap3A_668 = arith.index_cast %add3A_632 : i32 to index
        %swap3A_669 = arith.constant 16 : index
        %swap3A_670 = tpu.vector_load %swap3A_667[%swap3A_668, %swap3A_669] {strides = array<i32>} : memref<128x64xf32, #tpu.memory_space<vmem>>, vector<1x16xf32>,
        %swap3A_671 = vector.shape_cast %swap3A_670 : vector<1x16xf32> to vector<16xf32>
        %swap3A_672 = vector.shape_cast %mul3A_663 : vector<16xf32> to vector<1x16xf32>
        tpu.vector_store %swap3A_667[%swap3A_668, %swap3A_669], %swap3A_672 {strides = array<i32>} : memref<128x64xf32, #tpu.memory_space<vmem>>, vector<1x16xf32>,
        %get3A_673 = arith.constant 0 : i32
        %get3A_674 = arith.constant 0 : i32
        %get3A_675 = tpu.memref_slice %arg6[%scan3A_274, %get3A_673, %get3A_674] : memref<4x128x64xf32, #tpu.memory_space<vmem>> -> memref<1x128x64xf32, #tpu.memory_space<vmem>>
        %get3A_676 = tpu.memref_squeeze %get3A_675 : memref<1x128x64xf32, #tpu.memory_space<vmem>> -> memref<128x64xf32, #tpu.memory_space<vmem>>
        %get3A_677 = arith.index_cast %add3A_632 : i32 to index
        %get3A_678 = arith.constant 32 : index
        %get3A_679 = tpu.vector_load %get3A_676[%get3A_677, %get3A_678] {strides = array<i32>} : memref<128x64xf32, #tpu.memory_space<vmem>>, vector<1x16xf32>,
        %get3A_680 = vector.shape_cast %get3A_679 : vector<1x16xf32> to vector<16xf32>
        %mul3A_681 = arith.constant 8.000000e+00 : f32
        %mul3A_682 = vector.broadcast %mul3A_681 : f32 to vector<16xf32>
        %mul3A_683 = arith.mulf %get3A_680, %mul3A_682 : vector<16xf32>
        %swap3A_684 = arith.constant 0 : i32
        %swap3A_685 = arith.constant 0 : i32
        %swap3A_686 = tpu.memref_slice %arg6[%scan3A_274, %swap3A_684, %swap3A_685] : memref<4x128x64xf32, #tpu.memory_space<vmem>> -> memref<1x128x64xf32, #tpu.memory_space<vmem>>
        %swap3A_687 = tpu.memref_squeeze %swap3A_686 : memref<1x128x64xf32, #tpu.memory_space<vmem>> -> memref<128x64xf32, #tpu.memory_space<vmem>>
        %swap3A_688 = arith.index_cast %add3A_632 : i32 to index
        %swap3A_689 = arith.constant 32 : index
        %swap3A_690 = tpu.vector_load %swap3A_687[%swap3A_688, %swap3A_689] {strides = array<i32>} : memref<128x64xf32, #tpu.memory_space<vmem>>, vector<1x16xf32>,
        %swap3A_691 = vector.shape_cast %swap3A_690 : vector<1x16xf32> to vector<16xf32>
        %swap3A_692 = vector.shape_cast %mul3A_683 : vector<16xf32> to vector<1x16xf32>
        tpu.vector_store %swap3A_687[%swap3A_688, %swap3A_689], %swap3A_692 {strides = array<i32>} : memref<128x64xf32, #tpu.memory_space<vmem>>, vector<1x16xf32>,
        %get3A_693 = arith.constant 0 : i32
        %get3A_694 = arith.constant 0 : i32
        %get3A_695 = tpu.memref_slice %arg6[%scan3A_274, %get3A_693, %get3A_694] : memref<4x128x64xf32, #tpu.memory_space<vmem>> -> memref<1x128x64xf32, #tpu.memory_space<vmem>>
        %get3A_696 = tpu.memref_squeeze %get3A_695 : memref<1x128x64xf32, #tpu.memory_space<vmem>> -> memref<128x64xf32, #tpu.memory_space<vmem>>
        %get3A_697 = arith.index_cast %add3A_632 : i32 to index
        %get3A_698 = arith.constant 48 : index
        %get3A_699 = tpu.vector_load %get3A_696[%get3A_697, %get3A_698] {strides = array<i32>} : memref<128x64xf32, #tpu.memory_space<vmem>>, vector<1x16xf32>,
        %get3A_700 = vector.shape_cast %get3A_699 : vector<1x16xf32> to vector<16xf32>
        %mul3A_701 = arith.constant 8.000000e+00 : f32
        %mul3A_702 = vector.broadcast %mul3A_701 : f32 to vector<16xf32>
        %mul3A_703 = arith.mulf %get3A_700, %mul3A_702 : vector<16xf32>
        %swap3A_704 = arith.constant 0 : i32
        %swap3A_705 = arith.constant 0 : i32
        %swap3A_706 = tpu.memref_slice %arg6[%scan3A_274, %swap3A_704, %swap3A_705] : memref<4x128x64xf32, #tpu.memory_space<vmem>> -> memref<1x128x64xf32, #tpu.memory_space<vmem>>
        %swap3A_707 = tpu.memref_squeeze %swap3A_706 : memref<1x128x64xf32, #tpu.memory_space<vmem>> -> memref<128x64xf32, #tpu.memory_space<vmem>>
        %swap3A_708 = arith.index_cast %add3A_632 : i32 to index
        %swap3A_709 = arith.constant 48 : index
        %swap3A_710 = tpu.vector_load %swap3A_707[%swap3A_708, %swap3A_709] {strides = array<i32>} : memref<128x64xf32, #tpu.memory_space<vmem>>, vector<1x16xf32>,
        %swap3A_711 = vector.shape_cast %swap3A_710 : vector<1x16xf32> to vector<16xf32>
        %swap3A_712 = vector.shape_cast %mul3A_703 : vector<16xf32> to vector<1x16xf32>
        tpu.vector_store %swap3A_707[%swap3A_708, %swap3A_709], %swap3A_712 {strides = array<i32>} : memref<128x64xf32, #tpu.memory_space<vmem>>, vector<1x16xf32>,
      }
      %scan3A_279 = arith.constant 128 : i32
      %add3A_280 = arith.addi %mul3A_2, %add3A_259 : i32
      %dma_start3A_281 = arith.constant 2 : i32
      %dma_start3A_282 = arith.constant 2 : i32
      %dma_start3A_283 = arith.constant 0 : i32
      %dma_start3A_284 = arith.constant 0 : i32
      %dma_start3A_285 = tpu.memref_slice %arg6[%dma_start3A_281, %dma_start3A_283, %dma_start3A_284] : memref<4x128x64xf32, #tpu.memory_space<vmem>> -> memref<1x128x64xf32, #tpu.memory_space<vmem>>
      %dma_start3A_286 = tpu.memref_squeeze %dma_start3A_285 : memref<1x128x64xf32, #tpu.memory_space<vmem>> -> memref<128x64xf32, #tpu.memory_space<vmem>>
      %dma_start3A_287 = arith.constant 0 : i32
      %dma_start3A_288 = arith.constant 0 : i32
      %dma_start3A_289 = tpu.memref_slice %arg4[%add3A_280, %dma_start3A_287, %dma_start3A_288] : memref<4096x200x64xf32, #tpu.memory_space<hbm>> -> memref<1x128x64xf32, #tpu.memory_space<hbm>>
      %dma_start3A_290 = tpu.memref_squeeze %dma_start3A_289 : memref<1x128x64xf32, #tpu.memory_space<hbm>> -> memref<128x64xf32, #tpu.memory_space<hbm>>
      %dma_start3A_291 = tpu.memref_slice %arg8[%dma_start3A_282] : memref<4x!tpu.dma_semaphore, #tpu.memory_space<semaphore_mem>> -> memref<1x!tpu.dma_semaphore, #tpu.memory_space<semaphore_mem>>
      %dma_start3A_292 = tpu.memref_squeeze %dma_start3A_291 : memref<1x!tpu.dma_semaphore, #tpu.memory_space<semaphore_mem>> -> memref<!tpu.dma_semaphore, #tpu.memory_space<semaphore_mem>>
      %dma_start3A_293 = arith.constant 0 : i32
      %dma_start3A_294 = arith.constant 0 : i32
      %dma_start3A_295 = tpu.memref_slice %arg4[%add3A_280, %dma_start3A_293, %dma_start3A_294] : memref<4096x200x64xf32, #tpu.memory_space<hbm>> -> memref<1x128x64xf32, #tpu.memory_space<hbm>>
      %dma_start3A_296 = tpu.memref_squeeze %dma_start3A_295 : memref<1x128x64xf32, #tpu.memory_space<hbm>> -> memref<128x64xf32, #tpu.memory_space<hbm>>
      %dma_start3A_297 = arith.constant 0 : i32
      %dma_start3A_298 = arith.constant 0 : i32
      %dma_start3A_299 = tpu.memref_slice %arg6[%dma_start3A_281, %dma_start3A_297, %dma_start3A_298] : memref<4x128x64xf32, #tpu.memory_space<vmem>> -> memref<1x128x64xf32, #tpu.memory_space<vmem>>
      %dma_start3A_300 = tpu.memref_squeeze %dma_start3A_299 : memref<1x128x64xf32, #tpu.memory_space<vmem>> -> memref<128x64xf32, #tpu.memory_space<vmem>>
      tpu.enqueue_dma source(%dma_start3A_300 : memref<128x64xf32, #tpu.memory_space<vmem>>) target(%dma_start3A_296 : memref<128x64xf32, #tpu.memory_space<hbm>>) target_semaphore(%dma_start3A_292 : memref<!tpu.dma_semaphore, #tpu.memory_space<semaphore_mem>>)
      %mul3A_301 = arith.constant 2 : i32
      %mul3A_302 = arith.muli %mul3A_301, %add3A_142 : i32
      %add3A_303 = arith.constant 2 : i32
      %add3A_304 = arith.addi %mul3A_302, %add3A_303 : i32
      %mul3A_305 = arith.constant 4 : i32
      %mul3A_306 = arith.muli %mul3A_305, %add3A_142 : i32
      %add3A_307 = arith.constant 5 : i32
      %add3A_308 = arith.addi %mul3A_306, %add3A_307 : i32
      %lt3A_309 = arith.constant 128 : i32
      %lt3A_310 = arith.cmpi slt, %add3A_304, %lt3A_309 : i32
      %convert_element_type3A_311 = arith.extui %lt3A_310 : i1 to i32
      %cond3A_312 = arith.constant 0 : i32
      %cond3A_313 = arith.cmpi ne, %convert_element_type3A_311, %cond3A_312 : i32
      scf.if %cond3A_313 {
        %ge3A = arith.constant 4 : i32
        %ge3A_372 = arith.cmpi sge, %add3A_308, %ge3A : i32
        %convert_element_type3A_373 = arith.extui %ge3A_372 : i1 to i32
        %cond3A_374 = arith.constant 0 : i32
        %cond3A_375 = arith.cmpi ne, %convert_element_type3A_373, %cond3A_374 : i32
        scf.if %cond3A_375 {
          %sub3A = arith.constant 2 : i32
          %sub3A_390 = arith.subi %add3A_304, %sub3A : i32
          %add3A_391 = arith.addi %mul3A_2, %sub3A_390 : i32
          %dma_wait3A_392 = arith.constant 1 : i32
          %dma_wait3A_393 = arith.constant 1 : i32
          %dma_wait3A_394 = arith.constant 0 : i32
          %dma_wait3A_395 = arith.constant 0 : i32
          %dma_wait3A_396 = tpu.memref_slice %arg6[%dma_wait3A_392, %dma_wait3A_394, %dma_wait3A_395] : memref<4x128x64xf32, #tpu.memory_space<vmem>> -> memref<1x72x64xf32, #tpu.memory_space<vmem>>
          %dma_wait3A_397 = tpu.memref_squeeze %dma_wait3A_396 : memref<1x72x64xf32, #tpu.memory_space<vmem>> -> memref<72x64xf32, #tpu.memory_space<vmem>>
          %dma_wait3A_398 = arith.constant 128 : i32
          %dma_wait3A_399 = arith.constant 0 : i32
          %dma_wait3A_400 = tpu.memref_slice %arg4[%add3A_391, %dma_wait3A_398, %dma_wait3A_399] : memref<4096x200x64xf32, #tpu.memory_space<hbm>> -> memref<1x72x64xf32, #tpu.memory_space<hbm>>
          %dma_wait3A_401 = tpu.memref_squeeze %dma_wait3A_400 : memref<1x72x64xf32, #tpu.memory_space<hbm>> -> memref<72x64xf32, #tpu.memory_space<hbm>>
          %dma_wait3A_402 = tpu.memref_slice %arg8[%dma_wait3A_393] : memref<4x!tpu.dma_semaphore, #tpu.memory_space<semaphore_mem>> -> memref<1x!tpu.dma_semaphore, #tpu.memory_space<semaphore_mem>>
          %dma_wait3A_403 = tpu.memref_squeeze %dma_wait3A_402 : memref<1x!tpu.dma_semaphore, #tpu.memory_space<semaphore_mem>> -> memref<!tpu.dma_semaphore, #tpu.memory_space<semaphore_mem>>
          %dma_wait3A_404 = arith.constant 128 : i32
          %dma_wait3A_405 = arith.constant 0 : i32
          %dma_wait3A_406 = tpu.memref_slice %arg4[%add3A_391, %dma_wait3A_404, %dma_wait3A_405] : memref<4096x200x64xf32, #tpu.memory_space<hbm>> -> memref<1x72x64xf32, #tpu.memory_space<hbm>>
          %dma_wait3A_407 = tpu.memref_squeeze %dma_wait3A_406 : memref<1x72x64xf32, #tpu.memory_space<hbm>> -> memref<72x64xf32, #tpu.memory_space<hbm>>
          %dma_wait3A_408 = arith.constant 0 : i32
          %dma_wait3A_409 = arith.constant 0 : i32
          %dma_wait3A_410 = tpu.memref_slice %arg6[%dma_wait3A_392, %dma_wait3A_408, %dma_wait3A_409] : memref<4x128x64xf32, #tpu.memory_space<vmem>> -> memref<1x72x64xf32, #tpu.memory_space<vmem>>
          %dma_wait3A_411 = tpu.memref_squeeze %dma_wait3A_410 : memref<1x72x64xf32, #tpu.memory_space<vmem>> -> memref<72x64xf32, #tpu.memory_space<vmem>>
          tpu.wait_dma2 semaphore(%dma_wait3A_403 : memref<!tpu.dma_semaphore, #tpu.memory_space<semaphore_mem>>) src(%dma_wait3A_411 : memref<72x64xf32, #tpu.memory_space<vmem>>) dst(%dma_wait3A_407 : memref<72x64xf32, #tpu.memory_space<hbm>>)
        } else {
        }
        %dma_start3A_376 = arith.constant 1 : i32
        %dma_start3A_377 = arith.constant 1 : i32
        %dma_start3A_378 = arith.constant 0 : i32
        %dma_start3A_379 = arith.constant 0 : i32
        %dma_start3A_380 = tpu.memref_slice %arg6[%dma_start3A_376, %dma_start3A_378, %dma_start3A_379] : memref<4x128x64xf32, #tpu.memory_space<vmem>> -> memref<1x72x64xf32, #tpu.memory_space<vmem>>
        %dma_start3A_381 = tpu.memref_squeeze %dma_start3A_380 : memref<1x72x64xf32, #tpu.memory_space<vmem>> -> memref<72x64xf32, #tpu.memory_space<vmem>>
        %dma_start3A_382 = arith.constant 128 : i32
        %dma_start3A_383 = tpu.memref_slice %arg5[%add3A_304, %dma_start3A_382] : memref<128x200xi32, #tpu.memory_space<vmem>> -> memref<1x72xi32, #tpu.memory_space<vmem>>
        %dma_start3A_384 = tpu.memref_squeeze %dma_start3A_383 : memref<1x72xi32, #tpu.memory_space<vmem>> -> memref<72xi32, #tpu.memory_space<vmem>>
        %dma_start3A_385 = arith.constant 0 : i32
        %dma_start3A_386 = arith.constant 0 : i32
        %dma_start3A_387 = tpu.memref_slice %arg3[%dma_start3A_385, %dma_start3A_386] : memref<1000000x64xf32, #tpu.memory_space<hbm>> -> memref<1000000x64xf32, #tpu.memory_space<hbm>>
        %dma_start3A_388 = tpu.memref_slice %arg7[%dma_start3A_377] : memref<4x!tpu.dma_semaphore, #tpu.memory_space<semaphore_mem>> -> memref<1x!tpu.dma_semaphore, #tpu.memory_space<semaphore_mem>>
        %dma_start3A_389 = tpu.memref_squeeze %dma_start3A_388 : memref<1x!tpu.dma_semaphore, #tpu.memory_space<semaphore_mem>> -> memref<!tpu.dma_semaphore, #tpu.memory_space<semaphore_mem>>
        tpu.enqueue_indirect_dma source(%dma_start3A_387 : memref<1000000x64xf32, #tpu.memory_space<hbm>>) target(%dma_start3A_381 : memref<72x64xf32, #tpu.memory_space<vmem>>) offsets(%dma_start3A_384 : memref<72xi32, #tpu.memory_space<vmem>>) semaphore(%dma_start3A_389 : memref<!tpu.dma_semaphore, #tpu.memory_space<semaphore_mem>>)
      } else {
      }
      %mul3A_314 = arith.constant 2 : i32
      %mul3A_315 = arith.muli %mul3A_314, %add3A_142 : i32
      %add3A_316 = arith.constant 1 : i32
      %add3A_317 = arith.addi %mul3A_315, %add3A_316 : i32
      %dma_wait3A_318 = arith.constant 3 : i32
      %dma_wait3A_319 = arith.constant 3 : i32
      %dma_wait3A_320 = arith.constant 0 : i32
      %dma_wait3A_321 = arith.constant 0 : i32
      %dma_wait3A_322 = tpu.memref_slice %arg6[%dma_wait3A_318, %dma_wait3A_320, %dma_wait3A_321] : memref<4x128x64xf32, #tpu.memory_space<vmem>> -> memref<1x72x64xf32, #tpu.memory_space<vmem>>
      %dma_wait3A_323 = tpu.memref_squeeze %dma_wait3A_322 : memref<1x72x64xf32, #tpu.memory_space<vmem>> -> memref<72x64xf32, #tpu.memory_space<vmem>>
      %dma_wait3A_324 = arith.constant 128 : i32
      %dma_wait3A_325 = tpu.memref_slice %arg5[%add3A_317, %dma_wait3A_324] : memref<128x200xi32, #tpu.memory_space<vmem>> -> memref<1x72xi32, #tpu.memory_space<vmem>>
      %dma_wait3A_326 = tpu.memref_squeeze %dma_wait3A_325 : memref<1x72xi32, #tpu.memory_space<vmem>> -> memref<72xi32, #tpu.memory_space<vmem>>
      %dma_wait3A_327 = arith.constant 0 : i32
      %dma_wait3A_328 = arith.constant 0 : i32
      %dma_wait3A_329 = tpu.memref_slice %arg3[%dma_wait3A_327, %dma_wait3A_328] : memref<1000000x64xf32, #tpu.memory_space<hbm>> -> memref<1000000x64xf32, #tpu.memory_space<hbm>>
      %dma_wait3A_330 = tpu.memref_slice %arg7[%dma_wait3A_319] : memref<4x!tpu.dma_semaphore, #tpu.memory_space<semaphore_mem>> -> memref<1x!tpu.dma_semaphore, #tpu.memory_space<semaphore_mem>>
      %dma_wait3A_331 = tpu.memref_squeeze %dma_wait3A_330 : memref<1x!tpu.dma_semaphore, #tpu.memory_space<semaphore_mem>> -> memref<!tpu.dma_semaphore, #tpu.memory_space<semaphore_mem>>
      tpu.wait_indirect_dma semaphore(%dma_wait3A_331 : memref<!tpu.dma_semaphore, #tpu.memory_space<semaphore_mem>>) src(%dma_wait3A_329 : memref<1000000x64xf32, #tpu.memory_space<hbm>>) dst(%dma_wait3A_323 : memref<72x64xf32, #tpu.memory_space<vmem>>)
      %scan3A_332 = arith.constant 3 : i32
      %scan3A_333 = arith.constant 0 : i32
      %scan3A_334 = arith.constant 72 : i32
      %scan3A_335 = arith.addi %scan3A_333, %scan3A_334 : i32
      %scan3A_336 = arith.constant 4 : i32
      scf.for %scan3A_372 = %scan3A_333 to %scan3A_335 step %scan3A_336  : i32 {
        %mul3A_373 = arith.constant 1 : i32
        %mul3A_374 = arith.muli %scan3A_372, %mul3A_373 : i32
        %add3A_375 = arith.constant 0 : i32
        %add3A_376 = arith.addi %add3A_375, %mul3A_374 : i32
        %get3A = arith.constant 0 : i32
        %get3A_377 = arith.constant 0 : i32
        %get3A_378 = tpu.memref_slice %arg6[%scan3A_332, %get3A, %get3A_377] : memref<4x128x64xf32, #tpu.memory_space<vmem>> -> memref<1x128x64xf32, #tpu.memory_space<vmem>>
        %get3A_379 = tpu.memref_squeeze %get3A_378 : memref<1x128x64xf32, #tpu.memory_space<vmem>> -> memref<128x64xf32, #tpu.memory_space<vmem>>
        %get3A_380 = arith.index_cast %add3A_376 : i32 to index
        %get3A_381 = arith.constant 0 : index
        %get3A_382 = tpu.vector_load %get3A_379[%get3A_380, %get3A_381] {strides = array<i32>} : memref<128x64xf32, #tpu.memory_space<vmem>>, vector<1x16xf32>,
        %get3A_383 = vector.shape_cast %get3A_382 : vector<1x16xf32> to vector<16xf32>
        %mul3A_384 = arith.constant 8.000000e+00 : f32
        %mul3A_385 = vector.broadcast %mul3A_384 : f32 to vector<16xf32>
        %mul3A_386 = arith.mulf %get3A_383, %mul3A_385 : vector<16xf32>
        %swap3A = arith.constant 0 : i32
        %swap3A_387 = arith.constant 0 : i32
        %swap3A_388 = tpu.memref_slice %arg6[%scan3A_332, %swap3A, %swap3A_387] : memref<4x128x64xf32, #tpu.memory_space<vmem>> -> memref<1x128x64xf32, #tpu.memory_space<vmem>>
        %swap3A_389 = tpu.memref_squeeze %swap3A_388 : memref<1x128x64xf32, #tpu.memory_space<vmem>> -> memref<128x64xf32, #tpu.memory_space<vmem>>
        %swap3A_390 = arith.index_cast %add3A_376 : i32 to index
        %swap3A_391 = arith.constant 0 : index
        %swap3A_392 = tpu.vector_load %swap3A_389[%swap3A_390, %swap3A_391] {strides = array<i32>} : memref<128x64xf32, #tpu.memory_space<vmem>>, vector<1x16xf32>,
        %swap3A_393 = vector.shape_cast %swap3A_392 : vector<1x16xf32> to vector<16xf32>
        %swap3A_394 = vector.shape_cast %mul3A_386 : vector<16xf32> to vector<1x16xf32>
        tpu.vector_store %swap3A_389[%swap3A_390, %swap3A_391], %swap3A_394 {strides = array<i32>} : memref<128x64xf32, #tpu.memory_space<vmem>>, vector<1x16xf32>,
        %get3A_395 = arith.constant 0 : i32
        %get3A_396 = arith.constant 0 : i32
        %get3A_397 = tpu.memref_slice %arg6[%scan3A_332, %get3A_395, %get3A_396] : memref<4x128x64xf32, #tpu.memory_space<vmem>> -> memref<1x128x64xf32, #tpu.memory_space<vmem>>
        %get3A_398 = tpu.memref_squeeze %get3A_397 : memref<1x128x64xf32, #tpu.memory_space<vmem>> -> memref<128x64xf32, #tpu.memory_space<vmem>>
        %get3A_399 = arith.index_cast %add3A_376 : i32 to index
        %get3A_400 = arith.constant 16 : index
        %get3A_401 = tpu.vector_load %get3A_398[%get3A_399, %get3A_400] {strides = array<i32>} : memref<128x64xf32, #tpu.memory_space<vmem>>, vector<1x16xf32>,
        %get3A_402 = vector.shape_cast %get3A_401 : vector<1x16xf32> to vector<16xf32>
        %mul3A_403 = arith.constant 8.000000e+00 : f32
        %mul3A_404 = vector.broadcast %mul3A_403 : f32 to vector<16xf32>
        %mul3A_405 = arith.mulf %get3A_402, %mul3A_404 : vector<16xf32>
        %swap3A_406 = arith.constant 0 : i32
        %swap3A_407 = arith.constant 0 : i32
        %swap3A_408 = tpu.memref_slice %arg6[%scan3A_332, %swap3A_406, %swap3A_407] : memref<4x128x64xf32, #tpu.memory_space<vmem>> -> memref<1x128x64xf32, #tpu.memory_space<vmem>>
        %swap3A_409 = tpu.memref_squeeze %swap3A_408 : memref<1x128x64xf32, #tpu.memory_space<vmem>> -> memref<128x64xf32, #tpu.memory_space<vmem>>
        %swap3A_410 = arith.index_cast %add3A_376 : i32 to index
        %swap3A_411 = arith.constant 16 : index
        %swap3A_412 = tpu.vector_load %swap3A_409[%swap3A_410, %swap3A_411] {strides = array<i32>} : memref<128x64xf32, #tpu.memory_space<vmem>>, vector<1x16xf32>,
        %swap3A_413 = vector.shape_cast %swap3A_412 : vector<1x16xf32> to vector<16xf32>
        %swap3A_414 = vector.shape_cast %mul3A_405 : vector<16xf32> to vector<1x16xf32>
        tpu.vector_store %swap3A_409[%swap3A_410, %swap3A_411], %swap3A_414 {strides = array<i32>} : memref<128x64xf32, #tpu.memory_space<vmem>>, vector<1x16xf32>,
        %get3A_415 = arith.constant 0 : i32
        %get3A_416 = arith.constant 0 : i32
        %get3A_417 = tpu.memref_slice %arg6[%scan3A_332, %get3A_415, %get3A_416] : memref<4x128x64xf32, #tpu.memory_space<vmem>> -> memref<1x128x64xf32, #tpu.memory_space<vmem>>
        %get3A_418 = tpu.memref_squeeze %get3A_417 : memref<1x128x64xf32, #tpu.memory_space<vmem>> -> memref<128x64xf32, #tpu.memory_space<vmem>>
        %get3A_419 = arith.index_cast %add3A_376 : i32 to index
        %get3A_420 = arith.constant 32 : index
        %get3A_421 = tpu.vector_load %get3A_418[%get3A_419, %get3A_420] {strides = array<i32>} : memref<128x64xf32, #tpu.memory_space<vmem>>, vector<1x16xf32>,
        %get3A_422 = vector.shape_cast %get3A_421 : vector<1x16xf32> to vector<16xf32>
        %mul3A_423 = arith.constant 8.000000e+00 : f32
        %mul3A_424 = vector.broadcast %mul3A_423 : f32 to vector<16xf32>
        %mul3A_425 = arith.mulf %get3A_422, %mul3A_424 : vector<16xf32>
        %swap3A_426 = arith.constant 0 : i32
        %swap3A_427 = arith.constant 0 : i32
        %swap3A_428 = tpu.memref_slice %arg6[%scan3A_332, %swap3A_426, %swap3A_427] : memref<4x128x64xf32, #tpu.memory_space<vmem>> -> memref<1x128x64xf32, #tpu.memory_space<vmem>>
        %swap3A_429 = tpu.memref_squeeze %swap3A_428 : memref<1x128x64xf32, #tpu.memory_space<vmem>> -> memref<128x64xf32, #tpu.memory_space<vmem>>
        %swap3A_430 = arith.index_cast %add3A_376 : i32 to index
        %swap3A_431 = arith.constant 32 : index
        %swap3A_432 = tpu.vector_load %swap3A_429[%swap3A_430, %swap3A_431] {strides = array<i32>} : memref<128x64xf32, #tpu.memory_space<vmem>>, vector<1x16xf32>,
        %swap3A_433 = vector.shape_cast %swap3A_432 : vector<1x16xf32> to vector<16xf32>
        %swap3A_434 = vector.shape_cast %mul3A_425 : vector<16xf32> to vector<1x16xf32>
        tpu.vector_store %swap3A_429[%swap3A_430, %swap3A_431], %swap3A_434 {strides = array<i32>} : memref<128x64xf32, #tpu.memory_space<vmem>>, vector<1x16xf32>,
        %get3A_435 = arith.constant 0 : i32
        %get3A_436 = arith.constant 0 : i32
        %get3A_437 = tpu.memref_slice %arg6[%scan3A_332, %get3A_435, %get3A_436] : memref<4x128x64xf32, #tpu.memory_space<vmem>> -> memref<1x128x64xf32, #tpu.memory_space<vmem>>
        %get3A_438 = tpu.memref_squeeze %get3A_437 : memref<1x128x64xf32, #tpu.memory_space<vmem>> -> memref<128x64xf32, #tpu.memory_space<vmem>>
        %get3A_439 = arith.index_cast %add3A_376 : i32 to index
        %get3A_440 = arith.constant 48 : index
        %get3A_441 = tpu.vector_load %get3A_438[%get3A_439, %get3A_440] {strides = array<i32>} : memref<128x64xf32, #tpu.memory_space<vmem>>, vector<1x16xf32>,
        %get3A_442 = vector.shape_cast %get3A_441 : vector<1x16xf32> to vector<16xf32>
        %mul3A_443 = arith.constant 8.000000e+00 : f32
        %mul3A_444 = vector.broadcast %mul3A_443 : f32 to vector<16xf32>
        %mul3A_445 = arith.mulf %get3A_442, %mul3A_444 : vector<16xf32>
        %swap3A_446 = arith.constant 0 : i32
        %swap3A_447 = arith.constant 0 : i32
        %swap3A_448 = tpu.memref_slice %arg6[%scan3A_332, %swap3A_446, %swap3A_447] : memref<4x128x64xf32, #tpu.memory_space<vmem>> -> memref<1x128x64xf32, #tpu.memory_space<vmem>>
        %swap3A_449 = tpu.memref_squeeze %swap3A_448 : memref<1x128x64xf32, #tpu.memory_space<vmem>> -> memref<128x64xf32, #tpu.memory_space<vmem>>
        %swap3A_450 = arith.index_cast %add3A_376 : i32 to index
        %swap3A_451 = arith.constant 48 : index
        %swap3A_452 = tpu.vector_load %swap3A_449[%swap3A_450, %swap3A_451] {strides = array<i32>} : memref<128x64xf32, #tpu.memory_space<vmem>>, vector<1x16xf32>,
        %swap3A_453 = vector.shape_cast %swap3A_452 : vector<1x16xf32> to vector<16xf32>
        %swap3A_454 = vector.shape_cast %mul3A_445 : vector<16xf32> to vector<1x16xf32>
        tpu.vector_store %swap3A_449[%swap3A_450, %swap3A_451], %swap3A_454 {strides = array<i32>} : memref<128x64xf32, #tpu.memory_space<vmem>>, vector<1x16xf32>,
        %scan3A_455 = arith.constant 1 : i32
        %scan3A_456 = arith.addi %scan3A_372, %scan3A_455 : i32
        %mul3A_457 = arith.constant 1 : i32
        %mul3A_458 = arith.muli %scan3A_456, %mul3A_457 : i32
        %add3A_459 = arith.constant 0 : i32
        %add3A_460 = arith.addi %add3A_459, %mul3A_458 : i32
        %get3A_461 = arith.constant 0 : i32
        %get3A_462 = arith.constant 0 : i32
        %get3A_463 = tpu.memref_slice %arg6[%scan3A_332, %get3A_461, %get3A_462] : memref<4x128x64xf32, #tpu.memory_space<vmem>> -> memref<1x128x64xf32, #tpu.memory_space<vmem>>
        %get3A_464 = tpu.memref_squeeze %get3A_463 : memref<1x128x64xf32, #tpu.memory_space<vmem>> -> memref<128x64xf32, #tpu.memory_space<vmem>>
        %get3A_465 = arith.index_cast %add3A_460 : i32 to index
        %get3A_466 = arith.constant 0 : index
        %get3A_467 = tpu.vector_load %get3A_464[%get3A_465, %get3A_466] {strides = array<i32>} : memref<128x64xf32, #tpu.memory_space<vmem>>, vector<1x16xf32>,
        %get3A_468 = vector.shape_cast %get3A_467 : vector<1x16xf32> to vector<16xf32>
        %mul3A_469 = arith.constant 8.000000e+00 : f32
        %mul3A_470 = vector.broadcast %mul3A_469 : f32 to vector<16xf32>
        %mul3A_471 = arith.mulf %get3A_468, %mul3A_470 : vector<16xf32>
        %swap3A_472 = arith.constant 0 : i32
        %swap3A_473 = arith.constant 0 : i32
        %swap3A_474 = tpu.memref_slice %arg6[%scan3A_332, %swap3A_472, %swap3A_473] : memref<4x128x64xf32, #tpu.memory_space<vmem>> -> memref<1x128x64xf32, #tpu.memory_space<vmem>>
        %swap3A_475 = tpu.memref_squeeze %swap3A_474 : memref<1x128x64xf32, #tpu.memory_space<vmem>> -> memref<128x64xf32, #tpu.memory_space<vmem>>
        %swap3A_476 = arith.index_cast %add3A_460 : i32 to index
        %swap3A_477 = arith.constant 0 : index
        %swap3A_478 = tpu.vector_load %swap3A_475[%swap3A_476, %swap3A_477] {strides = array<i32>} : memref<128x64xf32, #tpu.memory_space<vmem>>, vector<1x16xf32>,
        %swap3A_479 = vector.shape_cast %swap3A_478 : vector<1x16xf32> to vector<16xf32>
        %swap3A_480 = vector.shape_cast %mul3A_471 : vector<16xf32> to vector<1x16xf32>
        tpu.vector_store %swap3A_475[%swap3A_476, %swap3A_477], %swap3A_480 {strides = array<i32>} : memref<128x64xf32, #tpu.memory_space<vmem>>, vector<1x16xf32>,
        %get3A_481 = arith.constant 0 : i32
        %get3A_482 = arith.constant 0 : i32
        %get3A_483 = tpu.memref_slice %arg6[%scan3A_332, %get3A_481, %get3A_482] : memref<4x128x64xf32, #tpu.memory_space<vmem>> -> memref<1x128x64xf32, #tpu.memory_space<vmem>>
        %get3A_484 = tpu.memref_squeeze %get3A_483 : memref<1x128x64xf32, #tpu.memory_space<vmem>> -> memref<128x64xf32, #tpu.memory_space<vmem>>
        %get3A_485 = arith.index_cast %add3A_460 : i32 to index
        %get3A_486 = arith.constant 16 : index
        %get3A_487 = tpu.vector_load %get3A_484[%get3A_485, %get3A_486] {strides = array<i32>} : memref<128x64xf32, #tpu.memory_space<vmem>>, vector<1x16xf32>,
        %get3A_488 = vector.shape_cast %get3A_487 : vector<1x16xf32> to vector<16xf32>
        %mul3A_489 = arith.constant 8.000000e+00 : f32
        %mul3A_490 = vector.broadcast %mul3A_489 : f32 to vector<16xf32>
        %mul3A_491 = arith.mulf %get3A_488, %mul3A_490 : vector<16xf32>
        %swap3A_492 = arith.constant 0 : i32
        %swap3A_493 = arith.constant 0 : i32
        %swap3A_494 = tpu.memref_slice %arg6[%scan3A_332, %swap3A_492, %swap3A_493] : memref<4x128x64xf32, #tpu.memory_space<vmem>> -> memref<1x128x64xf32, #tpu.memory_space<vmem>>
        %swap3A_495 = tpu.memref_squeeze %swap3A_494 : memref<1x128x64xf32, #tpu.memory_space<vmem>> -> memref<128x64xf32, #tpu.memory_space<vmem>>
        %swap3A_496 = arith.index_cast %add3A_460 : i32 to index
        %swap3A_497 = arith.constant 16 : index
        %swap3A_498 = tpu.vector_load %swap3A_495[%swap3A_496, %swap3A_497] {strides = array<i32>} : memref<128x64xf32, #tpu.memory_space<vmem>>, vector<1x16xf32>,
        %swap3A_499 = vector.shape_cast %swap3A_498 : vector<1x16xf32> to vector<16xf32>
        %swap3A_500 = vector.shape_cast %mul3A_491 : vector<16xf32> to vector<1x16xf32>
        tpu.vector_store %swap3A_495[%swap3A_496, %swap3A_497], %swap3A_500 {strides = array<i32>} : memref<128x64xf32, #tpu.memory_space<vmem>>, vector<1x16xf32>,
        %get3A_501 = arith.constant 0 : i32
        %get3A_502 = arith.constant 0 : i32
        %get3A_503 = tpu.memref_slice %arg6[%scan3A_332, %get3A_501, %get3A_502] : memref<4x128x64xf32, #tpu.memory_space<vmem>> -> memref<1x128x64xf32, #tpu.memory_space<vmem>>
        %get3A_504 = tpu.memref_squeeze %get3A_503 : memref<1x128x64xf32, #tpu.memory_space<vmem>> -> memref<128x64xf32, #tpu.memory_space<vmem>>
        %get3A_505 = arith.index_cast %add3A_460 : i32 to index
        %get3A_506 = arith.constant 32 : index
        %get3A_507 = tpu.vector_load %get3A_504[%get3A_505, %get3A_506] {strides = array<i32>} : memref<128x64xf32, #tpu.memory_space<vmem>>, vector<1x16xf32>,
        %get3A_508 = vector.shape_cast %get3A_507 : vector<1x16xf32> to vector<16xf32>
        %mul3A_509 = arith.constant 8.000000e+00 : f32
        %mul3A_510 = vector.broadcast %mul3A_509 : f32 to vector<16xf32>
        %mul3A_511 = arith.mulf %get3A_508, %mul3A_510 : vector<16xf32>
        %swap3A_512 = arith.constant 0 : i32
        %swap3A_513 = arith.constant 0 : i32
        %swap3A_514 = tpu.memref_slice %arg6[%scan3A_332, %swap3A_512, %swap3A_513] : memref<4x128x64xf32, #tpu.memory_space<vmem>> -> memref<1x128x64xf32, #tpu.memory_space<vmem>>
        %swap3A_515 = tpu.memref_squeeze %swap3A_514 : memref<1x128x64xf32, #tpu.memory_space<vmem>> -> memref<128x64xf32, #tpu.memory_space<vmem>>
        %swap3A_516 = arith.index_cast %add3A_460 : i32 to index
        %swap3A_517 = arith.constant 32 : index
        %swap3A_518 = tpu.vector_load %swap3A_515[%swap3A_516, %swap3A_517] {strides = array<i32>} : memref<128x64xf32, #tpu.memory_space<vmem>>, vector<1x16xf32>,
        %swap3A_519 = vector.shape_cast %swap3A_518 : vector<1x16xf32> to vector<16xf32>
        %swap3A_520 = vector.shape_cast %mul3A_511 : vector<16xf32> to vector<1x16xf32>
        tpu.vector_store %swap3A_515[%swap3A_516, %swap3A_517], %swap3A_520 {strides = array<i32>} : memref<128x64xf32, #tpu.memory_space<vmem>>, vector<1x16xf32>,
        %get3A_521 = arith.constant 0 : i32
        %get3A_522 = arith.constant 0 : i32
        %get3A_523 = tpu.memref_slice %arg6[%scan3A_332, %get3A_521, %get3A_522] : memref<4x128x64xf32, #tpu.memory_space<vmem>> -> memref<1x128x64xf32, #tpu.memory_space<vmem>>
        %get3A_524 = tpu.memref_squeeze %get3A_523 : memref<1x128x64xf32, #tpu.memory_space<vmem>> -> memref<128x64xf32, #tpu.memory_space<vmem>>
        %get3A_525 = arith.index_cast %add3A_460 : i32 to index
        %get3A_526 = arith.constant 48 : index
        %get3A_527 = tpu.vector_load %get3A_524[%get3A_525, %get3A_526] {strides = array<i32>} : memref<128x64xf32, #tpu.memory_space<vmem>>, vector<1x16xf32>,
        %get3A_528 = vector.shape_cast %get3A_527 : vector<1x16xf32> to vector<16xf32>
        %mul3A_529 = arith.constant 8.000000e+00 : f32
        %mul3A_530 = vector.broadcast %mul3A_529 : f32 to vector<16xf32>
        %mul3A_531 = arith.mulf %get3A_528, %mul3A_530 : vector<16xf32>
        %swap3A_532 = arith.constant 0 : i32
        %swap3A_533 = arith.constant 0 : i32
        %swap3A_534 = tpu.memref_slice %arg6[%scan3A_332, %swap3A_532, %swap3A_533] : memref<4x128x64xf32, #tpu.memory_space<vmem>> -> memref<1x128x64xf32, #tpu.memory_space<vmem>>
        %swap3A_535 = tpu.memref_squeeze %swap3A_534 : memref<1x128x64xf32, #tpu.memory_space<vmem>> -> memref<128x64xf32, #tpu.memory_space<vmem>>
        %swap3A_536 = arith.index_cast %add3A_460 : i32 to index
        %swap3A_537 = arith.constant 48 : index
        %swap3A_538 = tpu.vector_load %swap3A_535[%swap3A_536, %swap3A_537] {strides = array<i32>} : memref<128x64xf32, #tpu.memory_space<vmem>>, vector<1x16xf32>,
        %swap3A_539 = vector.shape_cast %swap3A_538 : vector<1x16xf32> to vector<16xf32>
        %swap3A_540 = vector.shape_cast %mul3A_531 : vector<16xf32> to vector<1x16xf32>
        tpu.vector_store %swap3A_535[%swap3A_536, %swap3A_537], %swap3A_540 {strides = array<i32>} : memref<128x64xf32, #tpu.memory_space<vmem>>, vector<1x16xf32>,
        %scan3A_541 = arith.constant 2 : i32
        %scan3A_542 = arith.addi %scan3A_372, %scan3A_541 : i32
        %mul3A_543 = arith.constant 1 : i32
        %mul3A_544 = arith.muli %scan3A_542, %mul3A_543 : i32
        %add3A_545 = arith.constant 0 : i32
        %add3A_546 = arith.addi %add3A_545, %mul3A_544 : i32
        %get3A_547 = arith.constant 0 : i32
        %get3A_548 = arith.constant 0 : i32
        %get3A_549 = tpu.memref_slice %arg6[%scan3A_332, %get3A_547, %get3A_548] : memref<4x128x64xf32, #tpu.memory_space<vmem>> -> memref<1x128x64xf32, #tpu.memory_space<vmem>>
        %get3A_550 = tpu.memref_squeeze %get3A_549 : memref<1x128x64xf32, #tpu.memory_space<vmem>> -> memref<128x64xf32, #tpu.memory_space<vmem>>
        %get3A_551 = arith.index_cast %add3A_546 : i32 to index
        %get3A_552 = arith.constant 0 : index
        %get3A_553 = tpu.vector_load %get3A_550[%get3A_551, %get3A_552] {strides = array<i32>} : memref<128x64xf32, #tpu.memory_space<vmem>>, vector<1x16xf32>,
        %get3A_554 = vector.shape_cast %get3A_553 : vector<1x16xf32> to vector<16xf32>
        %mul3A_555 = arith.constant 8.000000e+00 : f32
        %mul3A_556 = vector.broadcast %mul3A_555 : f32 to vector<16xf32>
        %mul3A_557 = arith.mulf %get3A_554, %mul3A_556 : vector<16xf32>
        %swap3A_558 = arith.constant 0 : i32
        %swap3A_559 = arith.constant 0 : i32
        %swap3A_560 = tpu.memref_slice %arg6[%scan3A_332, %swap3A_558, %swap3A_559] : memref<4x128x64xf32, #tpu.memory_space<vmem>> -> memref<1x128x64xf32, #tpu.memory_space<vmem>>
        %swap3A_561 = tpu.memref_squeeze %swap3A_560 : memref<1x128x64xf32, #tpu.memory_space<vmem>> -> memref<128x64xf32, #tpu.memory_space<vmem>>
        %swap3A_562 = arith.index_cast %add3A_546 : i32 to index
        %swap3A_563 = arith.constant 0 : index
        %swap3A_564 = tpu.vector_load %swap3A_561[%swap3A_562, %swap3A_563] {strides = array<i32>} : memref<128x64xf32, #tpu.memory_space<vmem>>, vector<1x16xf32>,
        %swap3A_565 = vector.shape_cast %swap3A_564 : vector<1x16xf32> to vector<16xf32>
        %swap3A_566 = vector.shape_cast %mul3A_557 : vector<16xf32> to vector<1x16xf32>
        tpu.vector_store %swap3A_561[%swap3A_562, %swap3A_563], %swap3A_566 {strides = array<i32>} : memref<128x64xf32, #tpu.memory_space<vmem>>, vector<1x16xf32>,
        %get3A_567 = arith.constant 0 : i32
        %get3A_568 = arith.constant 0 : i32
        %get3A_569 = tpu.memref_slice %arg6[%scan3A_332, %get3A_567, %get3A_568] : memref<4x128x64xf32, #tpu.memory_space<vmem>> -> memref<1x128x64xf32, #tpu.memory_space<vmem>>
        %get3A_570 = tpu.memref_squeeze %get3A_569 : memref<1x128x64xf32, #tpu.memory_space<vmem>> -> memref<128x64xf32, #tpu.memory_space<vmem>>
        %get3A_571 = arith.index_cast %add3A_546 : i32 to index
        %get3A_572 = arith.constant 16 : index
        %get3A_573 = tpu.vector_load %get3A_570[%get3A_571, %get3A_572] {strides = array<i32>} : memref<128x64xf32, #tpu.memory_space<vmem>>, vector<1x16xf32>,
        %get3A_574 = vector.shape_cast %get3A_573 : vector<1x16xf32> to vector<16xf32>
        %mul3A_575 = arith.constant 8.000000e+00 : f32
        %mul3A_576 = vector.broadcast %mul3A_575 : f32 to vector<16xf32>
        %mul3A_577 = arith.mulf %get3A_574, %mul3A_576 : vector<16xf32>
        %swap3A_578 = arith.constant 0 : i32
        %swap3A_579 = arith.constant 0 : i32
        %swap3A_580 = tpu.memref_slice %arg6[%scan3A_332, %swap3A_578, %swap3A_579] : memref<4x128x64xf32, #tpu.memory_space<vmem>> -> memref<1x128x64xf32, #tpu.memory_space<vmem>>
        %swap3A_581 = tpu.memref_squeeze %swap3A_580 : memref<1x128x64xf32, #tpu.memory_space<vmem>> -> memref<128x64xf32, #tpu.memory_space<vmem>>
        %swap3A_582 = arith.index_cast %add3A_546 : i32 to index
        %swap3A_583 = arith.constant 16 : index
        %swap3A_584 = tpu.vector_load %swap3A_581[%swap3A_582, %swap3A_583] {strides = array<i32>} : memref<128x64xf32, #tpu.memory_space<vmem>>, vector<1x16xf32>,
        %swap3A_585 = vector.shape_cast %swap3A_584 : vector<1x16xf32> to vector<16xf32>
        %swap3A_586 = vector.shape_cast %mul3A_577 : vector<16xf32> to vector<1x16xf32>
        tpu.vector_store %swap3A_581[%swap3A_582, %swap3A_583], %swap3A_586 {strides = array<i32>} : memref<128x64xf32, #tpu.memory_space<vmem>>, vector<1x16xf32>,
        %get3A_587 = arith.constant 0 : i32
        %get3A_588 = arith.constant 0 : i32
        %get3A_589 = tpu.memref_slice %arg6[%scan3A_332, %get3A_587, %get3A_588] : memref<4x128x64xf32, #tpu.memory_space<vmem>> -> memref<1x128x64xf32, #tpu.memory_space<vmem>>
        %get3A_590 = tpu.memref_squeeze %get3A_589 : memref<1x128x64xf32, #tpu.memory_space<vmem>> -> memref<128x64xf32, #tpu.memory_space<vmem>>
        %get3A_591 = arith.index_cast %add3A_546 : i32 to index
        %get3A_592 = arith.constant 32 : index
        %get3A_593 = tpu.vector_load %get3A_590[%get3A_591, %get3A_592] {strides = array<i32>} : memref<128x64xf32, #tpu.memory_space<vmem>>, vector<1x16xf32>,
        %get3A_594 = vector.shape_cast %get3A_593 : vector<1x16xf32> to vector<16xf32>
        %mul3A_595 = arith.constant 8.000000e+00 : f32
        %mul3A_596 = vector.broadcast %mul3A_595 : f32 to vector<16xf32>
        %mul3A_597 = arith.mulf %get3A_594, %mul3A_596 : vector<16xf32>
        %swap3A_598 = arith.constant 0 : i32
        %swap3A_599 = arith.constant 0 : i32
        %swap3A_600 = tpu.memref_slice %arg6[%scan3A_332, %swap3A_598, %swap3A_599] : memref<4x128x64xf32, #tpu.memory_space<vmem>> -> memref<1x128x64xf32, #tpu.memory_space<vmem>>
        %swap3A_601 = tpu.memref_squeeze %swap3A_600 : memref<1x128x64xf32, #tpu.memory_space<vmem>> -> memref<128x64xf32, #tpu.memory_space<vmem>>
        %swap3A_602 = arith.index_cast %add3A_546 : i32 to index
        %swap3A_603 = arith.constant 32 : index
        %swap3A_604 = tpu.vector_load %swap3A_601[%swap3A_602, %swap3A_603] {strides = array<i32>} : memref<128x64xf32, #tpu.memory_space<vmem>>, vector<1x16xf32>,
        %swap3A_605 = vector.shape_cast %swap3A_604 : vector<1x16xf32> to vector<16xf32>
        %swap3A_606 = vector.shape_cast %mul3A_597 : vector<16xf32> to vector<1x16xf32>
        tpu.vector_store %swap3A_601[%swap3A_602, %swap3A_603], %swap3A_606 {strides = array<i32>} : memref<128x64xf32, #tpu.memory_space<vmem>>, vector<1x16xf32>,
        %get3A_607 = arith.constant 0 : i32
        %get3A_608 = arith.constant 0 : i32
        %get3A_609 = tpu.memref_slice %arg6[%scan3A_332, %get3A_607, %get3A_608] : memref<4x128x64xf32, #tpu.memory_space<vmem>> -> memref<1x128x64xf32, #tpu.memory_space<vmem>>
        %get3A_610 = tpu.memref_squeeze %get3A_609 : memref<1x128x64xf32, #tpu.memory_space<vmem>> -> memref<128x64xf32, #tpu.memory_space<vmem>>
        %get3A_611 = arith.index_cast %add3A_546 : i32 to index
        %get3A_612 = arith.constant 48 : index
        %get3A_613 = tpu.vector_load %get3A_610[%get3A_611, %get3A_612] {strides = array<i32>} : memref<128x64xf32, #tpu.memory_space<vmem>>, vector<1x16xf32>,
        %get3A_614 = vector.shape_cast %get3A_613 : vector<1x16xf32> to vector<16xf32>
        %mul3A_615 = arith.constant 8.000000e+00 : f32
        %mul3A_616 = vector.broadcast %mul3A_615 : f32 to vector<16xf32>
        %mul3A_617 = arith.mulf %get3A_614, %mul3A_616 : vector<16xf32>
        %swap3A_618 = arith.constant 0 : i32
        %swap3A_619 = arith.constant 0 : i32
        %swap3A_620 = tpu.memref_slice %arg6[%scan3A_332, %swap3A_618, %swap3A_619] : memref<4x128x64xf32, #tpu.memory_space<vmem>> -> memref<1x128x64xf32, #tpu.memory_space<vmem>>
        %swap3A_621 = tpu.memref_squeeze %swap3A_620 : memref<1x128x64xf32, #tpu.memory_space<vmem>> -> memref<128x64xf32, #tpu.memory_space<vmem>>
        %swap3A_622 = arith.index_cast %add3A_546 : i32 to index
        %swap3A_623 = arith.constant 48 : index
        %swap3A_624 = tpu.vector_load %swap3A_621[%swap3A_622, %swap3A_623] {strides = array<i32>} : memref<128x64xf32, #tpu.memory_space<vmem>>, vector<1x16xf32>,
        %swap3A_625 = vector.shape_cast %swap3A_624 : vector<1x16xf32> to vector<16xf32>
        %swap3A_626 = vector.shape_cast %mul3A_617 : vector<16xf32> to vector<1x16xf32>
        tpu.vector_store %swap3A_621[%swap3A_622, %swap3A_623], %swap3A_626 {strides = array<i32>} : memref<128x64xf32, #tpu.memory_space<vmem>>, vector<1x16xf32>,
        %scan3A_627 = arith.constant 3 : i32
        %scan3A_628 = arith.addi %scan3A_372, %scan3A_627 : i32
        %mul3A_629 = arith.constant 1 : i32
        %mul3A_630 = arith.muli %scan3A_628, %mul3A_629 : i32
        %add3A_631 = arith.constant 0 : i32
        %add3A_632 = arith.addi %add3A_631, %mul3A_630 : i32
        %get3A_633 = arith.constant 0 : i32
        %get3A_634 = arith.constant 0 : i32
        %get3A_635 = tpu.memref_slice %arg6[%scan3A_332, %get3A_633, %get3A_634] : memref<4x128x64xf32, #tpu.memory_space<vmem>> -> memref<1x128x64xf32, #tpu.memory_space<vmem>>
        %get3A_636 = tpu.memref_squeeze %get3A_635 : memref<1x128x64xf32, #tpu.memory_space<vmem>> -> memref<128x64xf32, #tpu.memory_space<vmem>>
        %get3A_637 = arith.index_cast %add3A_632 : i32 to index
        %get3A_638 = arith.constant 0 : index
        %get3A_639 = tpu.vector_load %get3A_636[%get3A_637, %get3A_638] {strides = array<i32>} : memref<128x64xf32, #tpu.memory_space<vmem>>, vector<1x16xf32>,
        %get3A_640 = vector.shape_cast %get3A_639 : vector<1x16xf32> to vector<16xf32>
        %mul3A_641 = arith.constant 8.000000e+00 : f32
        %mul3A_642 = vector.broadcast %mul3A_641 : f32 to vector<16xf32>
        %mul3A_643 = arith.mulf %get3A_640, %mul3A_642 : vector<16xf32>
        %swap3A_644 = arith.constant 0 : i32
        %swap3A_645 = arith.constant 0 : i32
        %swap3A_646 = tpu.memref_slice %arg6[%scan3A_332, %swap3A_644, %swap3A_645] : memref<4x128x64xf32, #tpu.memory_space<vmem>> -> memref<1x128x64xf32, #tpu.memory_space<vmem>>
        %swap3A_647 = tpu.memref_squeeze %swap3A_646 : memref<1x128x64xf32, #tpu.memory_space<vmem>> -> memref<128x64xf32, #tpu.memory_space<vmem>>
        %swap3A_648 = arith.index_cast %add3A_632 : i32 to index
        %swap3A_649 = arith.constant 0 : index
        %swap3A_650 = tpu.vector_load %swap3A_647[%swap3A_648, %swap3A_649] {strides = array<i32>} : memref<128x64xf32, #tpu.memory_space<vmem>>, vector<1x16xf32>,
        %swap3A_651 = vector.shape_cast %swap3A_650 : vector<1x16xf32> to vector<16xf32>
        %swap3A_652 = vector.shape_cast %mul3A_643 : vector<16xf32> to vector<1x16xf32>
        tpu.vector_store %swap3A_647[%swap3A_648, %swap3A_649], %swap3A_652 {strides = array<i32>} : memref<128x64xf32, #tpu.memory_space<vmem>>, vector<1x16xf32>,
        %get3A_653 = arith.constant 0 : i32
        %get3A_654 = arith.constant 0 : i32
        %get3A_655 = tpu.memref_slice %arg6[%scan3A_332, %get3A_653, %get3A_654] : memref<4x128x64xf32, #tpu.memory_space<vmem>> -> memref<1x128x64xf32, #tpu.memory_space<vmem>>
        %get3A_656 = tpu.memref_squeeze %get3A_655 : memref<1x128x64xf32, #tpu.memory_space<vmem>> -> memref<128x64xf32, #tpu.memory_space<vmem>>
        %get3A_657 = arith.index_cast %add3A_632 : i32 to index
        %get3A_658 = arith.constant 16 : index
        %get3A_659 = tpu.vector_load %get3A_656[%get3A_657, %get3A_658] {strides = array<i32>} : memref<128x64xf32, #tpu.memory_space<vmem>>, vector<1x16xf32>,
        %get3A_660 = vector.shape_cast %get3A_659 : vector<1x16xf32> to vector<16xf32>
        %mul3A_661 = arith.constant 8.000000e+00 : f32
        %mul3A_662 = vector.broadcast %mul3A_661 : f32 to vector<16xf32>
        %mul3A_663 = arith.mulf %get3A_660, %mul3A_662 : vector<16xf32>
        %swap3A_664 = arith.constant 0 : i32
        %swap3A_665 = arith.constant 0 : i32
        %swap3A_666 = tpu.memref_slice %arg6[%scan3A_332, %swap3A_664, %swap3A_665] : memref<4x128x64xf32, #tpu.memory_space<vmem>> -> memref<1x128x64xf32, #tpu.memory_space<vmem>>
        %swap3A_667 = tpu.memref_squeeze %swap3A_666 : memref<1x128x64xf32, #tpu.memory_space<vmem>> -> memref<128x64xf32, #tpu.memory_space<vmem>>
        %swap3A_668 = arith.index_cast %add3A_632 : i32 to index
        %swap3A_669 = arith.constant 16 : index
        %swap3A_670 = tpu.vector_load %swap3A_667[%swap3A_668, %swap3A_669] {strides = array<i32>} : memref<128x64xf32, #tpu.memory_space<vmem>>, vector<1x16xf32>,
        %swap3A_671 = vector.shape_cast %swap3A_670 : vector<1x16xf32> to vector<16xf32>
        %swap3A_672 = vector.shape_cast %mul3A_663 : vector<16xf32> to vector<1x16xf32>
        tpu.vector_store %swap3A_667[%swap3A_668, %swap3A_669], %swap3A_672 {strides = array<i32>} : memref<128x64xf32, #tpu.memory_space<vmem>>, vector<1x16xf32>,
        %get3A_673 = arith.constant 0 : i32
        %get3A_674 = arith.constant 0 : i32
        %get3A_675 = tpu.memref_slice %arg6[%scan3A_332, %get3A_673, %get3A_674] : memref<4x128x64xf32, #tpu.memory_space<vmem>> -> memref<1x128x64xf32, #tpu.memory_space<vmem>>
        %get3A_676 = tpu.memref_squeeze %get3A_675 : memref<1x128x64xf32, #tpu.memory_space<vmem>> -> memref<128x64xf32, #tpu.memory_space<vmem>>
        %get3A_677 = arith.index_cast %add3A_632 : i32 to index
        %get3A_678 = arith.constant 32 : index
        %get3A_679 = tpu.vector_load %get3A_676[%get3A_677, %get3A_678] {strides = array<i32>} : memref<128x64xf32, #tpu.memory_space<vmem>>, vector<1x16xf32>,
        %get3A_680 = vector.shape_cast %get3A_679 : vector<1x16xf32> to vector<16xf32>
        %mul3A_681 = arith.constant 8.000000e+00 : f32
        %mul3A_682 = vector.broadcast %mul3A_681 : f32 to vector<16xf32>
        %mul3A_683 = arith.mulf %get3A_680, %mul3A_682 : vector<16xf32>
        %swap3A_684 = arith.constant 0 : i32
        %swap3A_685 = arith.constant 0 : i32
        %swap3A_686 = tpu.memref_slice %arg6[%scan3A_332, %swap3A_684, %swap3A_685] : memref<4x128x64xf32, #tpu.memory_space<vmem>> -> memref<1x128x64xf32, #tpu.memory_space<vmem>>
        %swap3A_687 = tpu.memref_squeeze %swap3A_686 : memref<1x128x64xf32, #tpu.memory_space<vmem>> -> memref<128x64xf32, #tpu.memory_space<vmem>>
        %swap3A_688 = arith.index_cast %add3A_632 : i32 to index
        %swap3A_689 = arith.constant 32 : index
        %swap3A_690 = tpu.vector_load %swap3A_687[%swap3A_688, %swap3A_689] {strides = array<i32>} : memref<128x64xf32, #tpu.memory_space<vmem>>, vector<1x16xf32>,
        %swap3A_691 = vector.shape_cast %swap3A_690 : vector<1x16xf32> to vector<16xf32>
        %swap3A_692 = vector.shape_cast %mul3A_683 : vector<16xf32> to vector<1x16xf32>
        tpu.vector_store %swap3A_687[%swap3A_688, %swap3A_689], %swap3A_692 {strides = array<i32>} : memref<128x64xf32, #tpu.memory_space<vmem>>, vector<1x16xf32>,
        %get3A_693 = arith.constant 0 : i32
        %get3A_694 = arith.constant 0 : i32
        %get3A_695 = tpu.memref_slice %arg6[%scan3A_332, %get3A_693, %get3A_694] : memref<4x128x64xf32, #tpu.memory_space<vmem>> -> memref<1x128x64xf32, #tpu.memory_space<vmem>>
        %get3A_696 = tpu.memref_squeeze %get3A_695 : memref<1x128x64xf32, #tpu.memory_space<vmem>> -> memref<128x64xf32, #tpu.memory_space<vmem>>
        %get3A_697 = arith.index_cast %add3A_632 : i32 to index
        %get3A_698 = arith.constant 48 : index
        %get3A_699 = tpu.vector_load %get3A_696[%get3A_697, %get3A_698] {strides = array<i32>} : memref<128x64xf32, #tpu.memory_space<vmem>>, vector<1x16xf32>,
        %get3A_700 = vector.shape_cast %get3A_699 : vector<1x16xf32> to vector<16xf32>
        %mul3A_701 = arith.constant 8.000000e+00 : f32
        %mul3A_702 = vector.broadcast %mul3A_701 : f32 to vector<16xf32>
        %mul3A_703 = arith.mulf %get3A_700, %mul3A_702 : vector<16xf32>
        %swap3A_704 = arith.constant 0 : i32
        %swap3A_705 = arith.constant 0 : i32
        %swap3A_706 = tpu.memref_slice %arg6[%scan3A_332, %swap3A_704, %swap3A_705] : memref<4x128x64xf32, #tpu.memory_space<vmem>> -> memref<1x128x64xf32, #tpu.memory_space<vmem>>
        %swap3A_707 = tpu.memref_squeeze %swap3A_706 : memref<1x128x64xf32, #tpu.memory_space<vmem>> -> memref<128x64xf32, #tpu.memory_space<vmem>>
        %swap3A_708 = arith.index_cast %add3A_632 : i32 to index
        %swap3A_709 = arith.constant 48 : index
        %swap3A_710 = tpu.vector_load %swap3A_707[%swap3A_708, %swap3A_709] {strides = array<i32>} : memref<128x64xf32, #tpu.memory_space<vmem>>, vector<1x16xf32>,
        %swap3A_711 = vector.shape_cast %swap3A_710 : vector<1x16xf32> to vector<16xf32>
        %swap3A_712 = vector.shape_cast %mul3A_703 : vector<16xf32> to vector<1x16xf32>
        tpu.vector_store %swap3A_707[%swap3A_708, %swap3A_709], %swap3A_712 {strides = array<i32>} : memref<128x64xf32, #tpu.memory_space<vmem>>, vector<1x16xf32>,
      }
      %scan3A_337 = arith.constant 72 : i32
      %add3A_338 = arith.addi %mul3A_2, %add3A_317 : i32
      %dma_start3A_339 = arith.constant 3 : i32
      %dma_start3A_340 = arith.constant 3 : i32
      %dma_start3A_341 = arith.constant 0 : i32
      %dma_start3A_342 = arith.constant 0 : i32
      %dma_start3A_343 = tpu.memref_slice %arg6[%dma_start3A_339, %dma_start3A_341, %dma_start3A_342] : memref<4x128x64xf32, #tpu.memory_space<vmem>> -> memref<1x72x64xf32, #tpu.memory_space<vmem>>
      %dma_start3A_344 = tpu.memref_squeeze %dma_start3A_343 : memref<1x72x64xf32, #tpu.memory_space<vmem>> -> memref<72x64xf32, #tpu.memory_space<vmem>>
      %dma_start3A_345 = arith.constant 128 : i32
      %dma_start3A_346 = arith.constant 0 : i32
      %dma_start3A_347 = tpu.memref_slice %arg4[%add3A_338, %dma_start3A_345, %dma_start3A_346] : memref<4096x200x64xf32, #tpu.memory_space<hbm>> -> memref<1x72x64xf32, #tpu.memory_space<hbm>>
      %dma_start3A_348 = tpu.memref_squeeze %dma_start3A_347 : memref<1x72x64xf32, #tpu.memory_space<hbm>> -> memref<72x64xf32, #tpu.memory_space<hbm>>
      %dma_start3A_349 = tpu.memref_slice %arg8[%dma_start3A_340] : memref<4x!tpu.dma_semaphore, #tpu.memory_space<semaphore_mem>> -> memref<1x!tpu.dma_semaphore, #tpu.memory_space<semaphore_mem>>
      %dma_start3A_350 = tpu.memref_squeeze %dma_start3A_349 : memref<1x!tpu.dma_semaphore, #tpu.memory_space<semaphore_mem>> -> memref<!tpu.dma_semaphore, #tpu.memory_space<semaphore_mem>>
      %dma_start3A_351 = arith.constant 128 : i32
      %dma_start3A_352 = arith.constant 0 : i32
      %dma_start3A_353 = tpu.memref_slice %arg4[%add3A_338, %dma_start3A_351, %dma_start3A_352] : memref<4096x200x64xf32, #tpu.memory_space<hbm>> -> memref<1x72x64xf32, #tpu.memory_space<hbm>>
      %dma_start3A_354 = tpu.memref_squeeze %dma_start3A_353 : memref<1x72x64xf32, #tpu.memory_space<hbm>> -> memref<72x64xf32, #tpu.memory_space<hbm>>
      %dma_start3A_355 = arith.constant 0 : i32
      %dma_start3A_356 = arith.constant 0 : i32
      %dma_start3A_357 = tpu.memref_slice %arg6[%dma_start3A_339, %dma_start3A_355, %dma_start3A_356] : memref<4x128x64xf32, #tpu.memory_space<vmem>> -> memref<1x72x64xf32, #tpu.memory_space<vmem>>
      %dma_start3A_358 = tpu.memref_squeeze %dma_start3A_357 : memref<1x72x64xf32, #tpu.memory_space<vmem>> -> memref<72x64xf32, #tpu.memory_space<vmem>>
      tpu.enqueue_dma source(%dma_start3A_358 : memref<72x64xf32, #tpu.memory_space<vmem>>) target(%dma_start3A_354 : memref<72x64xf32, #tpu.memory_space<hbm>>) target_semaphore(%dma_start3A_350 : memref<!tpu.dma_semaphore, #tpu.memory_space<semaphore_mem>>)
      %mul3A_359 = arith.constant 2 : i32
      %mul3A_360 = arith.muli %mul3A_359, %add3A_142 : i32
      %add3A_361 = arith.constant 3 : i32
      %add3A_362 = arith.addi %mul3A_360, %add3A_361 : i32
      %mul3A_363 = arith.constant 4 : i32
      %mul3A_364 = arith.muli %mul3A_363, %add3A_142 : i32
      %add3A_365 = arith.constant 6 : i32
      %add3A_366 = arith.addi %mul3A_364, %add3A_365 : i32
      %lt3A_367 = arith.constant 128 : i32
      %lt3A_368 = arith.cmpi slt, %add3A_362, %lt3A_367 : i32
      %convert_element_type3A_369 = arith.extui %lt3A_368 : i1 to i32
      %cond3A_370 = arith.constant 0 : i32
      %cond3A_371 = arith.cmpi ne, %convert_element_type3A_369, %cond3A_370 : i32
      scf.if %cond3A_371 {
        %ge3A = arith.constant 4 : i32
        %ge3A_372 = arith.cmpi sge, %add3A_366, %ge3A : i32
        %convert_element_type3A_373 = arith.extui %ge3A_372 : i1 to i32
        %cond3A_374 = arith.constant 0 : i32
        %cond3A_375 = arith.cmpi ne, %convert_element_type3A_373, %cond3A_374 : i32
        scf.if %cond3A_375 {
          %sub3A = arith.constant 2 : i32
          %sub3A_390 = arith.subi %add3A_362, %sub3A : i32
          %add3A_391 = arith.addi %mul3A_2, %sub3A_390 : i32
          %dma_wait3A_392 = arith.constant 2 : i32
          %dma_wait3A_393 = arith.constant 2 : i32
          %dma_wait3A_394 = arith.constant 0 : i32
          %dma_wait3A_395 = arith.constant 0 : i32
          %dma_wait3A_396 = tpu.memref_slice %arg6[%dma_wait3A_392, %dma_wait3A_394, %dma_wait3A_395] : memref<4x128x64xf32, #tpu.memory_space<vmem>> -> memref<1x128x64xf32, #tpu.memory_space<vmem>>
          %dma_wait3A_397 = tpu.memref_squeeze %dma_wait3A_396 : memref<1x128x64xf32, #tpu.memory_space<vmem>> -> memref<128x64xf32, #tpu.memory_space<vmem>>
          %dma_wait3A_398 = arith.constant 0 : i32
          %dma_wait3A_399 = arith.constant 0 : i32
          %dma_wait3A_400 = tpu.memref_slice %arg4[%add3A_391, %dma_wait3A_398, %dma_wait3A_399] : memref<4096x200x64xf32, #tpu.memory_space<hbm>> -> memref<1x128x64xf32, #tpu.memory_space<hbm>>
          %dma_wait3A_401 = tpu.memref_squeeze %dma_wait3A_400 : memref<1x128x64xf32, #tpu.memory_space<hbm>> -> memref<128x64xf32, #tpu.memory_space<hbm>>
          %dma_wait3A_402 = tpu.memref_slice %arg8[%dma_wait3A_393] : memref<4x!tpu.dma_semaphore, #tpu.memory_space<semaphore_mem>> -> memref<1x!tpu.dma_semaphore, #tpu.memory_space<semaphore_mem>>
          %dma_wait3A_403 = tpu.memref_squeeze %dma_wait3A_402 : memref<1x!tpu.dma_semaphore, #tpu.memory_space<semaphore_mem>> -> memref<!tpu.dma_semaphore, #tpu.memory_space<semaphore_mem>>
          %dma_wait3A_404 = arith.constant 0 : i32
          %dma_wait3A_405 = arith.constant 0 : i32
          %dma_wait3A_406 = tpu.memref_slice %arg4[%add3A_391, %dma_wait3A_404, %dma_wait3A_405] : memref<4096x200x64xf32, #tpu.memory_space<hbm>> -> memref<1x128x64xf32, #tpu.memory_space<hbm>>
          %dma_wait3A_407 = tpu.memref_squeeze %dma_wait3A_406 : memref<1x128x64xf32, #tpu.memory_space<hbm>> -> memref<128x64xf32, #tpu.memory_space<hbm>>
          %dma_wait3A_408 = arith.constant 0 : i32
          %dma_wait3A_409 = arith.constant 0 : i32
          %dma_wait3A_410 = tpu.memref_slice %arg6[%dma_wait3A_392, %dma_wait3A_408, %dma_wait3A_409] : memref<4x128x64xf32, #tpu.memory_space<vmem>> -> memref<1x128x64xf32, #tpu.memory_space<vmem>>
          %dma_wait3A_411 = tpu.memref_squeeze %dma_wait3A_410 : memref<1x128x64xf32, #tpu.memory_space<vmem>> -> memref<128x64xf32, #tpu.memory_space<vmem>>
          tpu.wait_dma2 semaphore(%dma_wait3A_403 : memref<!tpu.dma_semaphore, #tpu.memory_space<semaphore_mem>>) src(%dma_wait3A_411 : memref<128x64xf32, #tpu.memory_space<vmem>>) dst(%dma_wait3A_407 : memref<128x64xf32, #tpu.memory_space<hbm>>)
        } else {
        }
        %dma_start3A_376 = arith.constant 2 : i32
        %dma_start3A_377 = arith.constant 2 : i32
        %dma_start3A_378 = arith.constant 0 : i32
        %dma_start3A_379 = arith.constant 0 : i32
        %dma_start3A_380 = tpu.memref_slice %arg6[%dma_start3A_376, %dma_start3A_378, %dma_start3A_379] : memref<4x128x64xf32, #tpu.memory_space<vmem>> -> memref<1x128x64xf32, #tpu.memory_space<vmem>>
        %dma_start3A_381 = tpu.memref_squeeze %dma_start3A_380 : memref<1x128x64xf32, #tpu.memory_space<vmem>> -> memref<128x64xf32, #tpu.memory_space<vmem>>
        %dma_start3A_382 = arith.constant 0 : i32
        %dma_start3A_383 = tpu.memref_slice %arg5[%add3A_362, %dma_start3A_382] : memref<128x200xi32, #tpu.memory_space<vmem>> -> memref<1x128xi32, #tpu.memory_space<vmem>>
        %dma_start3A_384 = tpu.memref_squeeze %dma_start3A_383 : memref<1x128xi32, #tpu.memory_space<vmem>> -> memref<128xi32, #tpu.memory_space<vmem>>
        %dma_start3A_385 = arith.constant 0 : i32
        %dma_start3A_386 = arith.constant 0 : i32
        %dma_start3A_387 = tpu.memref_slice %arg3[%dma_start3A_385, %dma_start3A_386] : memref<1000000x64xf32, #tpu.memory_space<hbm>> -> memref<1000000x64xf32, #tpu.memory_space<hbm>>
        %dma_start3A_388 = tpu.memref_slice %arg7[%dma_start3A_377] : memref<4x!tpu.dma_semaphore, #tpu.memory_space<semaphore_mem>> -> memref<1x!tpu.dma_semaphore, #tpu.memory_space<semaphore_mem>>
        %dma_start3A_389 = tpu.memref_squeeze %dma_start3A_388 : memref<1x!tpu.dma_semaphore, #tpu.memory_space<semaphore_mem>> -> memref<!tpu.dma_semaphore, #tpu.memory_space<semaphore_mem>>
        tpu.enqueue_indirect_dma source(%dma_start3A_387 : memref<1000000x64xf32, #tpu.memory_space<hbm>>) target(%dma_start3A_381 : memref<128x64xf32, #tpu.memory_space<vmem>>) offsets(%dma_start3A_384 : memref<128xi32, #tpu.memory_space<vmem>>) semaphore(%dma_start3A_389 : memref<!tpu.dma_semaphore, #tpu.memory_space<semaphore_mem>>)
      } else {
      }
    }
    %scan3A_50 = arith.constant 64 : i32
    %add3A_51 = arith.constant 126 : i32
    %add3A_52 = arith.addi %mul3A_2, %add3A_51 : i32
    %dma_wait3A = arith.constant 0 : i32
    %dma_wait3A_53 = arith.constant 0 : i32
    %dma_wait3A_54 = arith.constant 0 : i32
    %dma_wait3A_55 = arith.constant 0 : i32
    %dma_wait3A_56 = tpu.memref_slice %arg6[%dma_wait3A, %dma_wait3A_54, %dma_wait3A_55] : memref<4x128x64xf32, #tpu.memory_space<vmem>> -> memref<1x128x64xf32, #tpu.memory_space<vmem>>
    %dma_wait3A_57 = tpu.memref_squeeze %dma_wait3A_56 : memref<1x128x64xf32, #tpu.memory_space<vmem>> -> memref<128x64xf32, #tpu.memory_space<vmem>>
    %dma_wait3A_58 = arith.constant 0 : i32
    %dma_wait3A_59 = arith.constant 0 : i32
    %dma_wait3A_60 = tpu.memref_slice %arg4[%add3A_52, %dma_wait3A_58, %dma_wait3A_59] : memref<4096x200x64xf32, #tpu.memory_space<hbm>> -> memref<1x128x64xf32, #tpu.memory_space<hbm>>
    %dma_wait3A_61 = tpu.memref_squeeze %dma_wait3A_60 : memref<1x128x64xf32, #tpu.memory_space<hbm>> -> memref<128x64xf32, #tpu.memory_space<hbm>>
    %dma_wait3A_62 = tpu.memref_slice %arg8[%dma_wait3A_53] : memref<4x!tpu.dma_semaphore, #tpu.memory_space<semaphore_mem>> -> memref<1x!tpu.dma_semaphore, #tpu.memory_space<semaphore_mem>>
    %dma_wait3A_63 = tpu.memref_squeeze %dma_wait3A_62 : memref<1x!tpu.dma_semaphore, #tpu.memory_space<semaphore_mem>> -> memref<!tpu.dma_semaphore, #tpu.memory_space<semaphore_mem>>
    %dma_wait3A_64 = arith.constant 0 : i32
    %dma_wait3A_65 = arith.constant 0 : i32
    %dma_wait3A_66 = tpu.memref_slice %arg4[%add3A_52, %dma_wait3A_64, %dma_wait3A_65] : memref<4096x200x64xf32, #tpu.memory_space<hbm>> -> memref<1x128x64xf32, #tpu.memory_space<hbm>>
    %dma_wait3A_67 = tpu.memref_squeeze %dma_wait3A_66 : memref<1x128x64xf32, #tpu.memory_space<hbm>> -> memref<128x64xf32, #tpu.memory_space<hbm>>
    %dma_wait3A_68 = arith.constant 0 : i32
    %dma_wait3A_69 = arith.constant 0 : i32
    %dma_wait3A_70 = tpu.memref_slice %arg6[%dma_wait3A, %dma_wait3A_68, %dma_wait3A_69] : memref<4x128x64xf32, #tpu.memory_space<vmem>> -> memref<1x128x64xf32, #tpu.memory_space<vmem>>
    %dma_wait3A_71 = tpu.memref_squeeze %dma_wait3A_70 : memref<1x128x64xf32, #tpu.memory_space<vmem>> -> memref<128x64xf32, #tpu.memory_space<vmem>>
    tpu.wait_dma2 semaphore(%dma_wait3A_63 : memref<!tpu.dma_semaphore, #tpu.memory_space<semaphore_mem>>) src(%dma_wait3A_71 : memref<128x64xf32, #tpu.memory_space<vmem>>) dst(%dma_wait3A_67 : memref<128x64xf32, #tpu.memory_space<hbm>>)
    %add3A_72 = arith.constant 126 : i32
    %add3A_73 = arith.addi %mul3A_2, %add3A_72 : i32
    %dma_wait3A_74 = arith.constant 1 : i32
    %dma_wait3A_75 = arith.constant 1 : i32
    %dma_wait3A_76 = arith.constant 0 : i32
    %dma_wait3A_77 = arith.constant 0 : i32
    %dma_wait3A_78 = tpu.memref_slice %arg6[%dma_wait3A_74, %dma_wait3A_76, %dma_wait3A_77] : memref<4x128x64xf32, #tpu.memory_space<vmem>> -> memref<1x72x64xf32, #tpu.memory_space<vmem>>
    %dma_wait3A_79 = tpu.memref_squeeze %dma_wait3A_78 : memref<1x72x64xf32, #tpu.memory_space<vmem>> -> memref<72x64xf32, #tpu.memory_space<vmem>>
    %dma_wait3A_80 = arith.constant 128 : i32
    %dma_wait3A_81 = arith.constant 0 : i32
    %dma_wait3A_82 = tpu.memref_slice %arg4[%add3A_73, %dma_wait3A_80, %dma_wait3A_81] : memref<4096x200x64xf32, #tpu.memory_space<hbm>> -> memref<1x72x64xf32, #tpu.memory_space<hbm>>
    %dma_wait3A_83 = tpu.memref_squeeze %dma_wait3A_82 : memref<1x72x64xf32, #tpu.memory_space<hbm>> -> memref<72x64xf32, #tpu.memory_space<hbm>>
    %dma_wait3A_84 = tpu.memref_slice %arg8[%dma_wait3A_75] : memref<4x!tpu.dma_semaphore, #tpu.memory_space<semaphore_mem>> -> memref<1x!tpu.dma_semaphore, #tpu.memory_space<semaphore_mem>>
    %dma_wait3A_85 = tpu.memref_squeeze %dma_wait3A_84 : memref<1x!tpu.dma_semaphore, #tpu.memory_space<semaphore_mem>> -> memref<!tpu.dma_semaphore, #tpu.memory_space<semaphore_mem>>
    %dma_wait3A_86 = arith.constant 128 : i32
    %dma_wait3A_87 = arith.constant 0 : i32
    %dma_wait3A_88 = tpu.memref_slice %arg4[%add3A_73, %dma_wait3A_86, %dma_wait3A_87] : memref<4096x200x64xf32, #tpu.memory_space<hbm>> -> memref<1x72x64xf32, #tpu.memory_space<hbm>>
    %dma_wait3A_89 = tpu.memref_squeeze %dma_wait3A_88 : memref<1x72x64xf32, #tpu.memory_space<hbm>> -> memref<72x64xf32, #tpu.memory_space<hbm>>
    %dma_wait3A_90 = arith.constant 0 : i32
    %dma_wait3A_91 = arith.constant 0 : i32
    %dma_wait3A_92 = tpu.memref_slice %arg6[%dma_wait3A_74, %dma_wait3A_90, %dma_wait3A_91] : memref<4x128x64xf32, #tpu.memory_space<vmem>> -> memref<1x72x64xf32, #tpu.memory_space<vmem>>
    %dma_wait3A_93 = tpu.memref_squeeze %dma_wait3A_92 : memref<1x72x64xf32, #tpu.memory_space<vmem>> -> memref<72x64xf32, #tpu.memory_space<vmem>>
    tpu.wait_dma2 semaphore(%dma_wait3A_85 : memref<!tpu.dma_semaphore, #tpu.memory_space<semaphore_mem>>) src(%dma_wait3A_93 : memref<72x64xf32, #tpu.memory_space<vmem>>) dst(%dma_wait3A_89 : memref<72x64xf32, #tpu.memory_space<hbm>>)
    %add3A_94 = arith.constant 127 : i32
    %add3A_95 = arith.addi %mul3A_2, %add3A_94 : i32
    %dma_wait3A_96 = arith.constant 2 : i32
    %dma_wait3A_97 = arith.constant 2 : i32
    %dma_wait3A_98 = arith.constant 0 : i32
    %dma_wait3A_99 = arith.constant 0 : i32
    %dma_wait3A_100 = tpu.memref_slice %arg6[%dma_wait3A_96, %dma_wait3A_98, %dma_wait3A_99] : memref<4x128x64xf32, #tpu.memory_space<vmem>> -> memref<1x128x64xf32, #tpu.memory_space<vmem>>
    %dma_wait3A_101 = tpu.memref_squeeze %dma_wait3A_100 : memref<1x128x64xf32, #tpu.memory_space<vmem>> -> memref<128x64xf32, #tpu.memory_space<vmem>>
    %dma_wait3A_102 = arith.constant 0 : i32
    %dma_wait3A_103 = arith.constant 0 : i32
    %dma_wait3A_104 = tpu.memref_slice %arg4[%add3A_95, %dma_wait3A_102, %dma_wait3A_103] : memref<4096x200x64xf32, #tpu.memory_space<hbm>> -> memref<1x128x64xf32, #tpu.memory_space<hbm>>
    %dma_wait3A_105 = tpu.memref_squeeze %dma_wait3A_104 : memref<1x128x64xf32, #tpu.memory_space<hbm>> -> memref<128x64xf32, #tpu.memory_space<hbm>>
    %dma_wait3A_106 = tpu.memref_slice %arg8[%dma_wait3A_97] : memref<4x!tpu.dma_semaphore, #tpu.memory_space<semaphore_mem>> -> memref<1x!tpu.dma_semaphore, #tpu.memory_space<semaphore_mem>>
    %dma_wait3A_107 = tpu.memref_squeeze %dma_wait3A_106 : memref<1x!tpu.dma_semaphore, #tpu.memory_space<semaphore_mem>> -> memref<!tpu.dma_semaphore, #tpu.memory_space<semaphore_mem>>
    %dma_wait3A_108 = arith.constant 0 : i32
    %dma_wait3A_109 = arith.constant 0 : i32
    %dma_wait3A_110 = tpu.memref_slice %arg4[%add3A_95, %dma_wait3A_108, %dma_wait3A_109] : memref<4096x200x64xf32, #tpu.memory_space<hbm>> -> memref<1x128x64xf32, #tpu.memory_space<hbm>>
    %dma_wait3A_111 = tpu.memref_squeeze %dma_wait3A_110 : memref<1x128x64xf32, #tpu.memory_space<hbm>> -> memref<128x64xf32, #tpu.memory_space<hbm>>
    %dma_wait3A_112 = arith.constant 0 : i32
    %dma_wait3A_113 = arith.constant 0 : i32
    %dma_wait3A_114 = tpu.memref_slice %arg6[%dma_wait3A_96, %dma_wait3A_112, %dma_wait3A_113] : memref<4x128x64xf32, #tpu.memory_space<vmem>> -> memref<1x128x64xf32, #tpu.memory_space<vmem>>
    %dma_wait3A_115 = tpu.memref_squeeze %dma_wait3A_114 : memref<1x128x64xf32, #tpu.memory_space<vmem>> -> memref<128x64xf32, #tpu.memory_space<vmem>>
    tpu.wait_dma2 semaphore(%dma_wait3A_107 : memref<!tpu.dma_semaphore, #tpu.memory_space<semaphore_mem>>) src(%dma_wait3A_115 : memref<128x64xf32, #tpu.memory_space<vmem>>) dst(%dma_wait3A_111 : memref<128x64xf32, #tpu.memory_space<hbm>>)
    %add3A_116 = arith.constant 127 : i32
    %add3A_117 = arith.addi %mul3A_2, %add3A_116 : i32
    %dma_wait3A_118 = arith.constant 3 : i32
    %dma_wait3A_119 = arith.constant 3 : i32
    %dma_wait3A_120 = arith.constant 0 : i32
    %dma_wait3A_121 = arith.constant 0 : i32
    %dma_wait3A_122 = tpu.memref_slice %arg6[%dma_wait3A_118, %dma_wait3A_120, %dma_wait3A_121] : memref<4x128x64xf32, #tpu.memory_space<vmem>> -> memref<1x72x64xf32, #tpu.memory_space<vmem>>
    %dma_wait3A_123 = tpu.memref_squeeze %dma_wait3A_122 : memref<1x72x64xf32, #tpu.memory_space<vmem>> -> memref<72x64xf32, #tpu.memory_space<vmem>>
    %dma_wait3A_124 = arith.constant 128 : i32
    %dma_wait3A_125 = arith.constant 0 : i32
    %dma_wait3A_126 = tpu.memref_slice %arg4[%add3A_117, %dma_wait3A_124, %dma_wait3A_125] : memref<4096x200x64xf32, #tpu.memory_space<hbm>> -> memref<1x72x64xf32, #tpu.memory_space<hbm>>
    %dma_wait3A_127 = tpu.memref_squeeze %dma_wait3A_126 : memref<1x72x64xf32, #tpu.memory_space<hbm>> -> memref<72x64xf32, #tpu.memory_space<hbm>>
    %dma_wait3A_128 = tpu.memref_slice %arg8[%dma_wait3A_119] : memref<4x!tpu.dma_semaphore, #tpu.memory_space<semaphore_mem>> -> memref<1x!tpu.dma_semaphore, #tpu.memory_space<semaphore_mem>>
    %dma_wait3A_129 = tpu.memref_squeeze %dma_wait3A_128 : memref<1x!tpu.dma_semaphore, #tpu.memory_space<semaphore_mem>> -> memref<!tpu.dma_semaphore, #tpu.memory_space<semaphore_mem>>
    %dma_wait3A_130 = arith.constant 128 : i32
    %dma_wait3A_131 = arith.constant 0 : i32
    %dma_wait3A_132 = tpu.memref_slice %arg4[%add3A_117, %dma_wait3A_130, %dma_wait3A_131] : memref<4096x200x64xf32, #tpu.memory_space<hbm>> -> memref<1x72x64xf32, #tpu.memory_space<hbm>>
    %dma_wait3A_133 = tpu.memref_squeeze %dma_wait3A_132 : memref<1x72x64xf32, #tpu.memory_space<hbm>> -> memref<72x64xf32, #tpu.memory_space<hbm>>
    %dma_wait3A_134 = arith.constant 0 : i32
    %dma_wait3A_135 = arith.constant 0 : i32
    %dma_wait3A_136 = tpu.memref_slice %arg6[%dma_wait3A_118, %dma_wait3A_134, %dma_wait3A_135] : memref<4x128x64xf32, #tpu.memory_space<vmem>> -> memref<1x72x64xf32, #tpu.memory_space<vmem>>
    %dma_wait3A_137 = tpu.memref_squeeze %dma_wait3A_136 : memref<1x72x64xf32, #tpu.memory_space<vmem>> -> memref<72x64xf32, #tpu.memory_space<vmem>>
    tpu.wait_dma2 semaphore(%dma_wait3A_129 : memref<!tpu.dma_semaphore, #tpu.memory_space<semaphore_mem>>) src(%dma_wait3A_137 : memref<72x64xf32, #tpu.memory_space<vmem>>) dst(%dma_wait3A_133 : memref<72x64xf32, #tpu.memory_space<hbm>>)
    return
  }
}

</mosaic_0001>

<sc_bundles>
// kernel: kernel.3.cloned.1.call-start
scs
__scs_entry_jumppad:
0x0: {  	(pc) =	sbr.rel $0x88, $3  }
0x1: {  	(tag) =	ssettag $0x0;
	lr =	simm.s32 $0x1  }
0x2: {  	[smem:$0x3F9F] =	sst lr;
	_ =	strace $0xD0000000  }
0x3: {  	_ = 	snop  }
0x4: {  	_ = 	snop  }
0x5: {  	_ = 	snop  }
0x6: {  	_ = 	snop  }
0x7: {  	_ = 	snop  }
__scs_overlays_trampoline_lowered:
0x8: {  	[smem:$0x3FAE] =	sst s0  }
0x9: {  	[smem:$0x3FAF] =	sst s1  }
0xa: {  	[smem:$0x3FB0] =	sst s2  }
0xb: {  	[smem:$0x3FB1] =	sst s3  }
0xc: {  	[smem:$0x3FB2] =	sst s4  }
0xd: {  	[smem:$0x3FB3] =	sst s5  }
0xe: {  	[smem:$0x3FB4] =	sst s6  }
0xf: {  	[smem:$0x3FB5] =	sst s7  }
0x10: {  	[smem:$0x3FB6] =	sst s8  }
0x11: {  	[smem:$0x3FB7] =	sst s9;
	s0 =	simm.s32 @!p0 $0x0  }
0x12: {  	s1 =	sld [smem:$0x3F9D];
	s0 =	simm.s32 @p0 $0x1  }
0x13: {  	[smem:$0x3FB8] =	sst s0;
	s0 =	simm.s32 @!p1 $0x0  }
0x14: {  	s2 =	sld [smem:$0x3F9C];
	s0 =	simm.s32 @p1 $0x1  }
0x15: {  	[smem:$0x3FB9] =	sst s0;
	s0 =	simm.s32 @!p2 $0x0  }
0x16: {  	s3 =	sld [smem:$0x3FDB];
	s0 =	simm.s32 @p2 $0x1  }
0x17: {  	s4 =	simm.s32 $0x1BF5;
	[smem:$0x3FBB] =	sst s0  }
0x18: {  	s0 =	sld [smem:$0x3F9E];
	_ =	swait.ge [sflag:s4], $0x0  }
0x19: {  	s7 =	sld [smem:$0x3F9F]  }
0x1a: {  	s8 =	sadd.s32 $0xFFFFE003, lr  }
0x1b: {  	s9 =	sadd.s32 $0xFFFFFEF7, lr;
	s5 =	simm.s32 $0xFFFFFFFF;
	p2 =	slt.u32 s8, $0xFFFFF086  }
0x1c: {  	p1 =	slt.u32 s9, $0xF7A;
	s5 =	simm.s32 @!p2 $0x0  }
0x1d: {  	s5 =	simm.s32 @p1 $0x1;
	p0 =	seq.s32 s7, s2  }
0x1e: {  	s7 =	smul.u32 @!p0 $0xF7A, s2;
	p2 =	seq.s32 @!p0 s5, $0x0  }
0x1f: {  	s9 =	smul.u32 $0xF7A, s1;
	s8 =	simm.s32 @!p0 $0x1BF5;
	p2 =	por !p2, p0  }
0x20: {  	[sflag:s8] =	ssyncset.s32 @!p0 $0xFFFFF086;
	s6 =	sadd.s32 @!p0 s3, s7;
	s7 =	simm.s32 @!p0 $0x108  }
0x21: {  	s3 =	sadd.s32 s3, s9;
	s6 =	sadd.s32 @!p0 $0x88, s6;
	s7 =	simm.s32 @p2 $0x1082  }
0x22: {  	[simem:s7], [sflag:s8] =	dma.local @!p0 [hbm:s6], $0xF7A  }
0x23: {  	s9 =	sor.u32 $0xD0000000, s2;
	s6 =	simm.s32 $0x108;
	_ =	swait.ge @!p0 [sflag:s8], $0x0  }
0x24: {  	s3 =	sadd.s32 $0x88, s3;
	s6 =	simm.s32 @!p1 $0x1082;
	[sflag:s4] =	ssyncset.s32 $0xFFFFF086  }
0x25: {  	[simem:s6], [sflag:s4] =	dma.local [hbm:s3], $0xF7A  }
0x26: {  	[smem:$0x3F9F] =	sst s1;
	(tag) =	ssettag s2;
	_ =	strace s9  }
0x27: {  	s1 =	sld [smem:$0x3FAF]  }
0x28: {  	s2 =	sld [smem:$0x3FB0]  }
0x29: {  	s4 =	sld [smem:$0x3FB2]  }
0x2a: {  	p0 =	seq.s32 s5, $0x0;
	s5 =	sld [smem:$0x3FB3]  }
0x2b: {  	s6 =	sld [smem:$0x3FB4]  }
0x2c: {  	s7 =	sld [smem:$0x3FB5]  }
0x2d: {  	s3 =	simm.s32 $0x108;
	s8 =	sld [smem:$0x3FB6]  }
0x2e: {  	s3 =	simm.s32 @!p0 $0x1082;
	s9 =	sld [smem:$0x3FB7]  }
0x2f: {  	lr =	sadd.s32 s0, s3;
	s0 =	sld [smem:$0x3FAE]  }
0x30: {  	s3 =	sld [smem:$0x3FB1]  }
0x31: {  	[smem:$0x3FBA] =	sst s10  }
0x32: {  	s10 =	sld [smem:$0x3FB8];
	_ =	sdelay $0x3  }
0x33: {  	p0 =	seq.s32 s10, $0x1;
	s10 =	sld [smem:$0x3FBA];
	_ =	sdelay $0x3  }
0x34: {  	[smem:$0x3FBA] =	sst s10  }
0x35: {  	s10 =	sld [smem:$0x3FB9];
	_ =	sdelay $0x3  }
0x36: {  	p1 =	seq.s32 s10, $0x1;
	s10 =	sld [smem:$0x3FBA];
	_ =	sdelay $0x3  }
0x37: {  	[smem:$0x3FBA] =	sst s10  }
0x38: {  	s10 =	sld [smem:$0x3FBB]  }
0x39: {  	_ = 	snop;
	(pc) =	sbr.ind lr, $3  }
0x3a: {  	_ = 	snop  }
0x3b: {  	_ = 	snop  }
0x3c: {  	p2 =	seq.s32 s10, $0x1;
	s10 =	sld [smem:$0x3FBA]  }
0x3d: {  	_ =	shalt  }
0x3e: {  	_ =	shalt  }
0x3f: {  	_ =	shalt  }
0x40: {  	_ =	shalt  }
0x41: {  	_ =	shalt  }
0x42: {  	_ =	shalt  }
0x43: {  	_ =	shalt  }
0x44: {  	_ =	shalt  }
0x45: {  	_ =	shalt  }
0x46: {  	_ =	shalt  }
0x47: {  	_ =	shalt  }
0x48: {  	_ =	shalt  }
0x49: {  	_ =	shalt  }
0x4a: {  	_ =	shalt  }
0x4b: {  	_ =	shalt  }
0x4c: {  	_ =	shalt  }
0x4d: {  	_ =	shalt  }
0x4e: {  	_ =	shalt  }
0x4f: {  	_ =	shalt  }
0x50: {  	_ =	shalt  }
0x51: {  	_ =	shalt  }
0x52: {  	_ =	shalt  }
0x53: {  	_ =	shalt  }
0x54: {  	_ =	shalt  }
0x55: {  	_ =	shalt  }
0x56: {  	_ =	shalt  }
0x57: {  	_ =	shalt  }
0x58: {  	_ =	shalt  }
0x59: {  	_ =	shalt  }
0x5a: {  	_ =	shalt  }
0x5b: {  	_ =	shalt  }
0x5c: {  	_ =	shalt  }
0x5d: {  	_ =	shalt  }
0x5e: {  	_ =	shalt  }
0x5f: {  	_ =	shalt  }
0x60: {  	_ =	shalt  }
0x61: {  	_ =	shalt  }
0x62: {  	_ =	shalt  }
0x63: {  	_ =	shalt  }
0x64: {  	_ =	shalt  }
0x65: {  	_ =	shalt  }
0x66: {  	_ =	shalt  }
0x67: {  	_ =	shalt  }
0x68: {  	_ =	shalt  }
0x69: {  	_ =	shalt  }
0x6a: {  	_ =	shalt  }
0x6b: {  	_ =	shalt  }
0x6c: {  	_ =	shalt  }
0x6d: {  	_ =	shalt  }
0x6e: {  	_ =	shalt  }
0x6f: {  	_ =	shalt  }
0x70: {  	_ =	shalt  }
0x71: {  	_ =	shalt  }
0x72: {  	_ =	shalt  }
0x73: {  	_ =	shalt  }
0x74: {  	_ =	shalt  }
0x75: {  	_ =	shalt  }
0x76: {  	_ =	shalt  }
0x77: {  	_ =	shalt  }
0x78: {  	_ =	shalt  }
0x79: {  	_ =	shalt  }
0x7a: {  	_ =	shalt  }
0x7b: {  	_ =	shalt  }
0x7c: {  	_ =	shalt  }
0x7d: {  	_ =	shalt  }
0x7e: {  	_ =	shalt  }
0x7f: {  	_ =	shalt  }
0x80: {  	_ =	shalt  }
0x81: {  	_ =	shalt  }
0x82: {  	_ =	shalt  }
0x83: {  	_ =	shalt  }
0x84: {  	_ =	shalt  }
0x85: {  	_ =	shalt  }
0x86: {  	_ =	shalt  }
0x87: {  	_ =	shalt  }
.Lfunc_end0:
.L_simem_size_0:
called_computation.1_lowered:
.L_overlay_start_0:
0x88: {  	s2 =	sld [smem:$0x3FD9]  }
0x89: {  	s3 =	sld [smem:$0x3FFE];
	_ =	sdelay $0x1  }
0x8a: {  	s1 =	srdreg.scid  }
0x8b: {  	s0 =	sand.u32 $0x1, s1  }
0x8c: {  	s17 =	sshll.u32 s0, $0xA;
	s2 =	sadd.s32 s3, s2  }
0x8d: {  	s2 =	sadd.s32 s2, s17  }
0x8e: {  	[smem:$0x3FC6] =	sst s2  }
0x8f: {  	_ = 	snop  }
0x90: {  	s2 =	sld [smem:$0x3FD0];
	(tm) =	ssettm $0x1  }
0x91: {  	s18 =	sld [smem:$0x3FFB];
	_ =	sdelay $0x3  }
0x92: {  	_ =	strace s18  }
0x93: {  	s3 =	sld [smem:$0x3FFC];
	_ =	sdelay $0x3  }
0x94: {  	_ =	strace s3  }
0x95: {  	s3 =	sld [smem:$0x3FFD];
	_ =	sdelay $0x3  }
0x96: {  	_ =	strace s3  }
0x97: {  	_ =	strace $0x8FFFFFFF  }
0x98: {  	s19 =	sld [smem:$0x3FDB];
	_ =	sdelay $0x1  }
0x99: {  	s4 =	simm.s32 $_scs_section_size  }
0x9a: {  	s5 =	simm.s32 $_size__tile_overlayer_lowered;
	s6 =	simm.s32 $_tile_overlayer_lowered  }
0x9b: {  	s22 =	simm.s32 $0x1BFF;
	s21 =	sshll.u32 s6, $0x1;
	s3 =	sadd.s32 s4, s19  }
0x9c: {  	s7 =	simm.s32 $0x0;
	s20 =	sshll.u32 s5, $0x1;
	s5 =	sadd.s32 s21, s3  }
0x9d: {  	[timem:s7], [sflag:s22] =	dma.local [hbm:s5], s20  }
0x9e: {  	_ =	swait.ge [sflag:s22], s20  }
0x9f: {  	s4 =	ssub.s32 $0x0, s20;
	[sflag:s22] =	ssyncset.done $0x0  }
0xa0: {  	[sflag:s22] =	ssyncadd.s32 s4;
	_ =	sdelay $0x1  }
0xa1: {  	s23 =	simm.s32 $0x1B8B  }
0xa2: {  	_ =	swait.ge [sflag:s23], $0x1  }
0xa3: {  	[sflag:s23] =	ssyncset.done $0x0  }
0xa4: {  	s25 =	simm.s32 $0x1B8E;
	s24 =	sld [smem:$0x3FFE];
	[sflag:s23] =	ssyncadd.s32 $0xFFFFFFFF  }
0xa5: {  	s26 =	simm.s32 $execute0_lowered;
	[smem:$0x3FD2] =	sst s25  }
0xa6: {  	s5 =	sshll.u32 s26, $0x1;
	_ =	strace $0x80000046;
	[dreg:$0x1] =	wrdreg $0xFFFFFFFF  }
0xa7: {  	s28 =	simm.s32 $_size_execute0_lowered;
	s3 =	sadd.s32 s3, s5;
	[dreg:$0x0] =	wrdreg $0x0  }
0xa8: {  	s5 =	sshll.u32 s28, $0x1;
	[dreg:$0x2] =	wrdreg s3  }
0xa9: {  	[dreg:$0x3] =	wrdreg s5  }
0xaa: {  	[dreg:$0x4] =	wrdreg $0xC0  }
0xab: {  	_ =	task [dreg:s7], $0x5FFFF  }
0xac: {  	[dreg:$0x1] =	wrdreg $0xFFFFFFFF  }
0xad: {  	[dreg:$0x0] =	wrdreg $0x60  }
0xae: {  	[dreg:$0x2] =	wrdreg s24  }
0xaf: {  	[dreg:$0x3] =	wrdreg s2  }
0xb0: {  	[dreg:$0x4] =	wrdreg $0x9  }
0xb1: {  	_ =	task.clear_ibuf [dreg:s7], $0x5FFFF;
	_ =	strace $0x90000046  }
0xb2: {  	s29 =	simm.s32 $0x9;
	_ =	strace $0x80000048  }
0xb3: {  	_ =	swait.ge [sflag:s29], $0x1  }
0xb4: {  	[sflag:s29] =	ssyncadd.s32 $0xFFFFFFFF  }
0xb5: {  	_ =	strace $0x90000048  }
0xb6: {  	_ =	sfence  }
0xb7: {  	s30 =	sld [smem:$0x0];
	_ =	sdelay $0x2  }
0xb8: {  	s31 =	sshll.u32 s1, $0xD;
	s1 =	sshrl.u32 s1, $0x2  }
0xb9: {  	s3 =	sand.u32 $0x4000, s31;
	s1 =	sadd.s32 s1, s30  }
0xba: {  	s0 =	sor.u32 s3, s0;
	s1 =	sshll.u32 s1, $0x11  }
0xbb: {  	s0 =	sor.u32 s1, s0  }
0xbc: {  	s0 =	sadd.s32 $0x8F2B, s0  }
0xbd: {  	[sflag:s0] =	ssyncadd.remote.s32 $0x1  }
0xbe: {  	_ =	sfence.sel $0xFFFF  }
0xbf: {  	[dreg:$0x0] =	wrdreg $0xFFFFFFFF;
	(pc) =	sbr.abs _section_cstart, $3  }
0xc0: {  	[dreg:$0x1] =	wrdreg $0xFFFFFFFF  }
0xc1: {  	_ =	task.clear_ibuf [dreg:s7], $0x2FFFF;
	_ =	strace $0x9FFFFFFF  }
0xc2: {  	(tm) =	ssettm $0x7FFFFFFF  }
0xc3: {  	_ =	shalt  }
tec
execute0_lowered:
.L_overlay_start_1:
0x0: {  	(tag) =	ssettag $0x1  }
0x1: {  	s1 =	srdreg.scid;
	s5 =	rddreg [dreg:$0x0]  }
0x2: {  	s0 =	stileid.u32;
	s2 =	rddreg [dreg:$0x1]  }
0x3: {  	s8 =	simm.s32 $0x9;
	s9 =	simm.s32 $0x80;
	s10 =	simm.s32 $0x6400  }
0x4: {  	s11 =	simm.s32 $0x48;
	s12 =	simm.s32 $0x8400;
	s13 =	simm.s32 $0xC8  }
0x5: {  	s14 =	simm.s32 $0xA400;
	s15 =	simm.s32 $0x1;
	s16 =	simm.s32 $0xC400  }
0x6: {  	s17 =	simm.s32 $0x2;
	s18 =	simm.s32 $0x3;
	s19 =	simm.s32 $0x4  }
0x7: {  	s20 =	simm.s32 $0x5;
	s21 =	simm.s32 $0x6;
	s1 =	sand.u32 $0x1, s1  }
0x8: {  	s22 =	simm.s32 $0x7;
	s3 =	sshll.u32 s0, $0x8;
	s4 =	sshll.u32 s1, $0x7  }
.Ltmp0:
0x9: {  	s23 =	simm.s32 $0x8;
	s3 =	sor.u32 s4, s3;
	(pc) =	sbr.rel .LBB2_1-.Ltmp0, $4  }
0xa: {  	s1 =	ssub.s32 $0x2, s1;
	s4 =	simm.s32 $0x0;
	s6 =	smul.u32 $0x19, s3  }
0xb: {  	s24 =	simm.s32 $0x0;
	s7 =	sshrl.u32 s1, $0x1;
	[smem:$0x7FF] =	sst s4  }
0xc: {  	s1 =	ssub.s32 s1, s7;
	_ =	strace $0x80000047;
	s6 =	sadd.s32 s6, s5  }
0xd: {  	s7 =	smax.u32 s1, $0x1;
	s5 =	sadd.s32 $0xF42E00, s5;
	s6 =	sadd.s32 $0xA00, s6  }
.LBB2_12:
0xe: {  	_ =	swait.ge [sflag:s20], $0x2000  }
0xf: {  	[sflag:s20] =	ssyncset.done $0x0  }
0x10: {  	[sflag:s20] =	ssyncadd.s32 $0xFFFFE000  }
0x11: {  	_ =	swait.ge [sflag:s21], $0x1200  }
0x12: {  	[sflag:s21] =	ssyncset.done $0x0  }
0x13: {  	s24 =	sadd.s32 $0x1, s24;
	[sflag:s21] =	ssyncadd.s32 $0xFFFFEE00  }
0x14: {  	p0 =	sne.s32 s24, s7;
	_ =	swait.ge [sflag:s22], $0x2000  }
.Ltmp1:
0x15: {  	[sflag:s22] =	ssyncset.done $0x0;
	(pc) =	sbr.rel @!p0 .LBB2_13-.Ltmp1, $4  }
0x16: {  	[sflag:s22] =	ssyncadd.s32 $0xFFFFE000  }
0x17: {  	_ =	swait.ge [sflag:s23], $0x1200  }
0x18: {  	[sflag:s23] =	ssyncset.done $0x0  }
0x19: {  	[sflag:s23] =	ssyncadd.s32 $0xFFFFEE00  }
.LBB2_1:
0x1a: {  	[tilespmem:s4], [sflag:$0x9] =	stream.linear.gather [hbm4b:s6+s4], $0x6400, $0x38;
	[tilespmem:$0xE400] =	vst v63  }
0x1b: {  	_ =	swait.ge [sflag:s8], $0x6400  }
0x1c: {  	[sflag:s8] =	ssyncset.done $0x0  }
0x1d: {  	[sflag:s8] =	ssyncadd.s32 $0xFFFF9C00  }
0x1e: {  	[tilespmem:s10], [sflag:$0x1] =	stream.indirect.gather [hbm4b:s5+s9], $0x40, s4, s9, $0xb8;
	[tilespmem:$0xE400] =	vst v63  }
0x1f: {  	_ = 	snop  }
0x20: {  	[tilespmem:s12], [sflag:$0x2] =	stream.indirect.gather [hbm4b:s5+s11], $0x40, s9, s11, $0xb8;
	[tilespmem:$0xE400] =	vst v63  }
0x21: {  	s25 =	simm.s32 $0x0  }
0x22: {  	[tilespmem:s14], [sflag:$0x3] =	stream.indirect.gather [hbm4b:s5+s9], $0x40, s13, s9, $0xb8;
	[tilespmem:$0xE400] =	vst v63  }
.LBB2_2:
0x23: {  	_ =	swait.ge [sflag:s15], $0x2000  }
0x24: {  	[sflag:s15] =	ssyncset.done $0x0  }
0x25: {  	s26 =	simm.s32 $0x6480;
	[sflag:s15] =	ssyncadd.s32 $0xFFFFE000  }
0x26: {  	v0 =	vld [tilespmem:s26+$0xFFFFFF80]  }
0x27: {  	v1 =	vld [tilespmem:s26+$0xFFFFFF90]  }
0x28: {  	v2 =	vld [tilespmem:s26+$0xFFFFFFA0]  }
0x29: {  	v3 =	vld [tilespmem:s26+$0xFFFFFFB0]  }
0x2a: {  	v4 =	vld [tilespmem:s26+$0xFFFFFFC0]  }
0x2b: {  	v5 =	vld [tilespmem:s26+$0xFFFFFFD0];
	v0 =	vmul.f32 $8.000000000e+00, v0  }
0x2c: {  	v6 =	vld [tilespmem:s26+$0xFFFFFFE0];
	v1 =	vmul.f32 $8.000000000e+00, v1  }
0x2d: {  	[tilespmem:s26+$0xFFFFFF80] =	vst v0;
	v0 =	vmul.f32 $8.000000000e+00, v2;
	v2 =	vld [tilespmem:s26+$0x0]  }
0x2e: {  	[tilespmem:s26+$0xFFFFFF90] =	vst v1;
	v1 =	vmul.f32 $8.000000000e+00, v3;
	v3 =	vld [tilespmem:s26+$0x10]  }
0x2f: {  	[tilespmem:s26+$0xFFFFFFA0] =	vst v0;
	v0 =	vmul.f32 $8.000000000e+00, v4;
	v4 =	vld [tilespmem:s26+$0x20]  }
0x30: {  	v7 =	vld [tilespmem:s26+$0x30];
	v5 =	vmul.f32 $8.000000000e+00, v5;
	[tilespmem:s26+$0xFFFFFFB0] =	vst v1  }
0x31: {  	v1 =	vld [tilespmem:s26+$0x40];
	[tilespmem:s26+$0xFFFFFFC0] =	vst v0;
	v0 =	vmul.f32 $8.000000000e+00, v6  }
0x32: {  	[tilespmem:s26+$0xFFFFFFD0] =	vst v5;
	v5 =	vmul.f32 $8.000000000e+00, v2;
	v2 =	vld [tilespmem:s26+$0x50]  }
0x33: {  	v6 =	vmul.f32 $8.000000000e+00, v3;
	v3 =	vld [tilespmem:s26+$0x60];
	[tilespmem:s26+$0xFFFFFFE0] =	vst v0  }
0x34: {  	[tilespmem:s26+$0x0] =	vst v5;
	v5 =	vmul.f32 $8.000000000e+00, v4;
	v4 =	vld [tilespmem:s26+$0x70]  }
0x35: {  	s28 =	simm.s32 $0x0;
	s29 =	simm.s32 $0x6580;
	v0 =	vld [tilespmem:s26+$0xFFFFFFF0];
	[tilespmem:s26+$0x10] =	vst v6;
	v6 =	vmul.f32 $8.000000000e+00, v7  }
.LBB2_3:
0x36: {  	v7 =	vld [tilespmem:s29+$0xFFFFFF80];
	[tilespmem:s26+$0x20] =	vst v5;
	v1 =	vmul.f32 $8.000000000e+00, v1  }
0x37: {  	v5 =	vld [tilespmem:s29+$0xFFFFFF90];
	[tilespmem:s26+$0x30] =	vst v6;
	v2 =	vmul.f32 $8.000000000e+00, v2  }
0x38: {  	v6 =	vld [tilespmem:s29+$0xFFFFFFA0];
	[tilespmem:s26+$0x40] =	vst v1;
	v1 =	vmul.f32 $8.000000000e+00, v3  }
0x39: {  	v3 =	vld [tilespmem:s29+$0xFFFFFFB0];
	[tilespmem:s26+$0x50] =	vst v2;
	v2 =	vmul.f32 $8.000000000e+00, v4  }
0x3a: {  	v4 =	vld [tilespmem:s29+$0xFFFFFFC0];
	v0 =	vmul.f32 $8.000000000e+00, v0;
	[tilespmem:s26+$0x60] =	vst v1  }
0x3b: {  	v1 =	vmul.f32 $8.000000000e+00, v7;
	v7 =	vld [tilespmem:s29+$0xFFFFFFD0];
	[tilespmem:s26+$0x70] =	vst v2  }
0x3c: {  	v2 =	vmul.f32 $8.000000000e+00, v5;
	v5 =	vld [tilespmem:s29+$0xFFFFFFE0];
	[tilespmem:s26+$0xFFFFFFF0] =	vst v0;
	s26 =	smov.u32 s29  }
0x3d: {  	[tilespmem:s29+$0xFFFFFF80] =	vst v1;
	v0 =	vmul.f32 $8.000000000e+00, v6;
	v6 =	vld [tilespmem:s29+$0x0]  }
0x3e: {  	[tilespmem:s29+$0xFFFFFF90] =	vst v2;
	v1 =	vmul.f32 $8.000000000e+00, v3;
	v3 =	vld [tilespmem:s29+$0x10]  }
0x3f: {  	s28 =	sadd.s32 $0x4, s28;
	[tilespmem:s29+$0xFFFFFFA0] =	vst v0;
	v0 =	vmul.f32 $8.000000000e+00, v4;
	v4 =	vld [tilespmem:s29+$0x20]  }
0x40: {  	p0 =	slt.u32 s28, $0x7C;
	[tilespmem:s29+$0xFFFFFFB0] =	vst v1;
	v2 =	vmul.f32 $8.000000000e+00, v7;
	v7 =	vld [tilespmem:s29+$0x30]  }
.Ltmp2:
0x41: {  	[tilespmem:s29+$0xFFFFFFC0] =	vst v0;
	v0 =	vmul.f32 $8.000000000e+00, v5;
	v1 =	vld [tilespmem:s29+$0x40];
	(pc) =	sbr.rel @p0 .LBB2_3-.Ltmp2, $4  }
0x42: {  	[tilespmem:s29+$0xFFFFFFD0] =	vst v2;
	v5 =	vmul.f32 $8.000000000e+00, v6;
	v2 =	vld [tilespmem:s29+$0x50]  }
0x43: {  	[tilespmem:s29+$0xFFFFFFE0] =	vst v0;
	v6 =	vmul.f32 $8.000000000e+00, v3;
	v3 =	vld [tilespmem:s29+$0x60]  }
0x44: {  	[tilespmem:s29+$0x0] =	vst v5;
	v5 =	vmul.f32 $8.000000000e+00, v4;
	v4 =	vld [tilespmem:s29+$0x70]  }
0x45: {  	s29 =	sadd.s32 $0x100, s29;
	v0 =	vld [tilespmem:s26+$0xFFFFFFF0];
	[tilespmem:s26+$0x10] =	vst v6;
	v6 =	vmul.f32 $8.000000000e+00, v7  }
0x46: {  	[tilespmem:s26+$0x20] =	vst v5;
	v1 =	vmul.f32 $8.000000000e+00, v1  }
0x47: {  	s28 =	sshll.u32 s25, $0x1;
	[tilespmem:s26+$0x30] =	vst v6;
	v2 =	vmul.f32 $8.000000000e+00, v2  }
0x48: {  	s1 =	sor.u32 s3, s28;
	[tilespmem:s26+$0x40] =	vst v1;
	v1 =	vmul.f32 $8.000000000e+00, v3  }
0x49: {  	s1 =	smul.u32 $0x3200, s1;
	[tilespmem:s26+$0x50] =	vst v2;
	v2 =	vmul.f32 $8.000000000e+00, v4  }
0x4a: {  	v0 =	vmul.f32 $8.000000000e+00, v0;
	[tilespmem:s26+$0x60] =	vst v1  }
0x4b: {  	s1 =	sshrl.u32 s1, $0x3;
	[tilespmem:s26+$0x70] =	vst v2  }
0x4c: {  	p0 =	seq.s32 s25, $0x0;
	s29 =	sadd.s32 s2, s1;
	[tilespmem:s26+$0xFFFFFFF0] =	vst v0;
	s26 =	sshllo.u32 s25, $0x1  }
0x4d: {  	[hbm4b:s29+s4] =	stream.linear.scatter [tilespmem:s10], [sflag:$0x5], $0x2000, $0x38;
	[tilespmem:$0xE400] =	vst v63  }
0x4e: {  	s1 =	simm.s32 @!p0 $0x8;
	s30 =	smul.u32 $0x320, s26  }
0x4f: {  	_ =	swait.ge @!p0 [sflag:s1], $0x1200  }
0x50: {  	[sflag:s1] =	ssyncset.done @!p0 $0x0;
	s30 =	sshra.s32 s30, $0x2  }
0x51: {  	[sflag:s1] =	ssyncadd.s32 @!p0 $0xFFFFEE00;
	s1 =	sadd.s32 $0x80, s30  }
0x52: {  	[tilespmem:s16], [sflag:$0x4] =	stream.indirect.gather [hbm4b:s5+s11], $0x40, s1, s11, $0xb8;
	[tilespmem:$0xE400] =	vst v63  }
0x53: {  	_ =	swait.ge [sflag:s17], $0x1200  }
0x54: {  	[sflag:s17] =	ssyncset.done $0x0  }
0x55: {  	s30 =	simm.s32 $0x84F0;
	[sflag:s17] =	ssyncadd.s32 $0xFFFFEE00  }
0x56: {  	v0 =	vld [tilespmem:s30+$0xFFFFFF10]  }
0x57: {  	v1 =	vld [tilespmem:s30+$0xFFFFFF20]  }
0x58: {  	v2 =	vld [tilespmem:s30+$0xFFFFFF30]  }
0x59: {  	v3 =	vld [tilespmem:s30+$0xFFFFFF40]  }
0x5a: {  	v4 =	vld [tilespmem:s30+$0xFFFFFF50]  }
0x5b: {  	v5 =	vld [tilespmem:s30+$0xFFFFFF60];
	v0 =	vmul.f32 $8.000000000e+00, v0  }
0x5c: {  	v6 =	vld [tilespmem:s30+$0xFFFFFF70];
	v1 =	vmul.f32 $8.000000000e+00, v1  }
0x5d: {  	[tilespmem:s30+$0xFFFFFF10] =	vst v0;
	v0 =	vmul.f32 $8.000000000e+00, v2;
	v2 =	vld [tilespmem:s30+$0xFFFFFF80]  }
0x5e: {  	[tilespmem:s30+$0xFFFFFF20] =	vst v1;
	v1 =	vmul.f32 $8.000000000e+00, v3;
	v3 =	vld [tilespmem:s30+$0xFFFFFF90]  }
0x5f: {  	[tilespmem:s30+$0xFFFFFF30] =	vst v0;
	v0 =	vmul.f32 $8.000000000e+00, v4;
	v4 =	vld [tilespmem:s30+$0xFFFFFFA0]  }
0x60: {  	v7 =	vld [tilespmem:s30+$0xFFFFFFB0];
	[tilespmem:s30+$0xFFFFFF40] =	vst v1;
	v1 =	vmul.f32 $8.000000000e+00, v5  }
0x61: {  	v5 =	vmul.f32 $8.000000000e+00, v6;
	[tilespmem:s30+$0xFFFFFF50] =	vst v0;
	v0 =	vld [tilespmem:s30+$0xFFFFFFC0]  }
0x62: {  	[tilespmem:s30+$0xFFFFFF60] =	vst v1;
	v1 =	vld [tilespmem:s30+$0xFFFFFFD0];
	v6 =	vmul.f32 $8.000000000e+00, v2  }
0x63: {  	[tilespmem:s30+$0xFFFFFF70] =	vst v5;
	v8 =	vmul.f32 $8.000000000e+00, v3;
	v2 =	vld [tilespmem:s30+$0xFFFFFFE0]  }
0x64: {  	v3 =	vld [tilespmem:s30+$0x0];
	[tilespmem:s30+$0xFFFFFF80] =	vst v6;
	v5 =	vmul.f32 $8.000000000e+00, v4  }
0x65: {  	s31 =	simm.s32 $0x0;
	s1 =	simm.s32 $0x85F0;
	[tilespmem:s30+$0xFFFFFF90] =	vst v8;
	v6 =	vmul.f32 $8.000000000e+00, v7;
	v4 =	vld [tilespmem:s30+$0xFFFFFFF0]  }
.LBB2_5:
0x66: {  	v7 =	vld [tilespmem:s1+$0xFFFFFF10];
	[tilespmem:s30+$0xFFFFFFA0] =	vst v5;
	v0 =	vmul.f32 $8.000000000e+00, v0  }
0x67: {  	v5 =	vld [tilespmem:s1+$0xFFFFFF20];
	[tilespmem:s30+$0xFFFFFFB0] =	vst v6;
	v1 =	vmul.f32 $8.000000000e+00, v1  }
0x68: {  	v6 =	vld [tilespmem:s1+$0xFFFFFF30];
	[tilespmem:s30+$0xFFFFFFC0] =	vst v0;
	v0 =	vmul.f32 $8.000000000e+00, v2  }
0x69: {  	v2 =	vld [tilespmem:s1+$0xFFFFFF40];
	[tilespmem:s30+$0xFFFFFFD0] =	vst v1;
	v1 =	vmul.f32 $8.000000000e+00, v3  }
0x6a: {  	v3 =	vld [tilespmem:s1+$0xFFFFFF50];
	[tilespmem:s30+$0xFFFFFFE0] =	vst v0;
	v0 =	vmul.f32 $8.000000000e+00, v4  }
0x6b: {  	v4 =	vmul.f32 $8.000000000e+00, v7;
	v7 =	vld [tilespmem:s1+$0xFFFFFF60];
	[tilespmem:s30+$0x0] =	vst v1  }
0x6c: {  	v1 =	vmul.f32 $8.000000000e+00, v5;
	v5 =	vld [tilespmem:s1+$0xFFFFFF70];
	[tilespmem:s30+$0xFFFFFFF0] =	vst v0;
	s30 =	smov.u32 s1  }
0x6d: {  	[tilespmem:s1+$0xFFFFFF10] =	vst v4;
	v0 =	vmul.f32 $8.000000000e+00, v6;
	v4 =	vld [tilespmem:s1+$0xFFFFFF80]  }
0x6e: {  	[tilespmem:s1+$0xFFFFFF20] =	vst v1;
	v1 =	vmul.f32 $8.000000000e+00, v2;
	v2 =	vld [tilespmem:s1+$0xFFFFFF90]  }
0x6f: {  	s31 =	sadd.s32 $0x4, s31;
	[tilespmem:s1+$0xFFFFFF30] =	vst v0;
	v0 =	vmul.f32 $8.000000000e+00, v3;
	v3 =	vld [tilespmem:s1+$0xFFFFFFA0]  }
0x70: {  	p0 =	slt.u32 s31, $0x44;
	[tilespmem:s1+$0xFFFFFF40] =	vst v1;
	v1 =	vmul.f32 $8.000000000e+00, v7;
	v6 =	vld [tilespmem:s1+$0xFFFFFFB0]  }
.Ltmp3:
0x71: {  	[tilespmem:s1+$0xFFFFFF50] =	vst v0;
	v5 =	vmul.f32 $8.000000000e+00, v5;
	v0 =	vld [tilespmem:s1+$0xFFFFFFC0];
	(pc) =	sbr.rel @p0 .LBB2_5-.Ltmp3, $4  }
0x72: {  	[tilespmem:s1+$0xFFFFFF60] =	vst v1;
	v4 =	vmul.f32 $8.000000000e+00, v4;
	v1 =	vld [tilespmem:s1+$0xFFFFFFD0]  }
0x73: {  	[tilespmem:s1+$0xFFFFFF70] =	vst v5;
	v7 =	vmul.f32 $8.000000000e+00, v2;
	v2 =	vld [tilespmem:s1+$0xFFFFFFE0]  }
0x74: {  	[tilespmem:s1+$0xFFFFFF80] =	vst v4;
	v5 =	vmul.f32 $8.000000000e+00, v3;
	v3 =	vld [tilespmem:s1+$0x0]  }
0x75: {  	s1 =	sadd.s32 $0x100, s1;
	[tilespmem:s30+$0xFFFFFF90] =	vst v7;
	v6 =	vmul.f32 $8.000000000e+00, v6;
	v4 =	vld [tilespmem:s30+$0xFFFFFFF0]  }
0x76: {  	[tilespmem:s30+$0xFFFFFFA0] =	vst v5;
	v0 =	vmul.f32 $8.000000000e+00, v0  }
0x77: {  	[tilespmem:s30+$0xFFFFFFB0] =	vst v6;
	v1 =	vmul.f32 $8.000000000e+00, v1  }
0x78: {  	[tilespmem:s30+$0xFFFFFFC0] =	vst v0;
	v0 =	vmul.f32 $8.000000000e+00, v2  }
0x79: {  	[tilespmem:s30+$0xFFFFFFD0] =	vst v1;
	v1 =	vmul.f32 $8.000000000e+00, v3  }
0x7a: {  	[tilespmem:s30+$0xFFFFFFE0] =	vst v0;
	v0 =	vmul.f32 $8.000000000e+00, v4  }
0x7b: {  	[tilespmem:s30+$0x0] =	vst v1  }
0x7c: {  	s1 =	sadd.s32 $0x400, s29;
	p0 =	seq.s32 s25, $0x3F;
	[tilespmem:s30+$0xFFFFFFF0] =	vst v0  }
0x7d: {  	[hbm4b:s1+s4] =	stream.linear.scatter [tilespmem:s12], [sflag:$0x6], $0x1200, $0x38;
	[tilespmem:$0xE400] =	vst v63  }
0x7e: {  	s28 =	sadd.s32 $0x2, s28;
	s1 =	simm.s32 @!p0 $0x5  }
0x7f: {  	s28 =	smul.u32 @!p0 $0x320, s28;
	_ =	swait.ge @!p0 [sflag:s1], $0x2000  }
0x80: {  	s29 =	simm.s32 @!p0 $0x6400;
	[sflag:s1] =	ssyncset.done @!p0 $0x0  }
0x81: {  	s28 =	sshra.s32 @!p0 s28, $0x2;
	[sflag:s1] =	ssyncadd.s32 @!p0 $0xFFFFE000;
	s1 =	simm.s32 @!p0 $0x80  }
0x82: {  	[tilespmem:s29], [sflag:$0x1] =	stream.indirect.gather @!p0 [hbm4b:s5+s1], $0x40, s28, s1, $0xb8;
	[tilespmem:$0xE400] =	vst v63  }
0x83: {  	_ =	swait.ge [sflag:s18], $0x2000  }
0x84: {  	[sflag:s18] =	ssyncset.done $0x0  }
0x85: {  	s29 =	simm.s32 $0xA400;
	[sflag:s18] =	ssyncadd.s32 $0xFFFFE000  }
0x86: {  	v1 =	vld [tilespmem:s29+$0xA0]  }
0x87: {  	v2 =	vld [tilespmem:s29+$0x40]  }
0x88: {  	v3 =	vld [tilespmem:s29+$0xE0]  }
0x89: {  	v4 =	vld [tilespmem:s29+$0xD0]  }
0x8a: {  	v5 =	vld [tilespmem:s29+$0x20]  }
0x8b: {  	v0 =	vld [tilespmem:s29+$0x90]  }
0x8c: {  	v8 =	vld [tilespmem:s29+$0xC0]  }
0x8d: {  	v7 =	vld [tilespmem:s29+$0x10]  }
0x8e: {  	v9 =	vld [tilespmem:s29+$0x0];
	v1 =	vmul.f32 $8.000000000e+00, v1  }
0x8f: {  	v11 =	vld [tilespmem:s29+$0x50];
	v4 =	vmul.f32 $8.000000000e+00, v4  }
0x90: {  	v10 =	vld [tilespmem:s29+$0xB0];
	v12 =	vmul.f32 $8.000000000e+00, v5;
	[tilespmem:s29+$0xA0] =	vst v1  }
0x91: {  	v6 =	vld [tilespmem:s29+$0xF0];
	v13 =	vmul.f32 $8.000000000e+00, v8;
	[tilespmem:s29+$0xD0] =	vst v4  }
0x92: {  	v1 =	vmul.f32 $8.000000000e+00, v2;
	v2 =	vmul.f32 $8.000000000e+00, v3;
	v3 =	vld [tilespmem:s29+$0x80];
	[tilespmem:s29+$0x20] =	vst v12  }
0x93: {  	v4 =	vld [tilespmem:s29+$0x70];
	[tilespmem:s29+$0xC0] =	vst v13  }
0x94: {  	v8 =	vmul.f32 $8.000000000e+00, v9;
	v5 =	vld [tilespmem:s29+$0x60];
	v9 =	vmul.f32 $8.000000000e+00, v11;
	[tilespmem:s29+$0x40] =	vst v1  }
0x95: {  	s30 =	simm.s32 $0x0;
	s1 =	simm.s32 $0xA500;
	[tilespmem:s29+$0xE0] =	vst v2;
	v1 =	vmul.f32 $8.000000000e+00, v7;
	v7 =	vld [tilespmem:s29+$0x30];
	v2 =	vmul.f32 $8.000000000e+00, v10  }
.LBB2_7:
0x96: {  	v10 =	vld [tilespmem:s1+$0xA0];
	s30 =	sadd.s32 $0x4, s30;
	[tilespmem:s29+$0x0] =	vst v8;
	v0 =	vmul.f32 $8.000000000e+00, v0;
	v6 =	vmul.f32 $8.000000000e+00, v6  }
0x97: {  	v8 =	vld [tilespmem:s1+$0x40];
	p1 =	slt.u32 s30, $0x7C;
	[tilespmem:s29+$0x50] =	vst v9;
	v3 =	vmul.f32 $8.000000000e+00, v3  }
0x98: {  	v9 =	vld [tilespmem:s1+$0xE0];
	v4 =	vmul.f32 $8.000000000e+00, v4;
	[tilespmem:s29+$0xF0] =	vst v6  }
0x99: {  	v11 =	vld [tilespmem:s1+$0x20];
	v5 =	vmul.f32 $8.000000000e+00, v5;
	[tilespmem:s29+$0x80] =	vst v3  }
0x9a: {  	v3 =	vld [tilespmem:s1+$0xD0];
	v6 =	vmul.f32 $8.000000000e+00, v7;
	[tilespmem:s29+$0x90] =	vst v0  }
0x9b: {  	v0 =	vld [tilespmem:s1+$0x90];
	v7 =	vmul.f32 $8.000000000e+00, v10;
	[tilespmem:s29+$0x10] =	vst v1  }
0x9c: {  	v1 =	vld [tilespmem:s1+$0x10];
	[tilespmem:s29+$0x30] =	vst v6  }
0x9d: {  	v10 =	vld [tilespmem:s1+$0xC0];
	v9 =	vmul.f32 $8.000000000e+00, v9;
	[tilespmem:s29+$0xB0] =	vst v2  }
0x9e: {  	v2 =	vld [tilespmem:s1+$0x0];
	[tilespmem:s29+$0x70] =	vst v4  }
0x9f: {  	v12 =	vld [tilespmem:s1+$0xB0];
	v3 =	vmul.f32 $8.000000000e+00, v3;
	[tilespmem:s29+$0x60] =	vst v5;
	s29 =	smov.u32 s1  }
0xa0: {  	v13 =	vld [tilespmem:s1+$0x50];
	[tilespmem:s1+$0xA0] =	vst v7  }
.Ltmp4:
0xa1: {  	v4 =	vmul.f32 $8.000000000e+00, v8;
	[tilespmem:s1+$0xD0] =	vst v3;
	v6 =	vld [tilespmem:s1+$0xF0];
	(pc) =	sbr.rel @p1 .LBB2_7-.Ltmp4, $4  }
0xa2: {  	v3 =	vld [tilespmem:s1+$0x80];
	v7 =	vmul.f32 $8.000000000e+00, v10;
	[tilespmem:s1+$0xE0] =	vst v9  }
0xa3: {  	v9 =	vmul.f32 $8.000000000e+00, v11;
	[tilespmem:s1+$0x40] =	vst v4;
	v4 =	vld [tilespmem:s1+$0x70]  }
0xa4: {  	v1 =	vmul.f32 $8.000000000e+00, v1;
	v8 =	vmul.f32 $8.000000000e+00, v2;
	v5 =	vld [tilespmem:s1+$0x60];
	[tilespmem:s1+$0xC0] =	vst v7  }
0xa5: {  	v2 =	vmul.f32 $8.000000000e+00, v12;
	s1 =	sadd.s32 $0x100, s1;
	[tilespmem:s29+$0x20] =	vst v9;
	v7 =	vld [tilespmem:s29+$0x30];
	v9 =	vmul.f32 $8.000000000e+00, v13  }
0xa6: {  	[tilespmem:s29+$0x0] =	vst v8  }
0xa7: {  	[tilespmem:s29+$0x10] =	vst v1  }
0xa8: {  	v6 =	vmul.f32 $8.000000000e+00, v6;
	[tilespmem:s29+$0x50] =	vst v9  }
0xa9: {  	v0 =	vmul.f32 $8.000000000e+00, v0;
	[tilespmem:s29+$0xB0] =	vst v2  }
0xaa: {  	v3 =	vmul.f32 $8.000000000e+00, v3;
	[tilespmem:s29+$0xF0] =	vst v6  }
0xab: {  	s1 =	sor.u32 s3, s26;
	[tilespmem:s29+$0x90] =	vst v0;
	v0 =	vmul.f32 $8.000000000e+00, v4  }
0xac: {  	s1 =	smul.u32 $0x3200, s1;
	[tilespmem:s29+$0x80] =	vst v3;
	v1 =	vmul.f32 $8.000000000e+00, v5  }
0xad: {  	v3 =	vmul.f32 $8.000000000e+00, v7;
	[tilespmem:s29+$0x70] =	vst v0  }
0xae: {  	s1 =	sshrl.u32 s1, $0x3;
	[tilespmem:s29+$0x60] =	vst v1  }
0xaf: {  	s26 =	sadd.s32 s2, s1;
	s1 =	simm.s32 @!p0 $0x6;
	[tilespmem:s29+$0x30] =	vst v3  }
0xb0: {  	[hbm4b:s26+s4] =	stream.linear.scatter [tilespmem:s14], [sflag:$0x7], $0x2000, $0x38;
	[tilespmem:$0xE400] =	vst v63  }
0xb1: {  	_ =	swait.ge @!p0 [sflag:s1], $0x1200  }
0xb2: {  	s29 =	simm.s32 @!p0 $0x8400;
	[sflag:s1] =	ssyncset.done @!p0 $0x0  }
0xb3: {  	[sflag:s1] =	ssyncadd.s32 @!p0 $0xFFFFEE00;
	s1 =	sadd.s32 @!p0 $0x80, s28;
	s28 =	simm.s32 @!p0 $0x48  }
0xb4: {  	[tilespmem:s29], [sflag:$0x2] =	stream.indirect.gather @!p0 [hbm4b:s5+s28], $0x40, s1, s28, $0xb8;
	[tilespmem:$0xE400] =	vst v63  }
0xb5: {  	_ =	swait.ge [sflag:s19], $0x1200  }
0xb6: {  	[sflag:s19] =	ssyncset.done $0x0  }
0xb7: {  	s28 =	simm.s32 $0xC400;
	[sflag:s19] =	ssyncadd.s32 $0xFFFFEE00  }
0xb8: {  	v1 =	vld [tilespmem:s28+$0xA0]  }
0xb9: {  	v2 =	vld [tilespmem:s28+$0x40]  }
0xba: {  	v3 =	vld [tilespmem:s28+$0xE0]  }
0xbb: {  	v4 =	vld [tilespmem:s28+$0xD0]  }
0xbc: {  	v5 =	vld [tilespmem:s28+$0x20]  }
0xbd: {  	v0 =	vld [tilespmem:s28+$0x90]  }
0xbe: {  	v8 =	vld [tilespmem:s28+$0xC0]  }
0xbf: {  	v7 =	vld [tilespmem:s28+$0x10]  }
0xc0: {  	v9 =	vld [tilespmem:s28+$0x0];
	v1 =	vmul.f32 $8.000000000e+00, v1  }
0xc1: {  	v11 =	vld [tilespmem:s28+$0x50];
	v4 =	vmul.f32 $8.000000000e+00, v4  }
0xc2: {  	v10 =	vld [tilespmem:s28+$0xB0];
	v12 =	vmul.f32 $8.000000000e+00, v5;
	[tilespmem:s28+$0xA0] =	vst v1  }
0xc3: {  	v6 =	vld [tilespmem:s28+$0xF0];
	v13 =	vmul.f32 $8.000000000e+00, v8;
	[tilespmem:s28+$0xD0] =	vst v4  }
0xc4: {  	v1 =	vmul.f32 $8.000000000e+00, v2;
	v2 =	vmul.f32 $8.000000000e+00, v3;
	v3 =	vld [tilespmem:s28+$0x80];
	[tilespmem:s28+$0x20] =	vst v12  }
0xc5: {  	v4 =	vld [tilespmem:s28+$0x70];
	[tilespmem:s28+$0xC0] =	vst v13  }
0xc6: {  	v8 =	vmul.f32 $8.000000000e+00, v9;
	v5 =	vld [tilespmem:s28+$0x60];
	v9 =	vmul.f32 $8.000000000e+00, v11;
	[tilespmem:s28+$0x40] =	vst v1  }
0xc7: {  	s29 =	simm.s32 $0x0;
	s1 =	simm.s32 $0xC500;
	[tilespmem:s28+$0xE0] =	vst v2;
	v1 =	vmul.f32 $8.000000000e+00, v7;
	v7 =	vld [tilespmem:s28+$0x30];
	v2 =	vmul.f32 $8.000000000e+00, v10  }
.LBB2_9:
0xc8: {  	v10 =	vld [tilespmem:s1+$0xA0];
	s29 =	sadd.s32 $0x4, s29;
	[tilespmem:s28+$0x0] =	vst v8;
	v0 =	vmul.f32 $8.000000000e+00, v0;
	v6 =	vmul.f32 $8.000000000e+00, v6  }
0xc9: {  	v8 =	vld [tilespmem:s1+$0x40];
	p1 =	slt.u32 s29, $0x44;
	[tilespmem:s28+$0x50] =	vst v9;
	v3 =	vmul.f32 $8.000000000e+00, v3  }
0xca: {  	v9 =	vld [tilespmem:s1+$0xE0];
	v4 =	vmul.f32 $8.000000000e+00, v4;
	[tilespmem:s28+$0xF0] =	vst v6  }
0xcb: {  	v11 =	vld [tilespmem:s1+$0x20];
	v5 =	vmul.f32 $8.000000000e+00, v5;
	[tilespmem:s28+$0x80] =	vst v3  }
0xcc: {  	v3 =	vld [tilespmem:s1+$0xD0];
	v6 =	vmul.f32 $8.000000000e+00, v7;
	[tilespmem:s28+$0x90] =	vst v0  }
0xcd: {  	v0 =	vld [tilespmem:s1+$0x90];
	v7 =	vmul.f32 $8.000000000e+00, v10;
	[tilespmem:s28+$0x10] =	vst v1  }
0xce: {  	v1 =	vld [tilespmem:s1+$0x10];
	[tilespmem:s28+$0x30] =	vst v6  }
0xcf: {  	v10 =	vld [tilespmem:s1+$0xC0];
	v9 =	vmul.f32 $8.000000000e+00, v9;
	[tilespmem:s28+$0xB0] =	vst v2  }
0xd0: {  	v2 =	vld [tilespmem:s1+$0x0];
	[tilespmem:s28+$0x70] =	vst v4  }
0xd1: {  	v12 =	vld [tilespmem:s1+$0xB0];
	v3 =	vmul.f32 $8.000000000e+00, v3;
	[tilespmem:s28+$0x60] =	vst v5;
	s28 =	smov.u32 s1  }
0xd2: {  	v13 =	vld [tilespmem:s1+$0x50];
	[tilespmem:s1+$0xA0] =	vst v7  }
.Ltmp5:
0xd3: {  	v4 =	vmul.f32 $8.000000000e+00, v8;
	[tilespmem:s1+$0xD0] =	vst v3;
	v6 =	vld [tilespmem:s1+$0xF0];
	(pc) =	sbr.rel @p1 .LBB2_9-.Ltmp5, $4  }
0xd4: {  	v3 =	vld [tilespmem:s1+$0x80];
	v7 =	vmul.f32 $8.000000000e+00, v10;
	[tilespmem:s1+$0xE0] =	vst v9  }
0xd5: {  	v9 =	vmul.f32 $8.000000000e+00, v11;
	[tilespmem:s1+$0x40] =	vst v4;
	v4 =	vld [tilespmem:s1+$0x70]  }
0xd6: {  	v1 =	vmul.f32 $8.000000000e+00, v1;
	v8 =	vmul.f32 $8.000000000e+00, v2;
	v5 =	vld [tilespmem:s1+$0x60];
	[tilespmem:s1+$0xC0] =	vst v7  }
0xd7: {  	v2 =	vmul.f32 $8.000000000e+00, v12;
	s1 =	sadd.s32 $0x100, s1;
	[tilespmem:s28+$0x20] =	vst v9;
	v7 =	vld [tilespmem:s28+$0x30];
	v9 =	vmul.f32 $8.000000000e+00, v13  }
0xd8: {  	[tilespmem:s28+$0x0] =	vst v8  }
0xd9: {  	[tilespmem:s28+$0x10] =	vst v1  }
0xda: {  	v6 =	vmul.f32 $8.000000000e+00, v6;
	[tilespmem:s28+$0x50] =	vst v9  }
0xdb: {  	v0 =	vmul.f32 $8.000000000e+00, v0;
	[tilespmem:s28+$0xB0] =	vst v2  }
0xdc: {  	v3 =	vmul.f32 $8.000000000e+00, v3;
	[tilespmem:s28+$0xF0] =	vst v6  }
0xdd: {  	[tilespmem:s28+$0x90] =	vst v0;
	v62 =	vmul.f32 $8.000000000e+00, v4  }
.Ltmp6:
0xde: {  	[tilespmem:s28+$0x80] =	vst v3;
	v63 =	vmul.f32 $8.000000000e+00, v5;
	(pc) =	sbr.rel @p0 .LBB2_12-.Ltmp6, $4  }
0xdf: {  	v61 =	vmul.f32 $8.000000000e+00, v7;
	[tilespmem:s28+$0x70] =	vst v62  }
0xe0: {  	[tilespmem:s28+$0x60] =	vst v63  }
0xe1: {  	s1 =	sadd.s32 $0x400, s26;
	[tilespmem:s28+$0x30] =	vst v61  }
0xe2: {  	[hbm4b:s1+s4] =	stream.linear.scatter [tilespmem:s16], [sflag:$0x8], $0x1200, $0x38;
	[tilespmem:$0xE400] =	vst v63  }
0xe3: {  	s1 =	smul.u32 $0x640, s25  }
.Ltmp7:
0xe4: {  	_ = 	snop;
	(pc) =	sbr.rel .LBB2_2-.Ltmp7, $4  }
0xe5: {  	_ =	swait.ge [sflag:s22], $0x2000  }
0xe6: {  	[sflag:s22] =	ssyncset.done $0x0;
	s1 =	sshra.s32 s1, $0x2  }
0xe7: {  	s25 =	sadd.s32 $0x1, s25;
	[sflag:s22] =	ssyncadd.s32 $0xFFFFE000;
	s1 =	sadd.s32 $0x258, s1  }
0xe8: {  	[tilespmem:s14], [sflag:$0x3] =	stream.indirect.gather [hbm4b:s5+s9], $0x40, s1, s9, $0xb8;
	[tilespmem:$0xE400] =	vst v63  }
.LBB2_13:
0xe9: {  	_ =	sfence.sel $0x180000  }
0xea: {  	[bflag:$0x0] =	sbarrier.arrive $0xFFFF  }
0xeb: {  	_ =	strace $0x90000047  }
0xec: {  	[bflag:$0x2] =	sbarrier.arrive $0xFFFF  }
0xed: {  	p0 =	sne.s32 s0, $0x0;
	s0 =	rddreg [dreg:$0x2]  }
0xee: {  	s0 =	sadd.s32 @!p0 $0x100000, s0  }
0xef: {  	[sflag:s0] =	ssyncadd.tile.s32 @!p0 $0x1;
	_ =	shalt  }
.Lfunc_end2:
_tile_overlayer_lowered:
.L_overlay_start_2:
0xf0: {  	(tag) =	ssettag $0x2  }
0xf1: {  	s0 =	rddreg [dreg:$0x0];
	s2 =	stileid.u32  }
0xf2: {  	s1 =	rddreg [dreg:$0x1];
	p0 =	sne.s32 s2, $0x0  }
0xf3: {  	s3 =	rddreg [dreg:$0x2];
	[bflag:$0x3] =	sbarrier.arrive $0xFFFF;
	s2 =	simm.s32 @!p0 $0x1C09  }
0xf4: {  	[timem:s3], [sflag:s2] =	dma.local @!p0 [hbm:s0], s1  }
0xf5: {  	s0 =	simm.s32 @!p0 $0x9  }
0xf6: {  	_ =	swait.ge @!p0 [sflag:s0], s1  }
0xf7: {  	s1 =	ssub.s32 @!p0 $0x0, s1;
	[sflag:s0] =	ssyncset.done @!p0 $0x0  }
0xf8: {  	[sflag:s0] =	ssyncadd.s32 @!p0 s1  }
0xf9: {  	[bflag:$0x3] =	sbarrier.arrive $0xFFFF  }
0xfa: {  	_ =	shalt  }

// kernel: sparse-core-data-format-call.cloned.1.call-start
scs
called_computation_lowered:
.L_overlay_start_0:
0x0: {  	s2 =	sld [smem:$0x3FD9]  }
0x1: {  	s3 =	sld [smem:$0x3FFE];
	_ =	sdelay $0x1  }
0x2: {  	s1 =	srdreg.scid  }
0x3: {  	s0 =	sand.u32 $0x1, s1  }
0x4: {  	s18 =	sshll.u32 s0, $0xA;
	s2 =	sadd.s32 s3, s2  }
0x5: {  	s2 =	sadd.s32 s2, s18  }
0x6: {  	[smem:$0x3FC6] =	sst s2  }
0x7: {  	_ = 	snop  }
0x8: {  	s2 =	sld [smem:$0x3FD0];
	(tm) =	ssettm $0x1  }
0x9: {  	s19 =	sld [smem:$0x3FFB];
	_ =	sdelay $0x3  }
0xa: {  	_ =	strace s19  }
0xb: {  	s3 =	sld [smem:$0x3FFC];
	_ =	sdelay $0x3  }
0xc: {  	_ =	strace s3  }
0xd: {  	s3 =	sld [smem:$0x3FFD];
	_ =	sdelay $0x3  }
0xe: {  	_ =	strace s3  }
0xf: {  	_ =	strace $0x8FFFFFFF  }
0x10: {  	s20 =	sld [smem:$0x3FDB];
	_ =	sdelay $0x1  }
0x11: {  	s4 =	simm.s32 $_scs_section_size  }
0x12: {  	s5 =	simm.s32 $_size__tile_overlayer_lowered;
	s6 =	simm.s32 $_tile_overlayer_lowered  }
0x13: {  	s23 =	simm.s32 $0x1BFF;
	s22 =	sshll.u32 s6, $0x1;
	s3 =	sadd.s32 s4, s20  }
0x14: {  	s7 =	simm.s32 $0x0;
	s21 =	sshll.u32 s5, $0x1;
	s5 =	sadd.s32 s22, s3  }
0x15: {  	[timem:s7], [sflag:s23] =	dma.local [hbm:s5], s21  }
0x16: {  	_ =	swait.ge [sflag:s23], s21  }
0x17: {  	s4 =	ssub.s32 $0x0, s21;
	[sflag:s23] =	ssyncset.done $0x0  }
0x18: {  	[sflag:s23] =	ssyncadd.s32 s4;
	_ =	sdelay $0x1  }
0x19: {  	s24 =	simm.s32 $0x1B8B  }
0x1a: {  	_ =	swait.ge [sflag:s24], $0x1  }
0x1b: {  	[sflag:s24] =	ssyncset.done $0x0  }
0x1c: {  	s26 =	simm.s32 $0x1B8E;
	s25 =	sld [smem:$0x3FFE];
	[sflag:s24] =	ssyncadd.s32 $0xFFFFFFFF  }
0x1d: {  	s27 =	simm.s32 $execute0_lowered;
	[smem:$0x3FD2] =	sst s26  }
0x1e: {  	s5 =	sshll.u32 s27, $0x1;
	_ =	strace $0x80000049;
	[dreg:$0x1] =	wrdreg $0xFFFFFFFF  }
0x1f: {  	s28 =	simm.s32 $_size_execute0_lowered;
	s3 =	sadd.s32 s3, s5;
	[dreg:$0x0] =	wrdreg $0x0  }
0x20: {  	s5 =	sshll.u32 s28, $0x1;
	[dreg:$0x2] =	wrdreg s3  }
0x21: {  	[dreg:$0x3] =	wrdreg s5  }
0x22: {  	[dreg:$0x4] =	wrdreg $0xC0  }
0x23: {  	_ =	task [dreg:s7], $0x5FFFF  }
0x24: {  	[dreg:$0x1] =	wrdreg $0xFFFFFFFF  }
0x25: {  	[dreg:$0x0] =	wrdreg $0x60  }
0x26: {  	[dreg:$0x2] =	wrdreg s25  }
0x27: {  	[dreg:$0x3] =	wrdreg s2  }
0x28: {  	[dreg:$0x4] =	wrdreg $0x9  }
0x29: {  	_ =	task.clear_ibuf [dreg:s7], $0x5FFFF;
	_ =	strace $0x90000049  }
0x2a: {  	s29 =	simm.s32 $0x9;
	_ =	strace $0x8000004B  }
0x2b: {  	_ =	swait.ge [sflag:s29], $0x1  }
0x2c: {  	[sflag:s29] =	ssyncadd.s32 $0xFFFFFFFF  }
0x2d: {  	_ =	strace $0x9000004B  }
0x2e: {  	_ =	sfence  }
0x2f: {  	s30 =	sld [smem:$0x0];
	_ =	sdelay $0x2  }
0x30: {  	s31 =	sshll.u32 s1, $0xD;
	s1 =	sshrl.u32 s1, $0x2  }
0x31: {  	s3 =	sand.u32 $0x4000, s31;
	s1 =	sadd.s32 s1, s30  }
0x32: {  	s0 =	sor.u32 s3, s0;
	s1 =	sshll.u32 s1, $0x11  }
0x33: {  	s0 =	sor.u32 s1, s0  }
0x34: {  	s0 =	sadd.s32 $0x8F2B, s0  }
0x35: {  	[sflag:s0] =	ssyncadd.remote.s32 $0x1  }
0x36: {  	_ =	sfence.sel $0xFFFF  }
0x37: {  	[dreg:$0x0] =	wrdreg $0xFFFFFFFF;
	(pc) =	sbr.abs _section_cstart, $3  }
0x38: {  	[dreg:$0x1] =	wrdreg $0xFFFFFFFF  }
0x39: {  	_ =	task.clear_ibuf [dreg:s7], $0x2FFFF;
	_ =	strace $0x9FFFFFFF  }
0x3a: {  	(tm) =	ssettm $0x7FFFFFFF  }
0x3b: {  	_ =	shalt  }
tec
execute0_lowered:
.L_overlay_start_1:
0x0: {  	(tag) =	ssettag $0x1  }
0x1: {  	s0 =	srdreg.scid  }
0x2: {  	s1 =	sshll.u32 s0, $0x4  }
0x3: {  	s0 =	stileid.u32;
	s1 =	sand.u32 $0x10, s1  }
0x4: {  	s1 =	sor.u32 s0, s1  }
0x5: {  	s6 =	rddreg [dreg:$0x0];
	s4 =	simm.s32 $0x1;
	s2 =	sshll.u32 s1, $0x7  }
0x6: {  	s7 =	simm.s32 $0x2;
	s12 =	simm.s32 $0x0;
	s1 =	ssub.s32 $0x1000, s2  }
0x7: {  	s8 =	simm.s32 $0x8000;
	s13 =	simm.s32 $0x0;
	s3 =	sand.u32 $0xF80, s1  }
0x8: {  	s9 =	simm.s32 $0x0;
	s5 =	sshrl.u32 s1, $0xC;
	p0 =	sne.s32 s3, $0x0  }
.Ltmp0:
0x9: {  	s1 =	rddreg [dreg:$0x2];
	s4 =	simm.s32 @!p0 $0x0;
	(pc) =	sbr.rel .LBB1_1-.Ltmp0, $4  }
0xa: {  	s11 =	simm.s32 $0x0;
	s3 =	rddreg [dreg:$0x1];
	s5 =	sadd.s32 s4, s5  }
0xb: {  	_ =	strace $0x8000004A;
	s4 =	simm.s32 $0x1;
	s5 =	smul.u32 $0xC8, s5  }
0xc: {  	s6 =	sadd.s32 $0xA00, s6;
	s10 =	smov.u32 s2;
	[sflag:s4] =	ssyncpa.u1 $0x0  }
0xd: {  	p0 =	por $0x0, $0x0;
	[sflag:s7] =	ssyncpa.u1 $0x0;
	s7 =	sor.u32 $0x1, s5  }
.LBB1_4:
0xe: {  	s16 =	sshll.u32 s13, $0x3;
	s17 =	sand.u32 $0x78, s13  }
0xf: {  	s30 =	sand.u32 $0x7E00, s13;
	s12 =	sshll.u32 s12, $0xF;
	s16 =	sand.u32 $0xC00, s16  }
0x10: {  	[tilespmem:s15+$0x810 ss:$0x81] =	vst.msk $0xffff, v2;
	s31 =	sand.u32 $0x7, s13;
	s16 =	sor.u32 s17, s16;
	s17 =	sadd.s32 s3, s30  }
0x11: {  	[tilespmem:s15+$0x1020 ss:$0x81] =	vst.msk $0xffff, v0;
	s13 =	sshll.u32 s31, $0x12;
	s12 =	sadd.s32 s12, s17;
	s16 =	sshrl.u32 s16, $0x3  }
0x12: {  	[tilespmem:s15+$0x0 ss:$0x81] =	vst.msk $0xffff, v1;
	s13 =	sor.u32 $0x400, s13;
	s12 =	sadd.s32 s16, s12  }
0x13: {  	[hbm4b:s12+s13] =	stream.strided.scatter [tilespmem:s14], [sflag:$0x2], $0x2000, s8, s13, $0x20;
	[tilespmem:$0x8080] =	vst v63  }
.LBB1_5:
0x14: {  	s14 =	sadd.s32 $0x1, s9  }
0x15: {  	s12 =	sadd.s32 $0x1000, s10;
	s16 =	smov.u32 s10;
	p2 =	sgt.s32 s14, $0xC7  }
0x16: {  	s16 =	smov.u32 @p2 s12  }
0x17: {  	s14 =	simm.s32 @p2 $0x0;
	p2 =	sgt.s32 s16, $0xFFF  }
0x18: {  	s16 =	smov.u32 @p2 s2;
	p2 =	sne.s32 s11, s7  }
.Ltmp1:
0x19: {  	p1 =	slt.u32 s11, $0x2;
	(pc) =	sbr.rel @!p2 .LBB1_6-.Ltmp1, $4  }
0x1a: {  	s15 =	simm.s32 @!p1 $0x2  }
0x1b: {  	s13 =	smov.u32 s10;
	p0 =	por !p0, !p0;
	_ =	swait.ge @!p1 [sflag:s15], $0x2000  }
0x1c: {  	s12 =	smov.u32 s9;
	[sflag:s15] =	ssyncset.done @!p1 $0x0;
	s9 =	smov.u32 s14  }
0x1d: {  	s11 =	sadd.s32 $0x1, s11;
	[sflag:s15] =	ssyncadd.s32 @!p1 $0xFFFFE000;
	s10 =	smov.u32 s16  }
.LBB1_1:
0x1e: {  	p1 =	sge.u32 s11, s5  }
0x1f: {  	s14 =	sand.u32 @!p1 $0x1FFFFFF, s9  }
0x20: {  	s15 =	smulhi.u32 @!p1 $0x147AE15, s14;
	_ =	sdelay $0x1  }
0x21: {  	s15 =	smul.u32 @!p1 $0xC8, s15  }
0x22: {  	s16 =	sxor.u32 @!p1 $0xFFFFFFFF, s11;
	s17 =	smul.u32 @!p1 $0xC80, s10  }
0x23: {  	s31 =	sadd.s32 $0xFFFFFFFF, s11;
	s16 =	sshll.u32 @!p1 s16, $0xD;
	s14 =	ssub.s32 @!p1 s14, s15  }
0x24: {  	s15 =	sand.u32 @!p1 $0x2000, s16;
	s16 =	sadd.s32 @!p1 s6, s17;
	s14 =	sshll.u32 @!p1 s14, $0x4  }
0x25: {  	s17 =	simm.s32 @!p1 $0x6400;
	s14 =	sadd.s32 @!p1 s14, s16;
	s16 =	simm.s32 @!p1 $0x40  }
0x26: {  	[tilespmem:s15], [sflag:$0x1] =	stream.strided.gather @!p1 [hbm4b:s14+s16], $0x2000, s17, s16, $0x38;
	[tilespmem:$0x8080] =	vst v63  }
0x27: {  	p1 =	sge.u32 s31, s5  }
.Ltmp2:
0x28: {  	_ = 	snop;
	(pc) =	sbr.rel @p1 .LBB1_5-.Ltmp2, $1  }
0x29: {  	_ =	sdelay $0x3  }
0x2a: {  	s14 =	simm.s32 $0x1  }
0x2b: {  	_ =	swait.ge [sflag:s4], $0x2000;
	s14 =	simm.s32 @!p0 $0x0  }
0x2c: {  	[sflag:s4] =	ssyncset.done $0x0;
	s15 =	sshll.u32 s14, $0xD  }
0x2d: {  	[sflag:s4] =	ssyncadd.s32 $0xFFFFE000;
	s18 =	sor.u32 $0x20, s15  }
0x2e: {  	s14 =	smul.u32 $0x8100, s14;
	v3 =	vld [tilespmem:s18+$0x10]  }
0x2f: {  	s30 =	sand.u32 $0x1, s11;
	v2 =	vld [tilespmem:s18+$0xFFFFFFF0]  }
0x30: {  	s15 =	smul.u32 $0x8100, s30;
	s14 =	sshrl.u32 s14, $0x2;
	v0 =	vld [tilespmem:s18+$0x0]  }
0x31: {  	v1 =	vld [tilespmem:s18+$0xFFFFFFE0];
	s16 =	sor.u32 $0x4000, s14  }
0x32: {  	s31 =	sshrl.u32 s15, $0x2;
	s15 =	sadd.s32 $0x0, s16  }
0x33: {  	s17 =	simm.s32 $0x4;
	s18 =	sadd.s32 $0x40, s18;
	s14 =	sor.u32 $0x4000, s31;
	[tilespmem:s15+$0x1830 ss:$0x81] =	vst.msk $0xffff, v3  }
.LBB1_3:
0x34: {  	v3 =	vld [tilespmem:s18+$0x10];
	p1 =	sne.s32 s17, $0x1FC;
	[tilespmem:s15+$0x810 ss:$0x81] =	vst.msk $0xffff, v2;
	s19 =	smov.u32 s17;
	s17 =	sadd.s32 $0x4, s17  }
.Ltmp3:
0x35: {  	v2 =	vld [tilespmem:s18+$0xFFFFFFF0];
	[tilespmem:s15+$0x1020 ss:$0x81] =	vst.msk $0xffff, v0;
	(pc) =	sbr.rel @p1 .LBB1_3-.Ltmp3, $4  }
0x36: {  	v0 =	vld [tilespmem:s18+$0x0];
	[tilespmem:s15+$0x0 ss:$0x81] =	vst.msk $0xffff, v1  }
0x37: {  	s15 =	sshra.s32 s19, $0x2;
	v1 =	vld [tilespmem:s18+$0xFFFFFFE0]  }
0x38: {  	s15 =	sadd.s32 s15, s16  }
0x39: {  	s18 =	sadd.s32 $0x40, s18;
	[tilespmem:s15+$0x1830 ss:$0x81] =	vst.msk $0xffff, v3  }
.Ltmp4:
0x3a: {  	_ = 	snop;
	(pc) =	sbr.rel .LBB1_4-.Ltmp4, $1  }
0x3b: {  	_ =	sdelay $0x3  }
.LBB1_6:
0x3c: {  	_ =	sfence.sel $0x180000  }
0x3d: {  	s2 =	simm.s32 $0x1;
	[bflag:$0x0] =	sbarrier.arrive $0xFFFF  }
0x3e: {  	s31 =	simm.s32 $0x2;
	[sflag:s2] =	ssyncpa.u1 $0x1  }
0x3f: {  	[sflag:s31] =	ssyncpa.u1 $0x1  }
0x40: {  	p0 =	sne.s32 s0, $0x0;
	_ =	strace $0x9000004A  }
0x41: {  	s0 =	sadd.s32 @!p0 $0x100000, s1;
	[bflag:$0x2] =	sbarrier.arrive $0xFFFF  }
0x42: {  	[sflag:s0] =	ssyncadd.tile.s32 @!p0 $0x1;
	_ =	shalt  }
.Lfunc_end1:
_tile_overlayer_lowered:
.L_overlay_start_2:
0x43: {  	(tag) =	ssettag $0x2  }
0x44: {  	s0 =	rddreg [dreg:$0x0];
	s2 =	stileid.u32  }
0x45: {  	s1 =	rddreg [dreg:$0x1];
	p0 =	sne.s32 s2, $0x0  }
0x46: {  	s3 =	rddreg [dreg:$0x2];
	[bflag:$0x3] =	sbarrier.arrive $0xFFFF;
	s2 =	simm.s32 @!p0 $0x1C01  }
0x47: {  	[timem:s3], [sflag:s2] =	dma.local @!p0 [hbm:s0], s1  }
0x48: {  	s0 =	simm.s32 @!p0 $0x1  }
0x49: {  	_ =	swait.ge @!p0 [sflag:s0], s1  }
0x4a: {  	s1 =	ssub.s32 @!p0 $0x0, s1;
	[sflag:s0] =	ssyncset.done @!p0 $0x0  }
0x4b: {  	[sflag:s0] =	ssyncadd.s32 @!p0 s1  }
0x4c: {  	[bflag:$0x3] =	sbarrier.arrive $0xFFFF  }
0x4d: {  	_ =	shalt  }

</sc_bundles>
